<compile_context>
chip_gen: v7x
topology: tpu7x:2x2x1
jax: 0.10.2.dev20260603
libtpu: 0.0.44.dev20260713+nightly
codegen_flags: <defaults>
</compile_context>

<pallas_src>
import jax
import jax.numpy as jnp
from jax import lax
from jax.experimental import pallas as pl
from jax.experimental.pallas import tpu as pltpu
from jax.experimental.pallas import tpu_sc as plsc

ROWS, COLS = 8192, 4096
NC, NS = 2, 16
NW = NC * NS
ROWS_W = ROWS // NW
CR = 8
CC = 2048
CSPLIT = COLS // CC
NCHUNK = (ROWS_W // CR) * CSPLIT
NQUAD = NCHUNK // 4
GROUPS = CC // 128

_MESH = plsc.VectorSubcoreMesh(core_axis_name="c", subcore_axis_name="s")


def _body(x_hbm, s_hbm, o_hbm, sb0, sb1, ob0, ob1, ob2, ob3,
          sin0, sin1, xin0, xin1, xin2, xin3, out0, out1, out2, out3):
    wid = lax.axis_index("s") * NC + lax.axis_index("c")
    r0w = wid * ROWS_W
    vec8 = lax.iota(jnp.int32, 16) * 8
    zero16 = jnp.zeros((16,), jnp.float32)
    sbs = (sb0, sb1)
    obs = (ob0, ob1, ob2, ob3)
    sins = (sin0, sin1)
    xins = (xin0, xin1, xin2, xin3)
    outs = (out0, out1, out2, out3)

    def slab(c):
        r0 = r0w + (c // CSPLIT) * CR
        c0 = (c % CSPLIT) * CC
        return (pl.ds(r0, CR), pl.ds(c0, CC))

    dummy = (pl.ds(0, CR), pl.ds(0, CC))

    def start_s(c, b2):
        pltpu.async_copy(s_hbm.at[slab(c)], sbs[b2], sins[b2])

    def wait_s(b2):
        pltpu.make_async_copy(s_hbm.at[dummy], sbs[b2], sins[b2]).wait()

    def start_x(c, b4):
        pltpu.async_copy(x_hbm.at[slab(c)], obs[b4], xins[b4])

    def wait_x(b4):
        pltpu.make_async_copy(x_hbm.at[dummy], obs[b4], xins[b4]).wait()

    def start_out(c, b4):
        pltpu.async_copy(obs[b4], o_hbm.at[slab(c)], outs[b4])

    def wait_out(b4):
        pltpu.make_async_copy(obs[b4], o_hbm.at[dummy], outs[b4]).wait()

    def compute(b2, b4):
        sbuf, obuf = sbs[b2], obs[b4]

        @pl.loop(0, CR)
        def _row(rr):
            rowv = jnp.full((16,), rr, jnp.int32)

            @pl.loop(0, GROUPS)
            def _grp(gi):
                g0 = gi * 128
                idx = [vec8 + (g0 + p) for p in range(8)]
                s = [plsc.load_gather(sbuf, [rowv, idx[p]]) for p in range(8)]
                S = [jnp.zeros((16,), jnp.int32) for _ in range(8)]
                for p in range(8):
                    for q in range(p + 1, 8):
                        u = jnp.where(s[p] <= s[q], 1, -1)
                        S[q] = S[q] + u
                        S[p] = S[p] - u
                for p in range(8):
                    drop = S[p] < 0
                    plsc.store_scatter(obuf, [rowv, idx[p]], zero16,
                                       mask=drop)

    start_s(0, 0)
    start_s(1, 1)
    start_x(0, 0)
    start_x(1, 1)

    @pl.loop(0, NQUAD)
    def _quad(qi):
        for u in range(4):
            c = qi * 4 + u
            b2 = u % 2
            b4 = u
            wait_s(b2)
            wait_x(b4)
            compute(b2, b4)
            start_out(c, b4)

            @pl.when(c + 2 <= NCHUNK - 1)
            def _():
                start_s(c + 2, b2)

                @pl.when(c >= 2)
                def _():
                    wait_out((u + 2) % 4)

                start_x(c + 2, (u + 2) % 4)

    wait_out(0)
    wait_out(1)
    wait_out(2)
    wait_out(3)


@jax.jit
def _run(x, s):
    return pl.kernel(
        _body,
        out_type=jax.ShapeDtypeStruct((ROWS, COLS), jnp.float32),
        mesh=_MESH,
        scratch_types=[
            pltpu.VMEM((CR, CC), jnp.float32),
            pltpu.VMEM((CR, CC), jnp.float32),
            pltpu.VMEM((CR, CC), jnp.float32),
            pltpu.VMEM((CR, CC), jnp.float32),
            pltpu.VMEM((CR, CC), jnp.float32),
            pltpu.VMEM((CR, CC), jnp.float32),
            pltpu.SemaphoreType.DMA,
            pltpu.SemaphoreType.DMA,
            pltpu.SemaphoreType.DMA,
            pltpu.SemaphoreType.DMA,
            pltpu.SemaphoreType.DMA,
            pltpu.SemaphoreType.DMA,
            pltpu.SemaphoreType.DMA,
            pltpu.SemaphoreType.DMA,
            pltpu.SemaphoreType.DMA,
            pltpu.SemaphoreType.DMA,
        ],
        compiler_params=pltpu.CompilerParams(
            needs_layout_passes=False, use_tc_tiling_on_sc=True),
    )(x, s)


def kernel(x, score):
    return _run(x, score)

# --- scband reference (transcript-rebuilt; emitter-appended) ---
"""Pipeline reference for scband-sparsify-111669149795 (READ-ONLY COPY).

The authoritative reference and input builder live on the scoring server;
editing this copy changes nothing except your own understanding.
"""

import jax, jax.numpy as jnp
import numpy as np

K = 4
BLOCK_SIZE = 8


def setup_inputs(seed: int = 0) -> dict:
    key = jax.random.key(seed)
    k1, k2 = jax.random.split(key)
    x = jax.random.normal(k1, (8192, 4096), dtype=jnp.float32)
    # learned score parameter, initialized like torch.rand (uniform [0,1))
    score = jax.random.uniform(k2, (8192, 4096), dtype=jnp.float32)
    return {"x": x, "score": score}


def _block_topk_mask(score):
    # BlockTopK: K=4 nonzeros out of block_size=8 along last dim (block_dim=-1)
    orig_shape = score.shape
    blocks = score.reshape(-1, BLOCK_SIZE)
    n_blocks = blocks.shape[0]
    # argsort ascending; zero out the smallest (block_size - K) entries per block
    idx = jnp.argsort(blocks, axis=1)[:, : BLOCK_SIZE - K]
    mask = jnp.ones_like(blocks)
    rows = jnp.arange(n_blocks)[:, None]
    mask = mask.at[rows, idx].set(0.0)
    return mask.reshape(orig_shape)


def reference(x, score):
    # Sparsify.forward with BlockTopK sparseness: recompute mask from score, apply to x
    mask = _block_topk_mask(score)
    return x * mask

if __name__ == "__main__":
    import jax
    _d = setup_inputs()
    print(jax.jit(kernel)(*tuple(_d.values())))

</pallas_src>

<mosaic_0001>
#map = affine_map<(d0, d1) -> (0, 0)>
module attributes {stable_mosaic.version = 14 : i64} {
  func.func @_body(%arg0: i32, %arg1: i32, %arg2: memref<8192x4096xf32, #tpu.memory_space<hbm>>, %arg3: memref<8192x4096xf32, #tpu.memory_space<hbm>>, %arg4: memref<8192x4096xf32, #tpu.memory_space<hbm>>, %arg5: memref<8x2048xf32, #tpu.memory_space<vmem>>, %arg6: memref<8x2048xf32, #tpu.memory_space<vmem>>, %arg7: memref<8x2048xf32, #tpu.memory_space<vmem>>, %arg8: memref<8x2048xf32, #tpu.memory_space<vmem>>, %arg9: memref<8x2048xf32, #tpu.memory_space<vmem>>, %arg10: memref<8x2048xf32, #tpu.memory_space<vmem>>, %arg11: memref<!tpu.dma_semaphore, #tpu.memory_space<semaphore_mem>>, %arg12: memref<!tpu.dma_semaphore, #tpu.memory_space<semaphore_mem>>, %arg13: memref<!tpu.dma_semaphore, #tpu.memory_space<semaphore_mem>>, %arg14: memref<!tpu.dma_semaphore, #tpu.memory_space<semaphore_mem>>, %arg15: memref<!tpu.dma_semaphore, #tpu.memory_space<semaphore_mem>>, %arg16: memref<!tpu.dma_semaphore, #tpu.memory_space<semaphore_mem>>, %arg17: memref<!tpu.dma_semaphore, #tpu.memory_space<semaphore_mem>>, %arg18: memref<!tpu.dma_semaphore, #tpu.memory_space<semaphore_mem>>, %arg19: memref<!tpu.dma_semaphore, #tpu.memory_space<semaphore_mem>>, %arg20: memref<!tpu.dma_semaphore, #tpu.memory_space<semaphore_mem>>) attributes {dimension_semantics = [#tpu.dimension_semantics<core_parallel>, #tpu.dimension_semantics<subcore_parallel>], iteration_bounds = array<i64: 2, 16>, scalar_prefetch = 0 : i64, scratch_operands = 16 : i64, tpu.core_type = #tpu.core_type<sc_vector_subcore>, window_params = [{transform_indices = #map}, {transform_indices = #map}, {transform_indices = #map}]} {
    %mul3A = arith.constant 2 : i32
    %mul3A_0 = arith.muli %arg1, %mul3A : i32
    %add3A = arith.addi %mul3A_0, %arg0 : i32
    %mul3A_1 = arith.constant 256 : i32
    %mul3A_2 = arith.muli %add3A, %mul3A_1 : i32
    %iota3A = tpu.iota {dimensions = array<i32: 0>} : vector<16xi32>
    %mul3A_3 = arith.constant 8 : i32
    %mul3A_4 = vector.broadcast %mul3A_3 : i32 to vector<16xi32>
    %mul3A_5 = arith.muli %iota3A, %mul3A_4 : vector<16xi32>
    %broadcast_in_dim3A = arith.constant 0.000000e+00 : f32
    %broadcast_in_dim3A_6 = vector.broadcast %broadcast_in_dim3A : f32 to vector<16xf32>
    %add3A_7 = arith.constant 0 : i32
    %add3A_8 = arith.addi %mul3A_2, %add3A_7 : i32
    %dma_start3A = arith.constant 0 : i32
    %dma_start3A_9 = tpu.memref_slice %arg3[%add3A_8, %dma_start3A] : memref<8192x4096xf32, #tpu.memory_space<hbm>> -> memref<8x2048xf32, #tpu.memory_space<hbm>>
    %dma_start3A_10 = arith.constant 0 : i32
    %dma_start3A_11 = tpu.memref_slice %arg3[%add3A_8, %dma_start3A_10] : memref<8192x4096xf32, #tpu.memory_space<hbm>> -> memref<8x2048xf32, #tpu.memory_space<hbm>>
    tpu.enqueue_dma source(%dma_start3A_11 : memref<8x2048xf32, #tpu.memory_space<hbm>>) target(%arg5 : memref<8x2048xf32, #tpu.memory_space<vmem>>) target_semaphore(%arg11 : memref<!tpu.dma_semaphore, #tpu.memory_space<semaphore_mem>>)
    %add3A_12 = arith.constant 0 : i32
    %add3A_13 = arith.addi %mul3A_2, %add3A_12 : i32
    %dma_start3A_14 = arith.constant 2048 : i32
    %dma_start3A_15 = tpu.memref_slice %arg3[%add3A_13, %dma_start3A_14] : memref<8192x4096xf32, #tpu.memory_space<hbm>> -> memref<8x2048xf32, #tpu.memory_space<hbm>>
    %dma_start3A_16 = arith.constant 2048 : i32
    %dma_start3A_17 = tpu.memref_slice %arg3[%add3A_13, %dma_start3A_16] : memref<8192x4096xf32, #tpu.memory_space<hbm>> -> memref<8x2048xf32, #tpu.memory_space<hbm>>
    tpu.enqueue_dma source(%dma_start3A_17 : memref<8x2048xf32, #tpu.memory_space<hbm>>) target(%arg6 : memref<8x2048xf32, #tpu.memory_space<vmem>>) target_semaphore(%arg12 : memref<!tpu.dma_semaphore, #tpu.memory_space<semaphore_mem>>)
    %add3A_18 = arith.constant 0 : i32
    %add3A_19 = arith.addi %mul3A_2, %add3A_18 : i32
    %dma_start3A_20 = arith.constant 0 : i32
    %dma_start3A_21 = tpu.memref_slice %arg2[%add3A_19, %dma_start3A_20] : memref<8192x4096xf32, #tpu.memory_space<hbm>> -> memref<8x2048xf32, #tpu.memory_space<hbm>>
    %dma_start3A_22 = arith.constant 0 : i32
    %dma_start3A_23 = tpu.memref_slice %arg2[%add3A_19, %dma_start3A_22] : memref<8192x4096xf32, #tpu.memory_space<hbm>> -> memref<8x2048xf32, #tpu.memory_space<hbm>>
    tpu.enqueue_dma source(%dma_start3A_23 : memref<8x2048xf32, #tpu.memory_space<hbm>>) target(%arg7 : memref<8x2048xf32, #tpu.memory_space<vmem>>) target_semaphore(%arg13 : memref<!tpu.dma_semaphore, #tpu.memory_space<semaphore_mem>>)
    %add3A_24 = arith.constant 0 : i32
    %add3A_25 = arith.addi %mul3A_2, %add3A_24 : i32
    %dma_start3A_26 = arith.constant 2048 : i32
    %dma_start3A_27 = tpu.memref_slice %arg2[%add3A_25, %dma_start3A_26] : memref<8192x4096xf32, #tpu.memory_space<hbm>> -> memref<8x2048xf32, #tpu.memory_space<hbm>>
    %dma_start3A_28 = arith.constant 2048 : i32
    %dma_start3A_29 = tpu.memref_slice %arg2[%add3A_25, %dma_start3A_28] : memref<8192x4096xf32, #tpu.memory_space<hbm>> -> memref<8x2048xf32, #tpu.memory_space<hbm>>
    tpu.enqueue_dma source(%dma_start3A_29 : memref<8x2048xf32, #tpu.memory_space<hbm>>) target(%arg8 : memref<8x2048xf32, #tpu.memory_space<vmem>>) target_semaphore(%arg14 : memref<!tpu.dma_semaphore, #tpu.memory_space<semaphore_mem>>)
    %scan3A = arith.constant 0 : i32
    %scan3A_30 = arith.constant 16 : i32
    %scan3A_31 = arith.addi %scan3A, %scan3A_30 : i32
    %scan3A_32 = arith.constant 1 : i32
    scf.for %scan3A_57 = %scan3A to %scan3A_31 step %scan3A_32  : i32 {
      %mul3A_58 = arith.constant 1 : i32
      %mul3A_59 = arith.muli %scan3A_57, %mul3A_58 : i32
      %add3A_60 = arith.constant 0 : i32
      %add3A_61 = arith.addi %add3A_60, %mul3A_59 : i32
      %mul3A_62 = arith.constant 4 : i32
      %mul3A_63 = arith.muli %add3A_61, %mul3A_62 : i32
      %add3A_64 = arith.constant 0 : i32
      %add3A_65 = arith.addi %mul3A_63, %add3A_64 : i32
      %dma_wait3A_66 = arith.constant 0 : i32
      %dma_wait3A_67 = arith.constant 0 : i32
      %dma_wait3A_68 = tpu.memref_slice %arg3[%dma_wait3A_66, %dma_wait3A_67] : memref<8192x4096xf32, #tpu.memory_space<hbm>> -> memref<8x2048xf32, #tpu.memory_space<hbm>>
      %dma_wait3A_69 = arith.constant 0 : i32
      %dma_wait3A_70 = arith.constant 0 : i32
      %dma_wait3A_71 = tpu.memref_slice %arg3[%dma_wait3A_69, %dma_wait3A_70] : memref<8192x4096xf32, #tpu.memory_space<hbm>> -> memref<8x2048xf32, #tpu.memory_space<hbm>>
      tpu.wait_dma2 semaphore(%arg11 : memref<!tpu.dma_semaphore, #tpu.memory_space<semaphore_mem>>) src(%dma_wait3A_71 : memref<8x2048xf32, #tpu.memory_space<hbm>>) dst(%arg5 : memref<8x2048xf32, #tpu.memory_space<vmem>>)
      %dma_wait3A_72 = arith.constant 0 : i32
      %dma_wait3A_73 = arith.constant 0 : i32
      %dma_wait3A_74 = tpu.memref_slice %arg2[%dma_wait3A_72, %dma_wait3A_73] : memref<8192x4096xf32, #tpu.memory_space<hbm>> -> memref<8x2048xf32, #tpu.memory_space<hbm>>
      %dma_wait3A_75 = arith.constant 0 : i32
      %dma_wait3A_76 = arith.constant 0 : i32
      %dma_wait3A_77 = tpu.memref_slice %arg2[%dma_wait3A_75, %dma_wait3A_76] : memref<8192x4096xf32, #tpu.memory_space<hbm>> -> memref<8x2048xf32, #tpu.memory_space<hbm>>
      tpu.wait_dma2 semaphore(%arg13 : memref<!tpu.dma_semaphore, #tpu.memory_space<semaphore_mem>>) src(%dma_wait3A_77 : memref<8x2048xf32, #tpu.memory_space<hbm>>) dst(%arg7 : memref<8x2048xf32, #tpu.memory_space<vmem>>)
      %scan3A_78 = arith.constant 0 : i32
      %scan3A_79 = arith.constant 8 : i32
      %scan3A_80 = arith.addi %scan3A_78, %scan3A_79 : i32
      %scan3A_81 = arith.constant 1 : i32
      scf.for %scan3A_349 = %scan3A_78 to %scan3A_80 step %scan3A_81  : i32 {
        %mul3A_350 = arith.constant 1 : i32
        %mul3A_351 = arith.muli %scan3A_349, %mul3A_350 : i32
        %add3A_352 = arith.constant 0 : i32
        %add3A_353 = arith.addi %add3A_352, %mul3A_351 : i32
        %broadcast_in_dim3A_354 = vector.broadcast %add3A_353 : i32 to vector<16xi32>
        %scan3A_355 = arith.constant 0 : i32
        %scan3A_356 = arith.constant 16 : i32
        %scan3A_357 = arith.addi %scan3A_355, %scan3A_356 : i32
        %scan3A_358 = arith.constant 1 : i32
        scf.for %scan3A_360 = %scan3A_355 to %scan3A_357 step %scan3A_358  : i32 {
          %mul3A_361 = arith.constant 1 : i32
          %mul3A_362 = arith.muli %scan3A_360, %mul3A_361 : i32
          %add3A_363 = arith.constant 0 : i32
          %add3A_364 = arith.addi %add3A_363, %mul3A_362 : i32
          %mul3A_365 = arith.constant 128 : i32
          %mul3A_366 = arith.muli %add3A_364, %mul3A_365 : i32
          %add3A_367 = arith.constant 0 : i32
          %add3A_368 = arith.addi %mul3A_366, %add3A_367 : i32
          %add3A_369 = vector.broadcast %add3A_368 : i32 to vector<16xi32>
          %add3A_370 = arith.addi %mul3A_5, %add3A_369 : vector<16xi32>
          %add3A_371 = arith.constant 1 : i32
          %add3A_372 = arith.addi %mul3A_366, %add3A_371 : i32
          %add3A_373 = vector.broadcast %add3A_372 : i32 to vector<16xi32>
          %add3A_374 = arith.addi %mul3A_5, %add3A_373 : vector<16xi32>
          %add3A_375 = arith.constant 2 : i32
          %add3A_376 = arith.addi %mul3A_366, %add3A_375 : i32
          %add3A_377 = vector.broadcast %add3A_376 : i32 to vector<16xi32>
          %add3A_378 = arith.addi %mul3A_5, %add3A_377 : vector<16xi32>
          %add3A_379 = arith.constant 3 : i32
          %add3A_380 = arith.addi %mul3A_366, %add3A_379 : i32
          %add3A_381 = vector.broadcast %add3A_380 : i32 to vector<16xi32>
          %add3A_382 = arith.addi %mul3A_5, %add3A_381 : vector<16xi32>
          %add3A_383 = arith.constant 4 : i32
          %add3A_384 = arith.addi %mul3A_366, %add3A_383 : i32
          %add3A_385 = vector.broadcast %add3A_384 : i32 to vector<16xi32>
          %add3A_386 = arith.addi %mul3A_5, %add3A_385 : vector<16xi32>
          %add3A_387 = arith.constant 5 : i32
          %add3A_388 = arith.addi %mul3A_366, %add3A_387 : i32
          %add3A_389 = vector.broadcast %add3A_388 : i32 to vector<16xi32>
          %add3A_390 = arith.addi %mul3A_5, %add3A_389 : vector<16xi32>
          %add3A_391 = arith.constant 6 : i32
          %add3A_392 = arith.addi %mul3A_366, %add3A_391 : i32
          %add3A_393 = vector.broadcast %add3A_392 : i32 to vector<16xi32>
          %add3A_394 = arith.addi %mul3A_5, %add3A_393 : vector<16xi32>
          %add3A_395 = arith.constant 7 : i32
          %add3A_396 = arith.addi %mul3A_366, %add3A_395 : i32
          %add3A_397 = vector.broadcast %add3A_396 : i32 to vector<16xi32>
          %add3A_398 = arith.addi %mul3A_5, %add3A_397 : vector<16xi32>
          %gather3A = tpu.vector_load_idx %arg5[%broadcast_in_dim3A_354, %add3A_370] : memref<8x2048xf32, #tpu.memory_space<vmem>>[vector<16xi32>, vector<16xi32>], vector<16xf32>,
          %gather3A_399 = tpu.vector_load_idx %arg5[%broadcast_in_dim3A_354, %add3A_374] : memref<8x2048xf32, #tpu.memory_space<vmem>>[vector<16xi32>, vector<16xi32>], vector<16xf32>,
          %gather3A_400 = tpu.vector_load_idx %arg5[%broadcast_in_dim3A_354, %add3A_378] : memref<8x2048xf32, #tpu.memory_space<vmem>>[vector<16xi32>, vector<16xi32>], vector<16xf32>,
          %gather3A_401 = tpu.vector_load_idx %arg5[%broadcast_in_dim3A_354, %add3A_382] : memref<8x2048xf32, #tpu.memory_space<vmem>>[vector<16xi32>, vector<16xi32>], vector<16xf32>,
          %gather3A_402 = tpu.vector_load_idx %arg5[%broadcast_in_dim3A_354, %add3A_386] : memref<8x2048xf32, #tpu.memory_space<vmem>>[vector<16xi32>, vector<16xi32>], vector<16xf32>,
          %gather3A_403 = tpu.vector_load_idx %arg5[%broadcast_in_dim3A_354, %add3A_390] : memref<8x2048xf32, #tpu.memory_space<vmem>>[vector<16xi32>, vector<16xi32>], vector<16xf32>,
          %gather3A_404 = tpu.vector_load_idx %arg5[%broadcast_in_dim3A_354, %add3A_394] : memref<8x2048xf32, #tpu.memory_space<vmem>>[vector<16xi32>, vector<16xi32>], vector<16xf32>,
          %gather3A_405 = tpu.vector_load_idx %arg5[%broadcast_in_dim3A_354, %add3A_398] : memref<8x2048xf32, #tpu.memory_space<vmem>>[vector<16xi32>, vector<16xi32>], vector<16xf32>,
          %broadcast_in_dim3A_406 = arith.constant 0 : i32
          %broadcast_in_dim3A_407 = vector.broadcast %broadcast_in_dim3A_406 : i32 to vector<16xi32>
          %broadcast_in_dim3A_408 = arith.constant 0 : i32
          %broadcast_in_dim3A_409 = vector.broadcast %broadcast_in_dim3A_408 : i32 to vector<16xi32>
          %broadcast_in_dim3A_410 = arith.constant 0 : i32
          %broadcast_in_dim3A_411 = vector.broadcast %broadcast_in_dim3A_410 : i32 to vector<16xi32>
          %broadcast_in_dim3A_412 = arith.constant 0 : i32
          %broadcast_in_dim3A_413 = vector.broadcast %broadcast_in_dim3A_412 : i32 to vector<16xi32>
          %broadcast_in_dim3A_414 = arith.constant 0 : i32
          %broadcast_in_dim3A_415 = vector.broadcast %broadcast_in_dim3A_414 : i32 to vector<16xi32>
          %broadcast_in_dim3A_416 = arith.constant 0 : i32
          %broadcast_in_dim3A_417 = vector.broadcast %broadcast_in_dim3A_416 : i32 to vector<16xi32>
          %broadcast_in_dim3A_418 = arith.constant 0 : i32
          %broadcast_in_dim3A_419 = vector.broadcast %broadcast_in_dim3A_418 : i32 to vector<16xi32>
          %broadcast_in_dim3A_420 = arith.constant 0 : i32
          %broadcast_in_dim3A_421 = vector.broadcast %broadcast_in_dim3A_420 : i32 to vector<16xi32>
          %le3A_422 = arith.cmpf ole, %gather3A, %gather3A_399 : vector<16xf32>
          %jit3A_423 = arith.constant 1 : i32
          %jit3A_424 = arith.constant -1 : i32
          %broadcast_in_dim3A_425 = vector.broadcast %jit3A_423 : i32 to vector<16xi32>
          %broadcast_in_dim3A_426 = vector.broadcast %jit3A_424 : i32 to vector<16xi32>
          %select_n3A_427 = arith.select %le3A_422, %broadcast_in_dim3A_425, %broadcast_in_dim3A_426 : vector<16xi1>, vector<16xi32>
          %add3A_428 = arith.addi %broadcast_in_dim3A_409, %select_n3A_427 : vector<16xi32>
          %sub3A_429 = arith.subi %broadcast_in_dim3A_407, %select_n3A_427 : vector<16xi32>
          %le3A_430 = arith.cmpf ole, %gather3A, %gather3A_400 : vector<16xf32>
          %jit3A_431 = arith.constant 1 : i32
          %jit3A_432 = arith.constant -1 : i32
          %broadcast_in_dim3A_433 = vector.broadcast %jit3A_431 : i32 to vector<16xi32>
          %broadcast_in_dim3A_434 = vector.broadcast %jit3A_432 : i32 to vector<16xi32>
          %select_n3A_435 = arith.select %le3A_430, %broadcast_in_dim3A_433, %broadcast_in_dim3A_434 : vector<16xi1>, vector<16xi32>
          %add3A_436 = arith.addi %broadcast_in_dim3A_411, %select_n3A_435 : vector<16xi32>
          %sub3A_437 = arith.subi %sub3A_429, %select_n3A_435 : vector<16xi32>
          %le3A_438 = arith.cmpf ole, %gather3A, %gather3A_401 : vector<16xf32>
          %jit3A_439 = arith.constant 1 : i32
          %jit3A_440 = arith.constant -1 : i32
          %broadcast_in_dim3A_441 = vector.broadcast %jit3A_439 : i32 to vector<16xi32>
          %broadcast_in_dim3A_442 = vector.broadcast %jit3A_440 : i32 to vector<16xi32>
          %select_n3A_443 = arith.select %le3A_438, %broadcast_in_dim3A_441, %broadcast_in_dim3A_442 : vector<16xi1>, vector<16xi32>
          %add3A_444 = arith.addi %broadcast_in_dim3A_413, %select_n3A_443 : vector<16xi32>
          %sub3A_445 = arith.subi %sub3A_437, %select_n3A_443 : vector<16xi32>
          %le3A_446 = arith.cmpf ole, %gather3A, %gather3A_402 : vector<16xf32>
          %jit3A_447 = arith.constant 1 : i32
          %jit3A_448 = arith.constant -1 : i32
          %broadcast_in_dim3A_449 = vector.broadcast %jit3A_447 : i32 to vector<16xi32>
          %broadcast_in_dim3A_450 = vector.broadcast %jit3A_448 : i32 to vector<16xi32>
          %select_n3A_451 = arith.select %le3A_446, %broadcast_in_dim3A_449, %broadcast_in_dim3A_450 : vector<16xi1>, vector<16xi32>
          %add3A_452 = arith.addi %broadcast_in_dim3A_415, %select_n3A_451 : vector<16xi32>
          %sub3A_453 = arith.subi %sub3A_445, %select_n3A_451 : vector<16xi32>
          %le3A_454 = arith.cmpf ole, %gather3A, %gather3A_403 : vector<16xf32>
          %jit3A_455 = arith.constant 1 : i32
          %jit3A_456 = arith.constant -1 : i32
          %broadcast_in_dim3A_457 = vector.broadcast %jit3A_455 : i32 to vector<16xi32>
          %broadcast_in_dim3A_458 = vector.broadcast %jit3A_456 : i32 to vector<16xi32>
          %select_n3A_459 = arith.select %le3A_454, %broadcast_in_dim3A_457, %broadcast_in_dim3A_458 : vector<16xi1>, vector<16xi32>
          %add3A_460 = arith.addi %broadcast_in_dim3A_417, %select_n3A_459 : vector<16xi32>
          %sub3A_461 = arith.subi %sub3A_453, %select_n3A_459 : vector<16xi32>
          %le3A_462 = arith.cmpf ole, %gather3A, %gather3A_404 : vector<16xf32>
          %jit3A_463 = arith.constant 1 : i32
          %jit3A_464 = arith.constant -1 : i32
          %broadcast_in_dim3A_465 = vector.broadcast %jit3A_463 : i32 to vector<16xi32>
          %broadcast_in_dim3A_466 = vector.broadcast %jit3A_464 : i32 to vector<16xi32>
          %select_n3A_467 = arith.select %le3A_462, %broadcast_in_dim3A_465, %broadcast_in_dim3A_466 : vector<16xi1>, vector<16xi32>
          %add3A_468 = arith.addi %broadcast_in_dim3A_419, %select_n3A_467 : vector<16xi32>
          %sub3A_469 = arith.subi %sub3A_461, %select_n3A_467 : vector<16xi32>
          %le3A_470 = arith.cmpf ole, %gather3A, %gather3A_405 : vector<16xf32>
          %jit3A_471 = arith.constant 1 : i32
          %jit3A_472 = arith.constant -1 : i32
          %broadcast_in_dim3A_473 = vector.broadcast %jit3A_471 : i32 to vector<16xi32>
          %broadcast_in_dim3A_474 = vector.broadcast %jit3A_472 : i32 to vector<16xi32>
          %select_n3A_475 = arith.select %le3A_470, %broadcast_in_dim3A_473, %broadcast_in_dim3A_474 : vector<16xi1>, vector<16xi32>
          %add3A_476 = arith.addi %broadcast_in_dim3A_421, %select_n3A_475 : vector<16xi32>
          %sub3A_477 = arith.subi %sub3A_469, %select_n3A_475 : vector<16xi32>
          %le3A_478 = arith.cmpf ole, %gather3A_399, %gather3A_400 : vector<16xf32>
          %jit3A_479 = arith.constant 1 : i32
          %jit3A_480 = arith.constant -1 : i32
          %broadcast_in_dim3A_481 = vector.broadcast %jit3A_479 : i32 to vector<16xi32>
          %broadcast_in_dim3A_482 = vector.broadcast %jit3A_480 : i32 to vector<16xi32>
          %select_n3A_483 = arith.select %le3A_478, %broadcast_in_dim3A_481, %broadcast_in_dim3A_482 : vector<16xi1>, vector<16xi32>
          %add3A_484 = arith.addi %add3A_436, %select_n3A_483 : vector<16xi32>
          %sub3A_485 = arith.subi %add3A_428, %select_n3A_483 : vector<16xi32>
          %le3A_486 = arith.cmpf ole, %gather3A_399, %gather3A_401 : vector<16xf32>
          %jit3A_487 = arith.constant 1 : i32
          %jit3A_488 = arith.constant -1 : i32
          %broadcast_in_dim3A_489 = vector.broadcast %jit3A_487 : i32 to vector<16xi32>
          %broadcast_in_dim3A_490 = vector.broadcast %jit3A_488 : i32 to vector<16xi32>
          %select_n3A_491 = arith.select %le3A_486, %broadcast_in_dim3A_489, %broadcast_in_dim3A_490 : vector<16xi1>, vector<16xi32>
          %add3A_492 = arith.addi %add3A_444, %select_n3A_491 : vector<16xi32>
          %sub3A_493 = arith.subi %sub3A_485, %select_n3A_491 : vector<16xi32>
          %le3A_494 = arith.cmpf ole, %gather3A_399, %gather3A_402 : vector<16xf32>
          %jit3A_495 = arith.constant 1 : i32
          %jit3A_496 = arith.constant -1 : i32
          %broadcast_in_dim3A_497 = vector.broadcast %jit3A_495 : i32 to vector<16xi32>
          %broadcast_in_dim3A_498 = vector.broadcast %jit3A_496 : i32 to vector<16xi32>
          %select_n3A_499 = arith.select %le3A_494, %broadcast_in_dim3A_497, %broadcast_in_dim3A_498 : vector<16xi1>, vector<16xi32>
          %add3A_500 = arith.addi %add3A_452, %select_n3A_499 : vector<16xi32>
          %sub3A_501 = arith.subi %sub3A_493, %select_n3A_499 : vector<16xi32>
          %le3A_502 = arith.cmpf ole, %gather3A_399, %gather3A_403 : vector<16xf32>
          %jit3A_503 = arith.constant 1 : i32
          %jit3A_504 = arith.constant -1 : i32
          %broadcast_in_dim3A_505 = vector.broadcast %jit3A_503 : i32 to vector<16xi32>
          %broadcast_in_dim3A_506 = vector.broadcast %jit3A_504 : i32 to vector<16xi32>
          %select_n3A_507 = arith.select %le3A_502, %broadcast_in_dim3A_505, %broadcast_in_dim3A_506 : vector<16xi1>, vector<16xi32>
          %add3A_508 = arith.addi %add3A_460, %select_n3A_507 : vector<16xi32>
          %sub3A_509 = arith.subi %sub3A_501, %select_n3A_507 : vector<16xi32>
          %le3A_510 = arith.cmpf ole, %gather3A_399, %gather3A_404 : vector<16xf32>
          %jit3A_511 = arith.constant 1 : i32
          %jit3A_512 = arith.constant -1 : i32
          %broadcast_in_dim3A_513 = vector.broadcast %jit3A_511 : i32 to vector<16xi32>
          %broadcast_in_dim3A_514 = vector.broadcast %jit3A_512 : i32 to vector<16xi32>
          %select_n3A_515 = arith.select %le3A_510, %broadcast_in_dim3A_513, %broadcast_in_dim3A_514 : vector<16xi1>, vector<16xi32>
          %add3A_516 = arith.addi %add3A_468, %select_n3A_515 : vector<16xi32>
          %sub3A_517 = arith.subi %sub3A_509, %select_n3A_515 : vector<16xi32>
          %le3A_518 = arith.cmpf ole, %gather3A_399, %gather3A_405 : vector<16xf32>
          %jit3A_519 = arith.constant 1 : i32
          %jit3A_520 = arith.constant -1 : i32
          %broadcast_in_dim3A_521 = vector.broadcast %jit3A_519 : i32 to vector<16xi32>
          %broadcast_in_dim3A_522 = vector.broadcast %jit3A_520 : i32 to vector<16xi32>
          %select_n3A_523 = arith.select %le3A_518, %broadcast_in_dim3A_521, %broadcast_in_dim3A_522 : vector<16xi1>, vector<16xi32>
          %add3A_524 = arith.addi %add3A_476, %select_n3A_523 : vector<16xi32>
          %sub3A_525 = arith.subi %sub3A_517, %select_n3A_523 : vector<16xi32>
          %le3A_526 = arith.cmpf ole, %gather3A_400, %gather3A_401 : vector<16xf32>
          %jit3A_527 = arith.constant 1 : i32
          %jit3A_528 = arith.constant -1 : i32
          %broadcast_in_dim3A_529 = vector.broadcast %jit3A_527 : i32 to vector<16xi32>
          %broadcast_in_dim3A_530 = vector.broadcast %jit3A_528 : i32 to vector<16xi32>
          %select_n3A_531 = arith.select %le3A_526, %broadcast_in_dim3A_529, %broadcast_in_dim3A_530 : vector<16xi1>, vector<16xi32>
          %add3A_532 = arith.addi %add3A_492, %select_n3A_531 : vector<16xi32>
          %sub3A_533 = arith.subi %add3A_484, %select_n3A_531 : vector<16xi32>
          %le3A_534 = arith.cmpf ole, %gather3A_400, %gather3A_402 : vector<16xf32>
          %jit3A_535 = arith.constant 1 : i32
          %jit3A_536 = arith.constant -1 : i32
          %broadcast_in_dim3A_537 = vector.broadcast %jit3A_535 : i32 to vector<16xi32>
          %broadcast_in_dim3A_538 = vector.broadcast %jit3A_536 : i32 to vector<16xi32>
          %select_n3A_539 = arith.select %le3A_534, %broadcast_in_dim3A_537, %broadcast_in_dim3A_538 : vector<16xi1>, vector<16xi32>
          %add3A_540 = arith.addi %add3A_500, %select_n3A_539 : vector<16xi32>
          %sub3A_541 = arith.subi %sub3A_533, %select_n3A_539 : vector<16xi32>
          %le3A_542 = arith.cmpf ole, %gather3A_400, %gather3A_403 : vector<16xf32>
          %jit3A_543 = arith.constant 1 : i32
          %jit3A_544 = arith.constant -1 : i32
          %broadcast_in_dim3A_545 = vector.broadcast %jit3A_543 : i32 to vector<16xi32>
          %broadcast_in_dim3A_546 = vector.broadcast %jit3A_544 : i32 to vector<16xi32>
          %select_n3A_547 = arith.select %le3A_542, %broadcast_in_dim3A_545, %broadcast_in_dim3A_546 : vector<16xi1>, vector<16xi32>
          %add3A_548 = arith.addi %add3A_508, %select_n3A_547 : vector<16xi32>
          %sub3A_549 = arith.subi %sub3A_541, %select_n3A_547 : vector<16xi32>
          %le3A_550 = arith.cmpf ole, %gather3A_400, %gather3A_404 : vector<16xf32>
          %jit3A_551 = arith.constant 1 : i32
          %jit3A_552 = arith.constant -1 : i32
          %broadcast_in_dim3A_553 = vector.broadcast %jit3A_551 : i32 to vector<16xi32>
          %broadcast_in_dim3A_554 = vector.broadcast %jit3A_552 : i32 to vector<16xi32>
          %select_n3A_555 = arith.select %le3A_550, %broadcast_in_dim3A_553, %broadcast_in_dim3A_554 : vector<16xi1>, vector<16xi32>
          %add3A_556 = arith.addi %add3A_516, %select_n3A_555 : vector<16xi32>
          %sub3A_557 = arith.subi %sub3A_549, %select_n3A_555 : vector<16xi32>
          %le3A_558 = arith.cmpf ole, %gather3A_400, %gather3A_405 : vector<16xf32>
          %jit3A_559 = arith.constant 1 : i32
          %jit3A_560 = arith.constant -1 : i32
          %broadcast_in_dim3A_561 = vector.broadcast %jit3A_559 : i32 to vector<16xi32>
          %broadcast_in_dim3A_562 = vector.broadcast %jit3A_560 : i32 to vector<16xi32>
          %select_n3A_563 = arith.select %le3A_558, %broadcast_in_dim3A_561, %broadcast_in_dim3A_562 : vector<16xi1>, vector<16xi32>
          %add3A_564 = arith.addi %add3A_524, %select_n3A_563 : vector<16xi32>
          %sub3A_565 = arith.subi %sub3A_557, %select_n3A_563 : vector<16xi32>
          %le3A_566 = arith.cmpf ole, %gather3A_401, %gather3A_402 : vector<16xf32>
          %jit3A_567 = arith.constant 1 : i32
          %jit3A_568 = arith.constant -1 : i32
          %broadcast_in_dim3A_569 = vector.broadcast %jit3A_567 : i32 to vector<16xi32>
          %broadcast_in_dim3A_570 = vector.broadcast %jit3A_568 : i32 to vector<16xi32>
          %select_n3A_571 = arith.select %le3A_566, %broadcast_in_dim3A_569, %broadcast_in_dim3A_570 : vector<16xi1>, vector<16xi32>
          %add3A_572 = arith.addi %add3A_540, %select_n3A_571 : vector<16xi32>
          %sub3A_573 = arith.subi %add3A_532, %select_n3A_571 : vector<16xi32>
          %le3A_574 = arith.cmpf ole, %gather3A_401, %gather3A_403 : vector<16xf32>
          %jit3A_575 = arith.constant 1 : i32
          %jit3A_576 = arith.constant -1 : i32
          %broadcast_in_dim3A_577 = vector.broadcast %jit3A_575 : i32 to vector<16xi32>
          %broadcast_in_dim3A_578 = vector.broadcast %jit3A_576 : i32 to vector<16xi32>
          %select_n3A_579 = arith.select %le3A_574, %broadcast_in_dim3A_577, %broadcast_in_dim3A_578 : vector<16xi1>, vector<16xi32>
          %add3A_580 = arith.addi %add3A_548, %select_n3A_579 : vector<16xi32>
          %sub3A_581 = arith.subi %sub3A_573, %select_n3A_579 : vector<16xi32>
          %le3A_582 = arith.cmpf ole, %gather3A_401, %gather3A_404 : vector<16xf32>
          %jit3A_583 = arith.constant 1 : i32
          %jit3A_584 = arith.constant -1 : i32
          %broadcast_in_dim3A_585 = vector.broadcast %jit3A_583 : i32 to vector<16xi32>
          %broadcast_in_dim3A_586 = vector.broadcast %jit3A_584 : i32 to vector<16xi32>
          %select_n3A_587 = arith.select %le3A_582, %broadcast_in_dim3A_585, %broadcast_in_dim3A_586 : vector<16xi1>, vector<16xi32>
          %add3A_588 = arith.addi %add3A_556, %select_n3A_587 : vector<16xi32>
          %sub3A_589 = arith.subi %sub3A_581, %select_n3A_587 : vector<16xi32>
          %le3A_590 = arith.cmpf ole, %gather3A_401, %gather3A_405 : vector<16xf32>
          %jit3A_591 = arith.constant 1 : i32
          %jit3A_592 = arith.constant -1 : i32
          %broadcast_in_dim3A_593 = vector.broadcast %jit3A_591 : i32 to vector<16xi32>
          %broadcast_in_dim3A_594 = vector.broadcast %jit3A_592 : i32 to vector<16xi32>
          %select_n3A_595 = arith.select %le3A_590, %broadcast_in_dim3A_593, %broadcast_in_dim3A_594 : vector<16xi1>, vector<16xi32>
          %add3A_596 = arith.addi %add3A_564, %select_n3A_595 : vector<16xi32>
          %sub3A_597 = arith.subi %sub3A_589, %select_n3A_595 : vector<16xi32>
          %le3A_598 = arith.cmpf ole, %gather3A_402, %gather3A_403 : vector<16xf32>
          %jit3A_599 = arith.constant 1 : i32
          %jit3A_600 = arith.constant -1 : i32
          %broadcast_in_dim3A_601 = vector.broadcast %jit3A_599 : i32 to vector<16xi32>
          %broadcast_in_dim3A_602 = vector.broadcast %jit3A_600 : i32 to vector<16xi32>
          %select_n3A_603 = arith.select %le3A_598, %broadcast_in_dim3A_601, %broadcast_in_dim3A_602 : vector<16xi1>, vector<16xi32>
          %add3A_604 = arith.addi %add3A_580, %select_n3A_603 : vector<16xi32>
          %sub3A_605 = arith.subi %add3A_572, %select_n3A_603 : vector<16xi32>
          %le3A_606 = arith.cmpf ole, %gather3A_402, %gather3A_404 : vector<16xf32>
          %jit3A_607 = arith.constant 1 : i32
          %jit3A_608 = arith.constant -1 : i32
          %broadcast_in_dim3A_609 = vector.broadcast %jit3A_607 : i32 to vector<16xi32>
          %broadcast_in_dim3A_610 = vector.broadcast %jit3A_608 : i32 to vector<16xi32>
          %select_n3A_611 = arith.select %le3A_606, %broadcast_in_dim3A_609, %broadcast_in_dim3A_610 : vector<16xi1>, vector<16xi32>
          %add3A_612 = arith.addi %add3A_588, %select_n3A_611 : vector<16xi32>
          %sub3A_613 = arith.subi %sub3A_605, %select_n3A_611 : vector<16xi32>
          %le3A_614 = arith.cmpf ole, %gather3A_402, %gather3A_405 : vector<16xf32>
          %jit3A_615 = arith.constant 1 : i32
          %jit3A_616 = arith.constant -1 : i32
          %broadcast_in_dim3A_617 = vector.broadcast %jit3A_615 : i32 to vector<16xi32>
          %broadcast_in_dim3A_618 = vector.broadcast %jit3A_616 : i32 to vector<16xi32>
          %select_n3A_619 = arith.select %le3A_614, %broadcast_in_dim3A_617, %broadcast_in_dim3A_618 : vector<16xi1>, vector<16xi32>
          %add3A_620 = arith.addi %add3A_596, %select_n3A_619 : vector<16xi32>
          %sub3A_621 = arith.subi %sub3A_613, %select_n3A_619 : vector<16xi32>
          %le3A_622 = arith.cmpf ole, %gather3A_403, %gather3A_404 : vector<16xf32>
          %jit3A_623 = arith.constant 1 : i32
          %jit3A_624 = arith.constant -1 : i32
          %broadcast_in_dim3A_625 = vector.broadcast %jit3A_623 : i32 to vector<16xi32>
          %broadcast_in_dim3A_626 = vector.broadcast %jit3A_624 : i32 to vector<16xi32>
          %select_n3A_627 = arith.select %le3A_622, %broadcast_in_dim3A_625, %broadcast_in_dim3A_626 : vector<16xi1>, vector<16xi32>
          %add3A_628 = arith.addi %add3A_612, %select_n3A_627 : vector<16xi32>
          %sub3A_629 = arith.subi %add3A_604, %select_n3A_627 : vector<16xi32>
          %le3A_630 = arith.cmpf ole, %gather3A_403, %gather3A_405 : vector<16xf32>
          %jit3A_631 = arith.constant 1 : i32
          %jit3A_632 = arith.constant -1 : i32
          %broadcast_in_dim3A_633 = vector.broadcast %jit3A_631 : i32 to vector<16xi32>
          %broadcast_in_dim3A_634 = vector.broadcast %jit3A_632 : i32 to vector<16xi32>
          %select_n3A_635 = arith.select %le3A_630, %broadcast_in_dim3A_633, %broadcast_in_dim3A_634 : vector<16xi1>, vector<16xi32>
          %add3A_636 = arith.addi %add3A_620, %select_n3A_635 : vector<16xi32>
          %sub3A_637 = arith.subi %sub3A_629, %select_n3A_635 : vector<16xi32>
          %le3A_638 = arith.cmpf ole, %gather3A_404, %gather3A_405 : vector<16xf32>
          %jit3A_639 = arith.constant 1 : i32
          %jit3A_640 = arith.constant -1 : i32
          %broadcast_in_dim3A_641 = vector.broadcast %jit3A_639 : i32 to vector<16xi32>
          %broadcast_in_dim3A_642 = vector.broadcast %jit3A_640 : i32 to vector<16xi32>
          %select_n3A_643 = arith.select %le3A_638, %broadcast_in_dim3A_641, %broadcast_in_dim3A_642 : vector<16xi1>, vector<16xi32>
          %add3A_644 = arith.addi %add3A_636, %select_n3A_643 : vector<16xi32>
          %sub3A_645 = arith.subi %add3A_628, %select_n3A_643 : vector<16xi32>
          %lt3A_646 = arith.constant 0 : i32
          %lt3A_647 = vector.broadcast %lt3A_646 : i32 to vector<16xi32>
          %lt3A_648 = arith.cmpi slt, %sub3A_477, %lt3A_647 : vector<16xi32>
          tpu.vector_store_idx %arg7[%broadcast_in_dim3A_354, %add3A_370], %broadcast_in_dim3A_6 masked %lt3A_648 : memref<8x2048xf32, #tpu.memory_space<vmem>>[vector<16xi32>, vector<16xi32>], vector<16xf32>, vector<16xi1>
          %lt3A_649 = arith.constant 0 : i32
          %lt3A_650 = vector.broadcast %lt3A_649 : i32 to vector<16xi32>
          %lt3A_651 = arith.cmpi slt, %sub3A_525, %lt3A_650 : vector<16xi32>
          tpu.vector_store_idx %arg7[%broadcast_in_dim3A_354, %add3A_374], %broadcast_in_dim3A_6 masked %lt3A_651 : memref<8x2048xf32, #tpu.memory_space<vmem>>[vector<16xi32>, vector<16xi32>], vector<16xf32>, vector<16xi1>
          %lt3A_652 = arith.constant 0 : i32
          %lt3A_653 = vector.broadcast %lt3A_652 : i32 to vector<16xi32>
          %lt3A_654 = arith.cmpi slt, %sub3A_565, %lt3A_653 : vector<16xi32>
          tpu.vector_store_idx %arg7[%broadcast_in_dim3A_354, %add3A_378], %broadcast_in_dim3A_6 masked %lt3A_654 : memref<8x2048xf32, #tpu.memory_space<vmem>>[vector<16xi32>, vector<16xi32>], vector<16xf32>, vector<16xi1>
          %lt3A_655 = arith.constant 0 : i32
          %lt3A_656 = vector.broadcast %lt3A_655 : i32 to vector<16xi32>
          %lt3A_657 = arith.cmpi slt, %sub3A_597, %lt3A_656 : vector<16xi32>
          tpu.vector_store_idx %arg7[%broadcast_in_dim3A_354, %add3A_382], %broadcast_in_dim3A_6 masked %lt3A_657 : memref<8x2048xf32, #tpu.memory_space<vmem>>[vector<16xi32>, vector<16xi32>], vector<16xf32>, vector<16xi1>
          %lt3A_658 = arith.constant 0 : i32
          %lt3A_659 = vector.broadcast %lt3A_658 : i32 to vector<16xi32>
          %lt3A_660 = arith.cmpi slt, %sub3A_621, %lt3A_659 : vector<16xi32>
          tpu.vector_store_idx %arg7[%broadcast_in_dim3A_354, %add3A_386], %broadcast_in_dim3A_6 masked %lt3A_660 : memref<8x2048xf32, #tpu.memory_space<vmem>>[vector<16xi32>, vector<16xi32>], vector<16xf32>, vector<16xi1>
          %lt3A_661 = arith.constant 0 : i32
          %lt3A_662 = vector.broadcast %lt3A_661 : i32 to vector<16xi32>
          %lt3A_663 = arith.cmpi slt, %sub3A_637, %lt3A_662 : vector<16xi32>
          tpu.vector_store_idx %arg7[%broadcast_in_dim3A_354, %add3A_390], %broadcast_in_dim3A_6 masked %lt3A_663 : memref<8x2048xf32, #tpu.memory_space<vmem>>[vector<16xi32>, vector<16xi32>], vector<16xf32>, vector<16xi1>
          %lt3A_664 = arith.constant 0 : i32
          %lt3A_665 = vector.broadcast %lt3A_664 : i32 to vector<16xi32>
          %lt3A_666 = arith.cmpi slt, %sub3A_645, %lt3A_665 : vector<16xi32>
          tpu.vector_store_idx %arg7[%broadcast_in_dim3A_354, %add3A_394], %broadcast_in_dim3A_6 masked %lt3A_666 : memref<8x2048xf32, #tpu.memory_space<vmem>>[vector<16xi32>, vector<16xi32>], vector<16xf32>, vector<16xi1>
          %lt3A_667 = arith.constant 0 : i32
          %lt3A_668 = vector.broadcast %lt3A_667 : i32 to vector<16xi32>
          %lt3A_669 = arith.cmpi slt, %add3A_644, %lt3A_668 : vector<16xi32>
          tpu.vector_store_idx %arg7[%broadcast_in_dim3A_354, %add3A_398], %broadcast_in_dim3A_6 masked %lt3A_669 : memref<8x2048xf32, #tpu.memory_space<vmem>>[vector<16xi32>, vector<16xi32>], vector<16xf32>, vector<16xi1>
        }
        %scan3A_359 = arith.constant 16 : i32
      }
      %scan3A_82 = arith.constant 8 : i32
      %jit3A = arith.constant 2 : i32
      %div3A = arith.divsi %add3A_65, %jit3A : i32
      %sign3A = arith.constant 0 : i32
      %sign3A_83 = arith.cmpi sgt, %add3A_65, %sign3A : i32
      %sign3A_84 = arith.extui %sign3A_83 : i1 to i32
      %sign3A_85 = arith.constant 0 : i32
      %sign3A_86 = arith.cmpi slt, %add3A_65, %sign3A_85 : i32
      %sign3A_87 = arith.extui %sign3A_86 : i1 to i32
      %sign3A_88 = arith.subi %sign3A_84, %sign3A_87 : i32
      %sign3A_89 = arith.constant 0 : i32
      %sign3A_90 = arith.cmpi sgt, %jit3A, %sign3A_89 : i32
      %sign3A_91 = arith.extui %sign3A_90 : i1 to i32
      %sign3A_92 = arith.constant 0 : i32
      %sign3A_93 = arith.cmpi slt, %jit3A, %sign3A_92 : i32
      %sign3A_94 = arith.extui %sign3A_93 : i1 to i32
      %sign3A_95 = arith.subi %sign3A_91, %sign3A_94 : i32
      %ne3A = arith.cmpi ne, %sign3A_88, %sign3A_95 : i32
      %rem3A = arith.remsi %add3A_65, %jit3A : i32
      %ne3A_96 = arith.constant 0 : i32
      %ne3A_97 = arith.cmpi ne, %rem3A, %ne3A_96 : i32
      %and3A = arith.andi %ne3A, %ne3A_97 : i1
      %sub3A = arith.constant 1 : i32
      %sub3A_98 = arith.subi %div3A, %sub3A : i32
      %select_n3A = arith.select %and3A, %sub3A_98, %div3A : i32
      %mul3A_99 = arith.constant 8 : i32
      %mul3A_100 = arith.muli %select_n3A, %mul3A_99 : i32
      %add3A_101 = arith.addi %mul3A_2, %mul3A_100 : i32
      %jit3A_102 = arith.constant 2 : i32
      %eq3A = arith.constant 0 : i32
      %eq3A_103 = arith.cmpi eq, %jit3A_102, %eq3A : i32
      %jit3A_104 = arith.constant 1 : i32
      %select_n3A_105 = arith.select %eq3A_103, %jit3A_104, %jit3A_102 : i32
      %rem3A_106 = arith.remsi %add3A_65, %select_n3A_105 : i32
      %ne3A_107 = arith.constant 0 : i32
      %ne3A_108 = arith.cmpi ne, %rem3A_106, %ne3A_107 : i32
      %lt3A = arith.constant 0 : i32
      %lt3A_109 = arith.cmpi slt, %rem3A_106, %lt3A : i32
      %lt3A_110 = arith.constant 0 : i32
      %lt3A_111 = arith.cmpi slt, %select_n3A_105, %lt3A_110 : i32
      %ne3A_112 = arith.xori %lt3A_109, %lt3A_111 : i1
      %and3A_113 = arith.andi %ne3A_112, %ne3A_108 : i1
      %add3A_114 = arith.addi %rem3A_106, %select_n3A_105 : i32
      %select_n3A_115 = arith.select %and3A_113, %add3A_114, %rem3A_106 : i32
      %mul3A_116 = arith.constant 2048 : i32
      %mul3A_117 = arith.muli %select_n3A_115, %mul3A_116 : i32
      %dma_start3A_118 = tpu.memref_slice %arg4[%add3A_101, %mul3A_117] : memref<8192x4096xf32, #tpu.memory_space<hbm>> -> memref<8x2048xf32, #tpu.memory_space<hbm>>
      %dma_start3A_119 = tpu.memref_slice %arg4[%add3A_101, %mul3A_117] : memref<8192x4096xf32, #tpu.memory_space<hbm>> -> memref<8x2048xf32, #tpu.memory_space<hbm>>
      tpu.enqueue_dma source(%arg7 : memref<8x2048xf32, #tpu.memory_space<vmem>>) target(%dma_start3A_119 : memref<8x2048xf32, #tpu.memory_space<hbm>>) target_semaphore(%arg17 : memref<!tpu.dma_semaphore, #tpu.memory_space<semaphore_mem>>)
      %add3A_120 = arith.constant 2 : i32
      %add3A_121 = arith.addi %add3A_65, %add3A_120 : i32
      %le3A = arith.constant 63 : i32
      %le3A_122 = arith.cmpi sle, %add3A_121, %le3A : i32
      %convert_element_type3A = arith.extui %le3A_122 : i1 to i32
      %cond3A = arith.constant 0 : i32
      %cond3A_123 = arith.cmpi ne, %convert_element_type3A, %cond3A : i32
      scf.if %cond3A_123 {
        %add3A_349 = arith.constant 2 : i32
        %add3A_350 = arith.addi %add3A_65, %add3A_349 : i32
        %jit3A_351 = arith.constant 2 : i32
        %div3A_352 = arith.divsi %add3A_350, %jit3A_351 : i32
        %sign3A_353 = arith.constant 0 : i32
        %sign3A_354 = arith.cmpi sgt, %add3A_350, %sign3A_353 : i32
        %sign3A_355 = arith.extui %sign3A_354 : i1 to i32
        %sign3A_356 = arith.constant 0 : i32
        %sign3A_357 = arith.cmpi slt, %add3A_350, %sign3A_356 : i32
        %sign3A_358 = arith.extui %sign3A_357 : i1 to i32
        %sign3A_359 = arith.subi %sign3A_355, %sign3A_358 : i32
        %sign3A_360 = arith.constant 0 : i32
        %sign3A_361 = arith.cmpi sgt, %jit3A_351, %sign3A_360 : i32
        %sign3A_362 = arith.extui %sign3A_361 : i1 to i32
        %sign3A_363 = arith.constant 0 : i32
        %sign3A_364 = arith.cmpi slt, %jit3A_351, %sign3A_363 : i32
        %sign3A_365 = arith.extui %sign3A_364 : i1 to i32
        %sign3A_366 = arith.subi %sign3A_362, %sign3A_365 : i32
        %ne3A_367 = arith.cmpi ne, %sign3A_359, %sign3A_366 : i32
        %rem3A_368 = arith.remsi %add3A_350, %jit3A_351 : i32
        %ne3A_369 = arith.constant 0 : i32
        %ne3A_370 = arith.cmpi ne, %rem3A_368, %ne3A_369 : i32
        %and3A_371 = arith.andi %ne3A_367, %ne3A_370 : i1
        %sub3A_372 = arith.constant 1 : i32
        %sub3A_373 = arith.subi %div3A_352, %sub3A_372 : i32
        %select_n3A_374 = arith.select %and3A_371, %sub3A_373, %div3A_352 : i32
        %mul3A_375 = arith.constant 8 : i32
        %mul3A_376 = arith.muli %select_n3A_374, %mul3A_375 : i32
        %add3A_377 = arith.addi %mul3A_2, %mul3A_376 : i32
        %jit3A_378 = arith.constant 2 : i32
        %eq3A_379 = arith.constant 0 : i32
        %eq3A_380 = arith.cmpi eq, %jit3A_378, %eq3A_379 : i32
        %jit3A_381 = arith.constant 1 : i32
        %select_n3A_382 = arith.select %eq3A_380, %jit3A_381, %jit3A_378 : i32
        %rem3A_383 = arith.remsi %add3A_350, %select_n3A_382 : i32
        %ne3A_384 = arith.constant 0 : i32
        %ne3A_385 = arith.cmpi ne, %rem3A_383, %ne3A_384 : i32
        %lt3A_386 = arith.constant 0 : i32
        %lt3A_387 = arith.cmpi slt, %rem3A_383, %lt3A_386 : i32
        %lt3A_388 = arith.constant 0 : i32
        %lt3A_389 = arith.cmpi slt, %select_n3A_382, %lt3A_388 : i32
        %ne3A_390 = arith.xori %lt3A_387, %lt3A_389 : i1
        %and3A_391 = arith.andi %ne3A_390, %ne3A_385 : i1
        %add3A_392 = arith.addi %rem3A_383, %select_n3A_382 : i32
        %select_n3A_393 = arith.select %and3A_391, %add3A_392, %rem3A_383 : i32
        %mul3A_394 = arith.constant 2048 : i32
        %mul3A_395 = arith.muli %select_n3A_393, %mul3A_394 : i32
        %dma_start3A_396 = tpu.memref_slice %arg3[%add3A_377, %mul3A_395] : memref<8192x4096xf32, #tpu.memory_space<hbm>> -> memref<8x2048xf32, #tpu.memory_space<hbm>>
        %dma_start3A_397 = tpu.memref_slice %arg3[%add3A_377, %mul3A_395] : memref<8192x4096xf32, #tpu.memory_space<hbm>> -> memref<8x2048xf32, #tpu.memory_space<hbm>>
        tpu.enqueue_dma source(%dma_start3A_397 : memref<8x2048xf32, #tpu.memory_space<hbm>>) target(%arg5 : memref<8x2048xf32, #tpu.memory_space<vmem>>) target_semaphore(%arg11 : memref<!tpu.dma_semaphore, #tpu.memory_space<semaphore_mem>>)
        %ge3A = arith.constant 2 : i32
        %ge3A_398 = arith.cmpi sge, %add3A_65, %ge3A : i32
        %convert_element_type3A_399 = arith.extui %ge3A_398 : i1 to i32
        %cond3A_400 = arith.constant 0 : i32
        %cond3A_401 = arith.cmpi ne, %convert_element_type3A_399, %cond3A_400 : i32
        scf.if %cond3A_401 {
          %dma_wait3A_451 = arith.constant 0 : i32
          %dma_wait3A_452 = arith.constant 0 : i32
          %dma_wait3A_453 = tpu.memref_slice %arg4[%dma_wait3A_451, %dma_wait3A_452] : memref<8192x4096xf32, #tpu.memory_space<hbm>> -> memref<8x2048xf32, #tpu.memory_space<hbm>>
          %dma_wait3A_454 = arith.constant 0 : i32
          %dma_wait3A_455 = arith.constant 0 : i32
          %dma_wait3A_456 = tpu.memref_slice %arg4[%dma_wait3A_454, %dma_wait3A_455] : memref<8192x4096xf32, #tpu.memory_space<hbm>> -> memref<8x2048xf32, #tpu.memory_space<hbm>>
          tpu.wait_dma2 semaphore(%arg19 : memref<!tpu.dma_semaphore, #tpu.memory_space<semaphore_mem>>) src(%arg9 : memref<8x2048xf32, #tpu.memory_space<vmem>>) dst(%dma_wait3A_456 : memref<8x2048xf32, #tpu.memory_space<hbm>>)
        } else {
        }
        %add3A_402 = arith.constant 2 : i32
        %add3A_403 = arith.addi %add3A_65, %add3A_402 : i32
        %jit3A_404 = arith.constant 2 : i32
        %div3A_405 = arith.divsi %add3A_403, %jit3A_404 : i32
        %sign3A_406 = arith.constant 0 : i32
        %sign3A_407 = arith.cmpi sgt, %add3A_403, %sign3A_406 : i32
        %sign3A_408 = arith.extui %sign3A_407 : i1 to i32
        %sign3A_409 = arith.constant 0 : i32
        %sign3A_410 = arith.cmpi slt, %add3A_403, %sign3A_409 : i32
        %sign3A_411 = arith.extui %sign3A_410 : i1 to i32
        %sign3A_412 = arith.subi %sign3A_408, %sign3A_411 : i32
        %sign3A_413 = arith.constant 0 : i32
        %sign3A_414 = arith.cmpi sgt, %jit3A_404, %sign3A_413 : i32
        %sign3A_415 = arith.extui %sign3A_414 : i1 to i32
        %sign3A_416 = arith.constant 0 : i32
        %sign3A_417 = arith.cmpi slt, %jit3A_404, %sign3A_416 : i32
        %sign3A_418 = arith.extui %sign3A_417 : i1 to i32
        %sign3A_419 = arith.subi %sign3A_415, %sign3A_418 : i32
        %ne3A_420 = arith.cmpi ne, %sign3A_412, %sign3A_419 : i32
        %rem3A_421 = arith.remsi %add3A_403, %jit3A_404 : i32
        %ne3A_422 = arith.constant 0 : i32
        %ne3A_423 = arith.cmpi ne, %rem3A_421, %ne3A_422 : i32
        %and3A_424 = arith.andi %ne3A_420, %ne3A_423 : i1
        %sub3A_425 = arith.constant 1 : i32
        %sub3A_426 = arith.subi %div3A_405, %sub3A_425 : i32
        %select_n3A_427 = arith.select %and3A_424, %sub3A_426, %div3A_405 : i32
        %mul3A_428 = arith.constant 8 : i32
        %mul3A_429 = arith.muli %select_n3A_427, %mul3A_428 : i32
        %add3A_430 = arith.addi %mul3A_2, %mul3A_429 : i32
        %jit3A_431 = arith.constant 2 : i32
        %eq3A_432 = arith.constant 0 : i32
        %eq3A_433 = arith.cmpi eq, %jit3A_431, %eq3A_432 : i32
        %jit3A_434 = arith.constant 1 : i32
        %select_n3A_435 = arith.select %eq3A_433, %jit3A_434, %jit3A_431 : i32
        %rem3A_436 = arith.remsi %add3A_403, %select_n3A_435 : i32
        %ne3A_437 = arith.constant 0 : i32
        %ne3A_438 = arith.cmpi ne, %rem3A_436, %ne3A_437 : i32
        %lt3A_439 = arith.constant 0 : i32
        %lt3A_440 = arith.cmpi slt, %rem3A_436, %lt3A_439 : i32
        %lt3A_441 = arith.constant 0 : i32
        %lt3A_442 = arith.cmpi slt, %select_n3A_435, %lt3A_441 : i32
        %ne3A_443 = arith.xori %lt3A_440, %lt3A_442 : i1
        %and3A_444 = arith.andi %ne3A_443, %ne3A_438 : i1
        %add3A_445 = arith.addi %rem3A_436, %select_n3A_435 : i32
        %select_n3A_446 = arith.select %and3A_444, %add3A_445, %rem3A_436 : i32
        %mul3A_447 = arith.constant 2048 : i32
        %mul3A_448 = arith.muli %select_n3A_446, %mul3A_447 : i32
        %dma_start3A_449 = tpu.memref_slice %arg2[%add3A_430, %mul3A_448] : memref<8192x4096xf32, #tpu.memory_space<hbm>> -> memref<8x2048xf32, #tpu.memory_space<hbm>>
        %dma_start3A_450 = tpu.memref_slice %arg2[%add3A_430, %mul3A_448] : memref<8192x4096xf32, #tpu.memory_space<hbm>> -> memref<8x2048xf32, #tpu.memory_space<hbm>>
        tpu.enqueue_dma source(%dma_start3A_450 : memref<8x2048xf32, #tpu.memory_space<hbm>>) target(%arg9 : memref<8x2048xf32, #tpu.memory_space<vmem>>) target_semaphore(%arg15 : memref<!tpu.dma_semaphore, #tpu.memory_space<semaphore_mem>>)
      } else {
      }
      %mul3A_124 = arith.constant 4 : i32
      %mul3A_125 = arith.muli %add3A_61, %mul3A_124 : i32
      %add3A_126 = arith.constant 1 : i32
      %add3A_127 = arith.addi %mul3A_125, %add3A_126 : i32
      %dma_wait3A_128 = arith.constant 0 : i32
      %dma_wait3A_129 = arith.constant 0 : i32
      %dma_wait3A_130 = tpu.memref_slice %arg3[%dma_wait3A_128, %dma_wait3A_129] : memref<8192x4096xf32, #tpu.memory_space<hbm>> -> memref<8x2048xf32, #tpu.memory_space<hbm>>
      %dma_wait3A_131 = arith.constant 0 : i32
      %dma_wait3A_132 = arith.constant 0 : i32
      %dma_wait3A_133 = tpu.memref_slice %arg3[%dma_wait3A_131, %dma_wait3A_132] : memref<8192x4096xf32, #tpu.memory_space<hbm>> -> memref<8x2048xf32, #tpu.memory_space<hbm>>
      tpu.wait_dma2 semaphore(%arg12 : memref<!tpu.dma_semaphore, #tpu.memory_space<semaphore_mem>>) src(%dma_wait3A_133 : memref<8x2048xf32, #tpu.memory_space<hbm>>) dst(%arg6 : memref<8x2048xf32, #tpu.memory_space<vmem>>)
      %dma_wait3A_134 = arith.constant 0 : i32
      %dma_wait3A_135 = arith.constant 0 : i32
      %dma_wait3A_136 = tpu.memref_slice %arg2[%dma_wait3A_134, %dma_wait3A_135] : memref<8192x4096xf32, #tpu.memory_space<hbm>> -> memref<8x2048xf32, #tpu.memory_space<hbm>>
      %dma_wait3A_137 = arith.constant 0 : i32
      %dma_wait3A_138 = arith.constant 0 : i32
      %dma_wait3A_139 = tpu.memref_slice %arg2[%dma_wait3A_137, %dma_wait3A_138] : memref<8192x4096xf32, #tpu.memory_space<hbm>> -> memref<8x2048xf32, #tpu.memory_space<hbm>>
      tpu.wait_dma2 semaphore(%arg14 : memref<!tpu.dma_semaphore, #tpu.memory_space<semaphore_mem>>) src(%dma_wait3A_139 : memref<8x2048xf32, #tpu.memory_space<hbm>>) dst(%arg8 : memref<8x2048xf32, #tpu.memory_space<vmem>>)
      %scan3A_140 = arith.constant 0 : i32
      %scan3A_141 = arith.constant 8 : i32
      %scan3A_142 = arith.addi %scan3A_140, %scan3A_141 : i32
      %scan3A_143 = arith.constant 1 : i32
      scf.for %scan3A_349 = %scan3A_140 to %scan3A_142 step %scan3A_143  : i32 {
        %mul3A_350 = arith.constant 1 : i32
        %mul3A_351 = arith.muli %scan3A_349, %mul3A_350 : i32
        %add3A_352 = arith.constant 0 : i32
        %add3A_353 = arith.addi %add3A_352, %mul3A_351 : i32
        %broadcast_in_dim3A_354 = vector.broadcast %add3A_353 : i32 to vector<16xi32>
        %scan3A_355 = arith.constant 0 : i32
        %scan3A_356 = arith.constant 16 : i32
        %scan3A_357 = arith.addi %scan3A_355, %scan3A_356 : i32
        %scan3A_358 = arith.constant 1 : i32
        scf.for %scan3A_360 = %scan3A_355 to %scan3A_357 step %scan3A_358  : i32 {
          %mul3A_361 = arith.constant 1 : i32
          %mul3A_362 = arith.muli %scan3A_360, %mul3A_361 : i32
          %add3A_363 = arith.constant 0 : i32
          %add3A_364 = arith.addi %add3A_363, %mul3A_362 : i32
          %mul3A_365 = arith.constant 128 : i32
          %mul3A_366 = arith.muli %add3A_364, %mul3A_365 : i32
          %add3A_367 = arith.constant 0 : i32
          %add3A_368 = arith.addi %mul3A_366, %add3A_367 : i32
          %add3A_369 = vector.broadcast %add3A_368 : i32 to vector<16xi32>
          %add3A_370 = arith.addi %mul3A_5, %add3A_369 : vector<16xi32>
          %add3A_371 = arith.constant 1 : i32
          %add3A_372 = arith.addi %mul3A_366, %add3A_371 : i32
          %add3A_373 = vector.broadcast %add3A_372 : i32 to vector<16xi32>
          %add3A_374 = arith.addi %mul3A_5, %add3A_373 : vector<16xi32>
          %add3A_375 = arith.constant 2 : i32
          %add3A_376 = arith.addi %mul3A_366, %add3A_375 : i32
          %add3A_377 = vector.broadcast %add3A_376 : i32 to vector<16xi32>
          %add3A_378 = arith.addi %mul3A_5, %add3A_377 : vector<16xi32>
          %add3A_379 = arith.constant 3 : i32
          %add3A_380 = arith.addi %mul3A_366, %add3A_379 : i32
          %add3A_381 = vector.broadcast %add3A_380 : i32 to vector<16xi32>
          %add3A_382 = arith.addi %mul3A_5, %add3A_381 : vector<16xi32>
          %add3A_383 = arith.constant 4 : i32
          %add3A_384 = arith.addi %mul3A_366, %add3A_383 : i32
          %add3A_385 = vector.broadcast %add3A_384 : i32 to vector<16xi32>
          %add3A_386 = arith.addi %mul3A_5, %add3A_385 : vector<16xi32>
          %add3A_387 = arith.constant 5 : i32
          %add3A_388 = arith.addi %mul3A_366, %add3A_387 : i32
          %add3A_389 = vector.broadcast %add3A_388 : i32 to vector<16xi32>
          %add3A_390 = arith.addi %mul3A_5, %add3A_389 : vector<16xi32>
          %add3A_391 = arith.constant 6 : i32
          %add3A_392 = arith.addi %mul3A_366, %add3A_391 : i32
          %add3A_393 = vector.broadcast %add3A_392 : i32 to vector<16xi32>
          %add3A_394 = arith.addi %mul3A_5, %add3A_393 : vector<16xi32>
          %add3A_395 = arith.constant 7 : i32
          %add3A_396 = arith.addi %mul3A_366, %add3A_395 : i32
          %add3A_397 = vector.broadcast %add3A_396 : i32 to vector<16xi32>
          %add3A_398 = arith.addi %mul3A_5, %add3A_397 : vector<16xi32>
          %gather3A = tpu.vector_load_idx %arg6[%broadcast_in_dim3A_354, %add3A_370] : memref<8x2048xf32, #tpu.memory_space<vmem>>[vector<16xi32>, vector<16xi32>], vector<16xf32>,
          %gather3A_399 = tpu.vector_load_idx %arg6[%broadcast_in_dim3A_354, %add3A_374] : memref<8x2048xf32, #tpu.memory_space<vmem>>[vector<16xi32>, vector<16xi32>], vector<16xf32>,
          %gather3A_400 = tpu.vector_load_idx %arg6[%broadcast_in_dim3A_354, %add3A_378] : memref<8x2048xf32, #tpu.memory_space<vmem>>[vector<16xi32>, vector<16xi32>], vector<16xf32>,
          %gather3A_401 = tpu.vector_load_idx %arg6[%broadcast_in_dim3A_354, %add3A_382] : memref<8x2048xf32, #tpu.memory_space<vmem>>[vector<16xi32>, vector<16xi32>], vector<16xf32>,
          %gather3A_402 = tpu.vector_load_idx %arg6[%broadcast_in_dim3A_354, %add3A_386] : memref<8x2048xf32, #tpu.memory_space<vmem>>[vector<16xi32>, vector<16xi32>], vector<16xf32>,
          %gather3A_403 = tpu.vector_load_idx %arg6[%broadcast_in_dim3A_354, %add3A_390] : memref<8x2048xf32, #tpu.memory_space<vmem>>[vector<16xi32>, vector<16xi32>], vector<16xf32>,
          %gather3A_404 = tpu.vector_load_idx %arg6[%broadcast_in_dim3A_354, %add3A_394] : memref<8x2048xf32, #tpu.memory_space<vmem>>[vector<16xi32>, vector<16xi32>], vector<16xf32>,
          %gather3A_405 = tpu.vector_load_idx %arg6[%broadcast_in_dim3A_354, %add3A_398] : memref<8x2048xf32, #tpu.memory_space<vmem>>[vector<16xi32>, vector<16xi32>], vector<16xf32>,
          %broadcast_in_dim3A_406 = arith.constant 0 : i32
          %broadcast_in_dim3A_407 = vector.broadcast %broadcast_in_dim3A_406 : i32 to vector<16xi32>
          %broadcast_in_dim3A_408 = arith.constant 0 : i32
          %broadcast_in_dim3A_409 = vector.broadcast %broadcast_in_dim3A_408 : i32 to vector<16xi32>
          %broadcast_in_dim3A_410 = arith.constant 0 : i32
          %broadcast_in_dim3A_411 = vector.broadcast %broadcast_in_dim3A_410 : i32 to vector<16xi32>
          %broadcast_in_dim3A_412 = arith.constant 0 : i32
          %broadcast_in_dim3A_413 = vector.broadcast %broadcast_in_dim3A_412 : i32 to vector<16xi32>
          %broadcast_in_dim3A_414 = arith.constant 0 : i32
          %broadcast_in_dim3A_415 = vector.broadcast %broadcast_in_dim3A_414 : i32 to vector<16xi32>
          %broadcast_in_dim3A_416 = arith.constant 0 : i32
          %broadcast_in_dim3A_417 = vector.broadcast %broadcast_in_dim3A_416 : i32 to vector<16xi32>
          %broadcast_in_dim3A_418 = arith.constant 0 : i32
          %broadcast_in_dim3A_419 = vector.broadcast %broadcast_in_dim3A_418 : i32 to vector<16xi32>
          %broadcast_in_dim3A_420 = arith.constant 0 : i32
          %broadcast_in_dim3A_421 = vector.broadcast %broadcast_in_dim3A_420 : i32 to vector<16xi32>
          %le3A_422 = arith.cmpf ole, %gather3A, %gather3A_399 : vector<16xf32>
          %jit3A_423 = arith.constant 1 : i32
          %jit3A_424 = arith.constant -1 : i32
          %broadcast_in_dim3A_425 = vector.broadcast %jit3A_423 : i32 to vector<16xi32>
          %broadcast_in_dim3A_426 = vector.broadcast %jit3A_424 : i32 to vector<16xi32>
          %select_n3A_427 = arith.select %le3A_422, %broadcast_in_dim3A_425, %broadcast_in_dim3A_426 : vector<16xi1>, vector<16xi32>
          %add3A_428 = arith.addi %broadcast_in_dim3A_409, %select_n3A_427 : vector<16xi32>
          %sub3A_429 = arith.subi %broadcast_in_dim3A_407, %select_n3A_427 : vector<16xi32>
          %le3A_430 = arith.cmpf ole, %gather3A, %gather3A_400 : vector<16xf32>
          %jit3A_431 = arith.constant 1 : i32
          %jit3A_432 = arith.constant -1 : i32
          %broadcast_in_dim3A_433 = vector.broadcast %jit3A_431 : i32 to vector<16xi32>
          %broadcast_in_dim3A_434 = vector.broadcast %jit3A_432 : i32 to vector<16xi32>
          %select_n3A_435 = arith.select %le3A_430, %broadcast_in_dim3A_433, %broadcast_in_dim3A_434 : vector<16xi1>, vector<16xi32>
          %add3A_436 = arith.addi %broadcast_in_dim3A_411, %select_n3A_435 : vector<16xi32>
          %sub3A_437 = arith.subi %sub3A_429, %select_n3A_435 : vector<16xi32>
          %le3A_438 = arith.cmpf ole, %gather3A, %gather3A_401 : vector<16xf32>
          %jit3A_439 = arith.constant 1 : i32
          %jit3A_440 = arith.constant -1 : i32
          %broadcast_in_dim3A_441 = vector.broadcast %jit3A_439 : i32 to vector<16xi32>
          %broadcast_in_dim3A_442 = vector.broadcast %jit3A_440 : i32 to vector<16xi32>
          %select_n3A_443 = arith.select %le3A_438, %broadcast_in_dim3A_441, %broadcast_in_dim3A_442 : vector<16xi1>, vector<16xi32>
          %add3A_444 = arith.addi %broadcast_in_dim3A_413, %select_n3A_443 : vector<16xi32>
          %sub3A_445 = arith.subi %sub3A_437, %select_n3A_443 : vector<16xi32>
          %le3A_446 = arith.cmpf ole, %gather3A, %gather3A_402 : vector<16xf32>
          %jit3A_447 = arith.constant 1 : i32
          %jit3A_448 = arith.constant -1 : i32
          %broadcast_in_dim3A_449 = vector.broadcast %jit3A_447 : i32 to vector<16xi32>
          %broadcast_in_dim3A_450 = vector.broadcast %jit3A_448 : i32 to vector<16xi32>
          %select_n3A_451 = arith.select %le3A_446, %broadcast_in_dim3A_449, %broadcast_in_dim3A_450 : vector<16xi1>, vector<16xi32>
          %add3A_452 = arith.addi %broadcast_in_dim3A_415, %select_n3A_451 : vector<16xi32>
          %sub3A_453 = arith.subi %sub3A_445, %select_n3A_451 : vector<16xi32>
          %le3A_454 = arith.cmpf ole, %gather3A, %gather3A_403 : vector<16xf32>
          %jit3A_455 = arith.constant 1 : i32
          %jit3A_456 = arith.constant -1 : i32
          %broadcast_in_dim3A_457 = vector.broadcast %jit3A_455 : i32 to vector<16xi32>
          %broadcast_in_dim3A_458 = vector.broadcast %jit3A_456 : i32 to vector<16xi32>
          %select_n3A_459 = arith.select %le3A_454, %broadcast_in_dim3A_457, %broadcast_in_dim3A_458 : vector<16xi1>, vector<16xi32>
          %add3A_460 = arith.addi %broadcast_in_dim3A_417, %select_n3A_459 : vector<16xi32>
          %sub3A_461 = arith.subi %sub3A_453, %select_n3A_459 : vector<16xi32>
          %le3A_462 = arith.cmpf ole, %gather3A, %gather3A_404 : vector<16xf32>
          %jit3A_463 = arith.constant 1 : i32
          %jit3A_464 = arith.constant -1 : i32
          %broadcast_in_dim3A_465 = vector.broadcast %jit3A_463 : i32 to vector<16xi32>
          %broadcast_in_dim3A_466 = vector.broadcast %jit3A_464 : i32 to vector<16xi32>
          %select_n3A_467 = arith.select %le3A_462, %broadcast_in_dim3A_465, %broadcast_in_dim3A_466 : vector<16xi1>, vector<16xi32>
          %add3A_468 = arith.addi %broadcast_in_dim3A_419, %select_n3A_467 : vector<16xi32>
          %sub3A_469 = arith.subi %sub3A_461, %select_n3A_467 : vector<16xi32>
          %le3A_470 = arith.cmpf ole, %gather3A, %gather3A_405 : vector<16xf32>
          %jit3A_471 = arith.constant 1 : i32
          %jit3A_472 = arith.constant -1 : i32
          %broadcast_in_dim3A_473 = vector.broadcast %jit3A_471 : i32 to vector<16xi32>
          %broadcast_in_dim3A_474 = vector.broadcast %jit3A_472 : i32 to vector<16xi32>
          %select_n3A_475 = arith.select %le3A_470, %broadcast_in_dim3A_473, %broadcast_in_dim3A_474 : vector<16xi1>, vector<16xi32>
          %add3A_476 = arith.addi %broadcast_in_dim3A_421, %select_n3A_475 : vector<16xi32>
          %sub3A_477 = arith.subi %sub3A_469, %select_n3A_475 : vector<16xi32>
          %le3A_478 = arith.cmpf ole, %gather3A_399, %gather3A_400 : vector<16xf32>
          %jit3A_479 = arith.constant 1 : i32
          %jit3A_480 = arith.constant -1 : i32
          %broadcast_in_dim3A_481 = vector.broadcast %jit3A_479 : i32 to vector<16xi32>
          %broadcast_in_dim3A_482 = vector.broadcast %jit3A_480 : i32 to vector<16xi32>
          %select_n3A_483 = arith.select %le3A_478, %broadcast_in_dim3A_481, %broadcast_in_dim3A_482 : vector<16xi1>, vector<16xi32>
          %add3A_484 = arith.addi %add3A_436, %select_n3A_483 : vector<16xi32>
          %sub3A_485 = arith.subi %add3A_428, %select_n3A_483 : vector<16xi32>
          %le3A_486 = arith.cmpf ole, %gather3A_399, %gather3A_401 : vector<16xf32>
          %jit3A_487 = arith.constant 1 : i32
          %jit3A_488 = arith.constant -1 : i32
          %broadcast_in_dim3A_489 = vector.broadcast %jit3A_487 : i32 to vector<16xi32>
          %broadcast_in_dim3A_490 = vector.broadcast %jit3A_488 : i32 to vector<16xi32>
          %select_n3A_491 = arith.select %le3A_486, %broadcast_in_dim3A_489, %broadcast_in_dim3A_490 : vector<16xi1>, vector<16xi32>
          %add3A_492 = arith.addi %add3A_444, %select_n3A_491 : vector<16xi32>
          %sub3A_493 = arith.subi %sub3A_485, %select_n3A_491 : vector<16xi32>
          %le3A_494 = arith.cmpf ole, %gather3A_399, %gather3A_402 : vector<16xf32>
          %jit3A_495 = arith.constant 1 : i32
          %jit3A_496 = arith.constant -1 : i32
          %broadcast_in_dim3A_497 = vector.broadcast %jit3A_495 : i32 to vector<16xi32>
          %broadcast_in_dim3A_498 = vector.broadcast %jit3A_496 : i32 to vector<16xi32>
          %select_n3A_499 = arith.select %le3A_494, %broadcast_in_dim3A_497, %broadcast_in_dim3A_498 : vector<16xi1>, vector<16xi32>
          %add3A_500 = arith.addi %add3A_452, %select_n3A_499 : vector<16xi32>
          %sub3A_501 = arith.subi %sub3A_493, %select_n3A_499 : vector<16xi32>
          %le3A_502 = arith.cmpf ole, %gather3A_399, %gather3A_403 : vector<16xf32>
          %jit3A_503 = arith.constant 1 : i32
          %jit3A_504 = arith.constant -1 : i32
          %broadcast_in_dim3A_505 = vector.broadcast %jit3A_503 : i32 to vector<16xi32>
          %broadcast_in_dim3A_506 = vector.broadcast %jit3A_504 : i32 to vector<16xi32>
          %select_n3A_507 = arith.select %le3A_502, %broadcast_in_dim3A_505, %broadcast_in_dim3A_506 : vector<16xi1>, vector<16xi32>
          %add3A_508 = arith.addi %add3A_460, %select_n3A_507 : vector<16xi32>
          %sub3A_509 = arith.subi %sub3A_501, %select_n3A_507 : vector<16xi32>
          %le3A_510 = arith.cmpf ole, %gather3A_399, %gather3A_404 : vector<16xf32>
          %jit3A_511 = arith.constant 1 : i32
          %jit3A_512 = arith.constant -1 : i32
          %broadcast_in_dim3A_513 = vector.broadcast %jit3A_511 : i32 to vector<16xi32>
          %broadcast_in_dim3A_514 = vector.broadcast %jit3A_512 : i32 to vector<16xi32>
          %select_n3A_515 = arith.select %le3A_510, %broadcast_in_dim3A_513, %broadcast_in_dim3A_514 : vector<16xi1>, vector<16xi32>
          %add3A_516 = arith.addi %add3A_468, %select_n3A_515 : vector<16xi32>
          %sub3A_517 = arith.subi %sub3A_509, %select_n3A_515 : vector<16xi32>
          %le3A_518 = arith.cmpf ole, %gather3A_399, %gather3A_405 : vector<16xf32>
          %jit3A_519 = arith.constant 1 : i32
          %jit3A_520 = arith.constant -1 : i32
          %broadcast_in_dim3A_521 = vector.broadcast %jit3A_519 : i32 to vector<16xi32>
          %broadcast_in_dim3A_522 = vector.broadcast %jit3A_520 : i32 to vector<16xi32>
          %select_n3A_523 = arith.select %le3A_518, %broadcast_in_dim3A_521, %broadcast_in_dim3A_522 : vector<16xi1>, vector<16xi32>
          %add3A_524 = arith.addi %add3A_476, %select_n3A_523 : vector<16xi32>
          %sub3A_525 = arith.subi %sub3A_517, %select_n3A_523 : vector<16xi32>
          %le3A_526 = arith.cmpf ole, %gather3A_400, %gather3A_401 : vector<16xf32>
          %jit3A_527 = arith.constant 1 : i32
          %jit3A_528 = arith.constant -1 : i32
          %broadcast_in_dim3A_529 = vector.broadcast %jit3A_527 : i32 to vector<16xi32>
          %broadcast_in_dim3A_530 = vector.broadcast %jit3A_528 : i32 to vector<16xi32>
          %select_n3A_531 = arith.select %le3A_526, %broadcast_in_dim3A_529, %broadcast_in_dim3A_530 : vector<16xi1>, vector<16xi32>
          %add3A_532 = arith.addi %add3A_492, %select_n3A_531 : vector<16xi32>
          %sub3A_533 = arith.subi %add3A_484, %select_n3A_531 : vector<16xi32>
          %le3A_534 = arith.cmpf ole, %gather3A_400, %gather3A_402 : vector<16xf32>
          %jit3A_535 = arith.constant 1 : i32
          %jit3A_536 = arith.constant -1 : i32
          %broadcast_in_dim3A_537 = vector.broadcast %jit3A_535 : i32 to vector<16xi32>
          %broadcast_in_dim3A_538 = vector.broadcast %jit3A_536 : i32 to vector<16xi32>
          %select_n3A_539 = arith.select %le3A_534, %broadcast_in_dim3A_537, %broadcast_in_dim3A_538 : vector<16xi1>, vector<16xi32>
          %add3A_540 = arith.addi %add3A_500, %select_n3A_539 : vector<16xi32>
          %sub3A_541 = arith.subi %sub3A_533, %select_n3A_539 : vector<16xi32>
          %le3A_542 = arith.cmpf ole, %gather3A_400, %gather3A_403 : vector<16xf32>
          %jit3A_543 = arith.constant 1 : i32
          %jit3A_544 = arith.constant -1 : i32
          %broadcast_in_dim3A_545 = vector.broadcast %jit3A_543 : i32 to vector<16xi32>
          %broadcast_in_dim3A_546 = vector.broadcast %jit3A_544 : i32 to vector<16xi32>
          %select_n3A_547 = arith.select %le3A_542, %broadcast_in_dim3A_545, %broadcast_in_dim3A_546 : vector<16xi1>, vector<16xi32>
          %add3A_548 = arith.addi %add3A_508, %select_n3A_547 : vector<16xi32>
          %sub3A_549 = arith.subi %sub3A_541, %select_n3A_547 : vector<16xi32>
          %le3A_550 = arith.cmpf ole, %gather3A_400, %gather3A_404 : vector<16xf32>
          %jit3A_551 = arith.constant 1 : i32
          %jit3A_552 = arith.constant -1 : i32
          %broadcast_in_dim3A_553 = vector.broadcast %jit3A_551 : i32 to vector<16xi32>
          %broadcast_in_dim3A_554 = vector.broadcast %jit3A_552 : i32 to vector<16xi32>
          %select_n3A_555 = arith.select %le3A_550, %broadcast_in_dim3A_553, %broadcast_in_dim3A_554 : vector<16xi1>, vector<16xi32>
          %add3A_556 = arith.addi %add3A_516, %select_n3A_555 : vector<16xi32>
          %sub3A_557 = arith.subi %sub3A_549, %select_n3A_555 : vector<16xi32>
          %le3A_558 = arith.cmpf ole, %gather3A_400, %gather3A_405 : vector<16xf32>
          %jit3A_559 = arith.constant 1 : i32
          %jit3A_560 = arith.constant -1 : i32
          %broadcast_in_dim3A_561 = vector.broadcast %jit3A_559 : i32 to vector<16xi32>
          %broadcast_in_dim3A_562 = vector.broadcast %jit3A_560 : i32 to vector<16xi32>
          %select_n3A_563 = arith.select %le3A_558, %broadcast_in_dim3A_561, %broadcast_in_dim3A_562 : vector<16xi1>, vector<16xi32>
          %add3A_564 = arith.addi %add3A_524, %select_n3A_563 : vector<16xi32>
          %sub3A_565 = arith.subi %sub3A_557, %select_n3A_563 : vector<16xi32>
          %le3A_566 = arith.cmpf ole, %gather3A_401, %gather3A_402 : vector<16xf32>
          %jit3A_567 = arith.constant 1 : i32
          %jit3A_568 = arith.constant -1 : i32
          %broadcast_in_dim3A_569 = vector.broadcast %jit3A_567 : i32 to vector<16xi32>
          %broadcast_in_dim3A_570 = vector.broadcast %jit3A_568 : i32 to vector<16xi32>
          %select_n3A_571 = arith.select %le3A_566, %broadcast_in_dim3A_569, %broadcast_in_dim3A_570 : vector<16xi1>, vector<16xi32>
          %add3A_572 = arith.addi %add3A_540, %select_n3A_571 : vector<16xi32>
          %sub3A_573 = arith.subi %add3A_532, %select_n3A_571 : vector<16xi32>
          %le3A_574 = arith.cmpf ole, %gather3A_401, %gather3A_403 : vector<16xf32>
          %jit3A_575 = arith.constant 1 : i32
          %jit3A_576 = arith.constant -1 : i32
          %broadcast_in_dim3A_577 = vector.broadcast %jit3A_575 : i32 to vector<16xi32>
          %broadcast_in_dim3A_578 = vector.broadcast %jit3A_576 : i32 to vector<16xi32>
          %select_n3A_579 = arith.select %le3A_574, %broadcast_in_dim3A_577, %broadcast_in_dim3A_578 : vector<16xi1>, vector<16xi32>
          %add3A_580 = arith.addi %add3A_548, %select_n3A_579 : vector<16xi32>
          %sub3A_581 = arith.subi %sub3A_573, %select_n3A_579 : vector<16xi32>
          %le3A_582 = arith.cmpf ole, %gather3A_401, %gather3A_404 : vector<16xf32>
          %jit3A_583 = arith.constant 1 : i32
          %jit3A_584 = arith.constant -1 : i32
          %broadcast_in_dim3A_585 = vector.broadcast %jit3A_583 : i32 to vector<16xi32>
          %broadcast_in_dim3A_586 = vector.broadcast %jit3A_584 : i32 to vector<16xi32>
          %select_n3A_587 = arith.select %le3A_582, %broadcast_in_dim3A_585, %broadcast_in_dim3A_586 : vector<16xi1>, vector<16xi32>
          %add3A_588 = arith.addi %add3A_556, %select_n3A_587 : vector<16xi32>
          %sub3A_589 = arith.subi %sub3A_581, %select_n3A_587 : vector<16xi32>
          %le3A_590 = arith.cmpf ole, %gather3A_401, %gather3A_405 : vector<16xf32>
          %jit3A_591 = arith.constant 1 : i32
          %jit3A_592 = arith.constant -1 : i32
          %broadcast_in_dim3A_593 = vector.broadcast %jit3A_591 : i32 to vector<16xi32>
          %broadcast_in_dim3A_594 = vector.broadcast %jit3A_592 : i32 to vector<16xi32>
          %select_n3A_595 = arith.select %le3A_590, %broadcast_in_dim3A_593, %broadcast_in_dim3A_594 : vector<16xi1>, vector<16xi32>
          %add3A_596 = arith.addi %add3A_564, %select_n3A_595 : vector<16xi32>
          %sub3A_597 = arith.subi %sub3A_589, %select_n3A_595 : vector<16xi32>
          %le3A_598 = arith.cmpf ole, %gather3A_402, %gather3A_403 : vector<16xf32>
          %jit3A_599 = arith.constant 1 : i32
          %jit3A_600 = arith.constant -1 : i32
          %broadcast_in_dim3A_601 = vector.broadcast %jit3A_599 : i32 to vector<16xi32>
          %broadcast_in_dim3A_602 = vector.broadcast %jit3A_600 : i32 to vector<16xi32>
          %select_n3A_603 = arith.select %le3A_598, %broadcast_in_dim3A_601, %broadcast_in_dim3A_602 : vector<16xi1>, vector<16xi32>
          %add3A_604 = arith.addi %add3A_580, %select_n3A_603 : vector<16xi32>
          %sub3A_605 = arith.subi %add3A_572, %select_n3A_603 : vector<16xi32>
          %le3A_606 = arith.cmpf ole, %gather3A_402, %gather3A_404 : vector<16xf32>
          %jit3A_607 = arith.constant 1 : i32
          %jit3A_608 = arith.constant -1 : i32
          %broadcast_in_dim3A_609 = vector.broadcast %jit3A_607 : i32 to vector<16xi32>
          %broadcast_in_dim3A_610 = vector.broadcast %jit3A_608 : i32 to vector<16xi32>
          %select_n3A_611 = arith.select %le3A_606, %broadcast_in_dim3A_609, %broadcast_in_dim3A_610 : vector<16xi1>, vector<16xi32>
          %add3A_612 = arith.addi %add3A_588, %select_n3A_611 : vector<16xi32>
          %sub3A_613 = arith.subi %sub3A_605, %select_n3A_611 : vector<16xi32>
          %le3A_614 = arith.cmpf ole, %gather3A_402, %gather3A_405 : vector<16xf32>
          %jit3A_615 = arith.constant 1 : i32
          %jit3A_616 = arith.constant -1 : i32
          %broadcast_in_dim3A_617 = vector.broadcast %jit3A_615 : i32 to vector<16xi32>
          %broadcast_in_dim3A_618 = vector.broadcast %jit3A_616 : i32 to vector<16xi32>
          %select_n3A_619 = arith.select %le3A_614, %broadcast_in_dim3A_617, %broadcast_in_dim3A_618 : vector<16xi1>, vector<16xi32>
          %add3A_620 = arith.addi %add3A_596, %select_n3A_619 : vector<16xi32>
          %sub3A_621 = arith.subi %sub3A_613, %select_n3A_619 : vector<16xi32>
          %le3A_622 = arith.cmpf ole, %gather3A_403, %gather3A_404 : vector<16xf32>
          %jit3A_623 = arith.constant 1 : i32
          %jit3A_624 = arith.constant -1 : i32
          %broadcast_in_dim3A_625 = vector.broadcast %jit3A_623 : i32 to vector<16xi32>
          %broadcast_in_dim3A_626 = vector.broadcast %jit3A_624 : i32 to vector<16xi32>
          %select_n3A_627 = arith.select %le3A_622, %broadcast_in_dim3A_625, %broadcast_in_dim3A_626 : vector<16xi1>, vector<16xi32>
          %add3A_628 = arith.addi %add3A_612, %select_n3A_627 : vector<16xi32>
          %sub3A_629 = arith.subi %add3A_604, %select_n3A_627 : vector<16xi32>
          %le3A_630 = arith.cmpf ole, %gather3A_403, %gather3A_405 : vector<16xf32>
          %jit3A_631 = arith.constant 1 : i32
          %jit3A_632 = arith.constant -1 : i32
          %broadcast_in_dim3A_633 = vector.broadcast %jit3A_631 : i32 to vector<16xi32>
          %broadcast_in_dim3A_634 = vector.broadcast %jit3A_632 : i32 to vector<16xi32>
          %select_n3A_635 = arith.select %le3A_630, %broadcast_in_dim3A_633, %broadcast_in_dim3A_634 : vector<16xi1>, vector<16xi32>
          %add3A_636 = arith.addi %add3A_620, %select_n3A_635 : vector<16xi32>
          %sub3A_637 = arith.subi %sub3A_629, %select_n3A_635 : vector<16xi32>
          %le3A_638 = arith.cmpf ole, %gather3A_404, %gather3A_405 : vector<16xf32>
          %jit3A_639 = arith.constant 1 : i32
          %jit3A_640 = arith.constant -1 : i32
          %broadcast_in_dim3A_641 = vector.broadcast %jit3A_639 : i32 to vector<16xi32>
          %broadcast_in_dim3A_642 = vector.broadcast %jit3A_640 : i32 to vector<16xi32>
          %select_n3A_643 = arith.select %le3A_638, %broadcast_in_dim3A_641, %broadcast_in_dim3A_642 : vector<16xi1>, vector<16xi32>
          %add3A_644 = arith.addi %add3A_636, %select_n3A_643 : vector<16xi32>
          %sub3A_645 = arith.subi %add3A_628, %select_n3A_643 : vector<16xi32>
          %lt3A_646 = arith.constant 0 : i32
          %lt3A_647 = vector.broadcast %lt3A_646 : i32 to vector<16xi32>
          %lt3A_648 = arith.cmpi slt, %sub3A_477, %lt3A_647 : vector<16xi32>
          tpu.vector_store_idx %arg8[%broadcast_in_dim3A_354, %add3A_370], %broadcast_in_dim3A_6 masked %lt3A_648 : memref<8x2048xf32, #tpu.memory_space<vmem>>[vector<16xi32>, vector<16xi32>], vector<16xf32>, vector<16xi1>
          %lt3A_649 = arith.constant 0 : i32
          %lt3A_650 = vector.broadcast %lt3A_649 : i32 to vector<16xi32>
          %lt3A_651 = arith.cmpi slt, %sub3A_525, %lt3A_650 : vector<16xi32>
          tpu.vector_store_idx %arg8[%broadcast_in_dim3A_354, %add3A_374], %broadcast_in_dim3A_6 masked %lt3A_651 : memref<8x2048xf32, #tpu.memory_space<vmem>>[vector<16xi32>, vector<16xi32>], vector<16xf32>, vector<16xi1>
          %lt3A_652 = arith.constant 0 : i32
          %lt3A_653 = vector.broadcast %lt3A_652 : i32 to vector<16xi32>
          %lt3A_654 = arith.cmpi slt, %sub3A_565, %lt3A_653 : vector<16xi32>
          tpu.vector_store_idx %arg8[%broadcast_in_dim3A_354, %add3A_378], %broadcast_in_dim3A_6 masked %lt3A_654 : memref<8x2048xf32, #tpu.memory_space<vmem>>[vector<16xi32>, vector<16xi32>], vector<16xf32>, vector<16xi1>
          %lt3A_655 = arith.constant 0 : i32
          %lt3A_656 = vector.broadcast %lt3A_655 : i32 to vector<16xi32>
          %lt3A_657 = arith.cmpi slt, %sub3A_597, %lt3A_656 : vector<16xi32>
          tpu.vector_store_idx %arg8[%broadcast_in_dim3A_354, %add3A_382], %broadcast_in_dim3A_6 masked %lt3A_657 : memref<8x2048xf32, #tpu.memory_space<vmem>>[vector<16xi32>, vector<16xi32>], vector<16xf32>, vector<16xi1>
          %lt3A_658 = arith.constant 0 : i32
          %lt3A_659 = vector.broadcast %lt3A_658 : i32 to vector<16xi32>
          %lt3A_660 = arith.cmpi slt, %sub3A_621, %lt3A_659 : vector<16xi32>
          tpu.vector_store_idx %arg8[%broadcast_in_dim3A_354, %add3A_386], %broadcast_in_dim3A_6 masked %lt3A_660 : memref<8x2048xf32, #tpu.memory_space<vmem>>[vector<16xi32>, vector<16xi32>], vector<16xf32>, vector<16xi1>
          %lt3A_661 = arith.constant 0 : i32
          %lt3A_662 = vector.broadcast %lt3A_661 : i32 to vector<16xi32>
          %lt3A_663 = arith.cmpi slt, %sub3A_637, %lt3A_662 : vector<16xi32>
          tpu.vector_store_idx %arg8[%broadcast_in_dim3A_354, %add3A_390], %broadcast_in_dim3A_6 masked %lt3A_663 : memref<8x2048xf32, #tpu.memory_space<vmem>>[vector<16xi32>, vector<16xi32>], vector<16xf32>, vector<16xi1>
          %lt3A_664 = arith.constant 0 : i32
          %lt3A_665 = vector.broadcast %lt3A_664 : i32 to vector<16xi32>
          %lt3A_666 = arith.cmpi slt, %sub3A_645, %lt3A_665 : vector<16xi32>
          tpu.vector_store_idx %arg8[%broadcast_in_dim3A_354, %add3A_394], %broadcast_in_dim3A_6 masked %lt3A_666 : memref<8x2048xf32, #tpu.memory_space<vmem>>[vector<16xi32>, vector<16xi32>], vector<16xf32>, vector<16xi1>
          %lt3A_667 = arith.constant 0 : i32
          %lt3A_668 = vector.broadcast %lt3A_667 : i32 to vector<16xi32>
          %lt3A_669 = arith.cmpi slt, %add3A_644, %lt3A_668 : vector<16xi32>
          tpu.vector_store_idx %arg8[%broadcast_in_dim3A_354, %add3A_398], %broadcast_in_dim3A_6 masked %lt3A_669 : memref<8x2048xf32, #tpu.memory_space<vmem>>[vector<16xi32>, vector<16xi32>], vector<16xf32>, vector<16xi1>
        }
        %scan3A_359 = arith.constant 16 : i32
      }
      %scan3A_144 = arith.constant 8 : i32
      %jit3A_145 = arith.constant 2 : i32
      %div3A_146 = arith.divsi %add3A_127, %jit3A_145 : i32
      %sign3A_147 = arith.constant 0 : i32
      %sign3A_148 = arith.cmpi sgt, %add3A_127, %sign3A_147 : i32
      %sign3A_149 = arith.extui %sign3A_148 : i1 to i32
      %sign3A_150 = arith.constant 0 : i32
      %sign3A_151 = arith.cmpi slt, %add3A_127, %sign3A_150 : i32
      %sign3A_152 = arith.extui %sign3A_151 : i1 to i32
      %sign3A_153 = arith.subi %sign3A_149, %sign3A_152 : i32
      %sign3A_154 = arith.constant 0 : i32
      %sign3A_155 = arith.cmpi sgt, %jit3A_145, %sign3A_154 : i32
      %sign3A_156 = arith.extui %sign3A_155 : i1 to i32
      %sign3A_157 = arith.constant 0 : i32
      %sign3A_158 = arith.cmpi slt, %jit3A_145, %sign3A_157 : i32
      %sign3A_159 = arith.extui %sign3A_158 : i1 to i32
      %sign3A_160 = arith.subi %sign3A_156, %sign3A_159 : i32
      %ne3A_161 = arith.cmpi ne, %sign3A_153, %sign3A_160 : i32
      %rem3A_162 = arith.remsi %add3A_127, %jit3A_145 : i32
      %ne3A_163 = arith.constant 0 : i32
      %ne3A_164 = arith.cmpi ne, %rem3A_162, %ne3A_163 : i32
      %and3A_165 = arith.andi %ne3A_161, %ne3A_164 : i1
      %sub3A_166 = arith.constant 1 : i32
      %sub3A_167 = arith.subi %div3A_146, %sub3A_166 : i32
      %select_n3A_168 = arith.select %and3A_165, %sub3A_167, %div3A_146 : i32
      %mul3A_169 = arith.constant 8 : i32
      %mul3A_170 = arith.muli %select_n3A_168, %mul3A_169 : i32
      %add3A_171 = arith.addi %mul3A_2, %mul3A_170 : i32
      %jit3A_172 = arith.constant 2 : i32
      %eq3A_173 = arith.constant 0 : i32
      %eq3A_174 = arith.cmpi eq, %jit3A_172, %eq3A_173 : i32
      %jit3A_175 = arith.constant 1 : i32
      %select_n3A_176 = arith.select %eq3A_174, %jit3A_175, %jit3A_172 : i32
      %rem3A_177 = arith.remsi %add3A_127, %select_n3A_176 : i32
      %ne3A_178 = arith.constant 0 : i32
      %ne3A_179 = arith.cmpi ne, %rem3A_177, %ne3A_178 : i32
      %lt3A_180 = arith.constant 0 : i32
      %lt3A_181 = arith.cmpi slt, %rem3A_177, %lt3A_180 : i32
      %lt3A_182 = arith.constant 0 : i32
      %lt3A_183 = arith.cmpi slt, %select_n3A_176, %lt3A_182 : i32
      %ne3A_184 = arith.xori %lt3A_181, %lt3A_183 : i1
      %and3A_185 = arith.andi %ne3A_184, %ne3A_179 : i1
      %add3A_186 = arith.addi %rem3A_177, %select_n3A_176 : i32
      %select_n3A_187 = arith.select %and3A_185, %add3A_186, %rem3A_177 : i32
      %mul3A_188 = arith.constant 2048 : i32
      %mul3A_189 = arith.muli %select_n3A_187, %mul3A_188 : i32
      %dma_start3A_190 = tpu.memref_slice %arg4[%add3A_171, %mul3A_189] : memref<8192x4096xf32, #tpu.memory_space<hbm>> -> memref<8x2048xf32, #tpu.memory_space<hbm>>
      %dma_start3A_191 = tpu.memref_slice %arg4[%add3A_171, %mul3A_189] : memref<8192x4096xf32, #tpu.memory_space<hbm>> -> memref<8x2048xf32, #tpu.memory_space<hbm>>
      tpu.enqueue_dma source(%arg8 : memref<8x2048xf32, #tpu.memory_space<vmem>>) target(%dma_start3A_191 : memref<8x2048xf32, #tpu.memory_space<hbm>>) target_semaphore(%arg18 : memref<!tpu.dma_semaphore, #tpu.memory_space<semaphore_mem>>)
      %add3A_192 = arith.constant 2 : i32
      %add3A_193 = arith.addi %add3A_127, %add3A_192 : i32
      %le3A_194 = arith.constant 63 : i32
      %le3A_195 = arith.cmpi sle, %add3A_193, %le3A_194 : i32
      %convert_element_type3A_196 = arith.extui %le3A_195 : i1 to i32
      %cond3A_197 = arith.constant 0 : i32
      %cond3A_198 = arith.cmpi ne, %convert_element_type3A_196, %cond3A_197 : i32
      scf.if %cond3A_198 {
        %add3A_349 = arith.constant 2 : i32
        %add3A_350 = arith.addi %add3A_127, %add3A_349 : i32
        %jit3A_351 = arith.constant 2 : i32
        %div3A_352 = arith.divsi %add3A_350, %jit3A_351 : i32
        %sign3A_353 = arith.constant 0 : i32
        %sign3A_354 = arith.cmpi sgt, %add3A_350, %sign3A_353 : i32
        %sign3A_355 = arith.extui %sign3A_354 : i1 to i32
        %sign3A_356 = arith.constant 0 : i32
        %sign3A_357 = arith.cmpi slt, %add3A_350, %sign3A_356 : i32
        %sign3A_358 = arith.extui %sign3A_357 : i1 to i32
        %sign3A_359 = arith.subi %sign3A_355, %sign3A_358 : i32
        %sign3A_360 = arith.constant 0 : i32
        %sign3A_361 = arith.cmpi sgt, %jit3A_351, %sign3A_360 : i32
        %sign3A_362 = arith.extui %sign3A_361 : i1 to i32
        %sign3A_363 = arith.constant 0 : i32
        %sign3A_364 = arith.cmpi slt, %jit3A_351, %sign3A_363 : i32
        %sign3A_365 = arith.extui %sign3A_364 : i1 to i32
        %sign3A_366 = arith.subi %sign3A_362, %sign3A_365 : i32
        %ne3A_367 = arith.cmpi ne, %sign3A_359, %sign3A_366 : i32
        %rem3A_368 = arith.remsi %add3A_350, %jit3A_351 : i32
        %ne3A_369 = arith.constant 0 : i32
        %ne3A_370 = arith.cmpi ne, %rem3A_368, %ne3A_369 : i32
        %and3A_371 = arith.andi %ne3A_367, %ne3A_370 : i1
        %sub3A_372 = arith.constant 1 : i32
        %sub3A_373 = arith.subi %div3A_352, %sub3A_372 : i32
        %select_n3A_374 = arith.select %and3A_371, %sub3A_373, %div3A_352 : i32
        %mul3A_375 = arith.constant 8 : i32
        %mul3A_376 = arith.muli %select_n3A_374, %mul3A_375 : i32
        %add3A_377 = arith.addi %mul3A_2, %mul3A_376 : i32
        %jit3A_378 = arith.constant 2 : i32
        %eq3A_379 = arith.constant 0 : i32
        %eq3A_380 = arith.cmpi eq, %jit3A_378, %eq3A_379 : i32
        %jit3A_381 = arith.constant 1 : i32
        %select_n3A_382 = arith.select %eq3A_380, %jit3A_381, %jit3A_378 : i32
        %rem3A_383 = arith.remsi %add3A_350, %select_n3A_382 : i32
        %ne3A_384 = arith.constant 0 : i32
        %ne3A_385 = arith.cmpi ne, %rem3A_383, %ne3A_384 : i32
        %lt3A_386 = arith.constant 0 : i32
        %lt3A_387 = arith.cmpi slt, %rem3A_383, %lt3A_386 : i32
        %lt3A_388 = arith.constant 0 : i32
        %lt3A_389 = arith.cmpi slt, %select_n3A_382, %lt3A_388 : i32
        %ne3A_390 = arith.xori %lt3A_387, %lt3A_389 : i1
        %and3A_391 = arith.andi %ne3A_390, %ne3A_385 : i1
        %add3A_392 = arith.addi %rem3A_383, %select_n3A_382 : i32
        %select_n3A_393 = arith.select %and3A_391, %add3A_392, %rem3A_383 : i32
        %mul3A_394 = arith.constant 2048 : i32
        %mul3A_395 = arith.muli %select_n3A_393, %mul3A_394 : i32
        %dma_start3A_396 = tpu.memref_slice %arg3[%add3A_377, %mul3A_395] : memref<8192x4096xf32, #tpu.memory_space<hbm>> -> memref<8x2048xf32, #tpu.memory_space<hbm>>
        %dma_start3A_397 = tpu.memref_slice %arg3[%add3A_377, %mul3A_395] : memref<8192x4096xf32, #tpu.memory_space<hbm>> -> memref<8x2048xf32, #tpu.memory_space<hbm>>
        tpu.enqueue_dma source(%dma_start3A_397 : memref<8x2048xf32, #tpu.memory_space<hbm>>) target(%arg6 : memref<8x2048xf32, #tpu.memory_space<vmem>>) target_semaphore(%arg12 : memref<!tpu.dma_semaphore, #tpu.memory_space<semaphore_mem>>)
        %ge3A = arith.constant 2 : i32
        %ge3A_398 = arith.cmpi sge, %add3A_127, %ge3A : i32
        %convert_element_type3A_399 = arith.extui %ge3A_398 : i1 to i32
        %cond3A_400 = arith.constant 0 : i32
        %cond3A_401 = arith.cmpi ne, %convert_element_type3A_399, %cond3A_400 : i32
        scf.if %cond3A_401 {
          %dma_wait3A_451 = arith.constant 0 : i32
          %dma_wait3A_452 = arith.constant 0 : i32
          %dma_wait3A_453 = tpu.memref_slice %arg4[%dma_wait3A_451, %dma_wait3A_452] : memref<8192x4096xf32, #tpu.memory_space<hbm>> -> memref<8x2048xf32, #tpu.memory_space<hbm>>
          %dma_wait3A_454 = arith.constant 0 : i32
          %dma_wait3A_455 = arith.constant 0 : i32
          %dma_wait3A_456 = tpu.memref_slice %arg4[%dma_wait3A_454, %dma_wait3A_455] : memref<8192x4096xf32, #tpu.memory_space<hbm>> -> memref<8x2048xf32, #tpu.memory_space<hbm>>
          tpu.wait_dma2 semaphore(%arg20 : memref<!tpu.dma_semaphore, #tpu.memory_space<semaphore_mem>>) src(%arg10 : memref<8x2048xf32, #tpu.memory_space<vmem>>) dst(%dma_wait3A_456 : memref<8x2048xf32, #tpu.memory_space<hbm>>)
        } else {
        }
        %add3A_402 = arith.constant 2 : i32
        %add3A_403 = arith.addi %add3A_127, %add3A_402 : i32
        %jit3A_404 = arith.constant 2 : i32
        %div3A_405 = arith.divsi %add3A_403, %jit3A_404 : i32
        %sign3A_406 = arith.constant 0 : i32
        %sign3A_407 = arith.cmpi sgt, %add3A_403, %sign3A_406 : i32
        %sign3A_408 = arith.extui %sign3A_407 : i1 to i32
        %sign3A_409 = arith.constant 0 : i32
        %sign3A_410 = arith.cmpi slt, %add3A_403, %sign3A_409 : i32
        %sign3A_411 = arith.extui %sign3A_410 : i1 to i32
        %sign3A_412 = arith.subi %sign3A_408, %sign3A_411 : i32
        %sign3A_413 = arith.constant 0 : i32
        %sign3A_414 = arith.cmpi sgt, %jit3A_404, %sign3A_413 : i32
        %sign3A_415 = arith.extui %sign3A_414 : i1 to i32
        %sign3A_416 = arith.constant 0 : i32
        %sign3A_417 = arith.cmpi slt, %jit3A_404, %sign3A_416 : i32
        %sign3A_418 = arith.extui %sign3A_417 : i1 to i32
        %sign3A_419 = arith.subi %sign3A_415, %sign3A_418 : i32
        %ne3A_420 = arith.cmpi ne, %sign3A_412, %sign3A_419 : i32
        %rem3A_421 = arith.remsi %add3A_403, %jit3A_404 : i32
        %ne3A_422 = arith.constant 0 : i32
        %ne3A_423 = arith.cmpi ne, %rem3A_421, %ne3A_422 : i32
        %and3A_424 = arith.andi %ne3A_420, %ne3A_423 : i1
        %sub3A_425 = arith.constant 1 : i32
        %sub3A_426 = arith.subi %div3A_405, %sub3A_425 : i32
        %select_n3A_427 = arith.select %and3A_424, %sub3A_426, %div3A_405 : i32
        %mul3A_428 = arith.constant 8 : i32
        %mul3A_429 = arith.muli %select_n3A_427, %mul3A_428 : i32
        %add3A_430 = arith.addi %mul3A_2, %mul3A_429 : i32
        %jit3A_431 = arith.constant 2 : i32
        %eq3A_432 = arith.constant 0 : i32
        %eq3A_433 = arith.cmpi eq, %jit3A_431, %eq3A_432 : i32
        %jit3A_434 = arith.constant 1 : i32
        %select_n3A_435 = arith.select %eq3A_433, %jit3A_434, %jit3A_431 : i32
        %rem3A_436 = arith.remsi %add3A_403, %select_n3A_435 : i32
        %ne3A_437 = arith.constant 0 : i32
        %ne3A_438 = arith.cmpi ne, %rem3A_436, %ne3A_437 : i32
        %lt3A_439 = arith.constant 0 : i32
        %lt3A_440 = arith.cmpi slt, %rem3A_436, %lt3A_439 : i32
        %lt3A_441 = arith.constant 0 : i32
        %lt3A_442 = arith.cmpi slt, %select_n3A_435, %lt3A_441 : i32
        %ne3A_443 = arith.xori %lt3A_440, %lt3A_442 : i1
        %and3A_444 = arith.andi %ne3A_443, %ne3A_438 : i1
        %add3A_445 = arith.addi %rem3A_436, %select_n3A_435 : i32
        %select_n3A_446 = arith.select %and3A_444, %add3A_445, %rem3A_436 : i32
        %mul3A_447 = arith.constant 2048 : i32
        %mul3A_448 = arith.muli %select_n3A_446, %mul3A_447 : i32
        %dma_start3A_449 = tpu.memref_slice %arg2[%add3A_430, %mul3A_448] : memref<8192x4096xf32, #tpu.memory_space<hbm>> -> memref<8x2048xf32, #tpu.memory_space<hbm>>
        %dma_start3A_450 = tpu.memref_slice %arg2[%add3A_430, %mul3A_448] : memref<8192x4096xf32, #tpu.memory_space<hbm>> -> memref<8x2048xf32, #tpu.memory_space<hbm>>
        tpu.enqueue_dma source(%dma_start3A_450 : memref<8x2048xf32, #tpu.memory_space<hbm>>) target(%arg10 : memref<8x2048xf32, #tpu.memory_space<vmem>>) target_semaphore(%arg16 : memref<!tpu.dma_semaphore, #tpu.memory_space<semaphore_mem>>)
      } else {
      }
      %mul3A_199 = arith.constant 4 : i32
      %mul3A_200 = arith.muli %add3A_61, %mul3A_199 : i32
      %add3A_201 = arith.constant 2 : i32
      %add3A_202 = arith.addi %mul3A_200, %add3A_201 : i32
      %dma_wait3A_203 = arith.constant 0 : i32
      %dma_wait3A_204 = arith.constant 0 : i32
      %dma_wait3A_205 = tpu.memref_slice %arg3[%dma_wait3A_203, %dma_wait3A_204] : memref<8192x4096xf32, #tpu.memory_space<hbm>> -> memref<8x2048xf32, #tpu.memory_space<hbm>>
      %dma_wait3A_206 = arith.constant 0 : i32
      %dma_wait3A_207 = arith.constant 0 : i32
      %dma_wait3A_208 = tpu.memref_slice %arg3[%dma_wait3A_206, %dma_wait3A_207] : memref<8192x4096xf32, #tpu.memory_space<hbm>> -> memref<8x2048xf32, #tpu.memory_space<hbm>>
      tpu.wait_dma2 semaphore(%arg11 : memref<!tpu.dma_semaphore, #tpu.memory_space<semaphore_mem>>) src(%dma_wait3A_208 : memref<8x2048xf32, #tpu.memory_space<hbm>>) dst(%arg5 : memref<8x2048xf32, #tpu.memory_space<vmem>>)
      %dma_wait3A_209 = arith.constant 0 : i32
      %dma_wait3A_210 = arith.constant 0 : i32
      %dma_wait3A_211 = tpu.memref_slice %arg2[%dma_wait3A_209, %dma_wait3A_210] : memref<8192x4096xf32, #tpu.memory_space<hbm>> -> memref<8x2048xf32, #tpu.memory_space<hbm>>
      %dma_wait3A_212 = arith.constant 0 : i32
      %dma_wait3A_213 = arith.constant 0 : i32
      %dma_wait3A_214 = tpu.memref_slice %arg2[%dma_wait3A_212, %dma_wait3A_213] : memref<8192x4096xf32, #tpu.memory_space<hbm>> -> memref<8x2048xf32, #tpu.memory_space<hbm>>
      tpu.wait_dma2 semaphore(%arg15 : memref<!tpu.dma_semaphore, #tpu.memory_space<semaphore_mem>>) src(%dma_wait3A_214 : memref<8x2048xf32, #tpu.memory_space<hbm>>) dst(%arg9 : memref<8x2048xf32, #tpu.memory_space<vmem>>)
      %scan3A_215 = arith.constant 0 : i32
      %scan3A_216 = arith.constant 8 : i32
      %scan3A_217 = arith.addi %scan3A_215, %scan3A_216 : i32
      %scan3A_218 = arith.constant 1 : i32
      scf.for %scan3A_349 = %scan3A_215 to %scan3A_217 step %scan3A_218  : i32 {
        %mul3A_350 = arith.constant 1 : i32
        %mul3A_351 = arith.muli %scan3A_349, %mul3A_350 : i32
        %add3A_352 = arith.constant 0 : i32
        %add3A_353 = arith.addi %add3A_352, %mul3A_351 : i32
        %broadcast_in_dim3A_354 = vector.broadcast %add3A_353 : i32 to vector<16xi32>
        %scan3A_355 = arith.constant 0 : i32
        %scan3A_356 = arith.constant 16 : i32
        %scan3A_357 = arith.addi %scan3A_355, %scan3A_356 : i32
        %scan3A_358 = arith.constant 1 : i32
        scf.for %scan3A_360 = %scan3A_355 to %scan3A_357 step %scan3A_358  : i32 {
          %mul3A_361 = arith.constant 1 : i32
          %mul3A_362 = arith.muli %scan3A_360, %mul3A_361 : i32
          %add3A_363 = arith.constant 0 : i32
          %add3A_364 = arith.addi %add3A_363, %mul3A_362 : i32
          %mul3A_365 = arith.constant 128 : i32
          %mul3A_366 = arith.muli %add3A_364, %mul3A_365 : i32
          %add3A_367 = arith.constant 0 : i32
          %add3A_368 = arith.addi %mul3A_366, %add3A_367 : i32
          %add3A_369 = vector.broadcast %add3A_368 : i32 to vector<16xi32>
          %add3A_370 = arith.addi %mul3A_5, %add3A_369 : vector<16xi32>
          %add3A_371 = arith.constant 1 : i32
          %add3A_372 = arith.addi %mul3A_366, %add3A_371 : i32
          %add3A_373 = vector.broadcast %add3A_372 : i32 to vector<16xi32>
          %add3A_374 = arith.addi %mul3A_5, %add3A_373 : vector<16xi32>
          %add3A_375 = arith.constant 2 : i32
          %add3A_376 = arith.addi %mul3A_366, %add3A_375 : i32
          %add3A_377 = vector.broadcast %add3A_376 : i32 to vector<16xi32>
          %add3A_378 = arith.addi %mul3A_5, %add3A_377 : vector<16xi32>
          %add3A_379 = arith.constant 3 : i32
          %add3A_380 = arith.addi %mul3A_366, %add3A_379 : i32
          %add3A_381 = vector.broadcast %add3A_380 : i32 to vector<16xi32>
          %add3A_382 = arith.addi %mul3A_5, %add3A_381 : vector<16xi32>
          %add3A_383 = arith.constant 4 : i32
          %add3A_384 = arith.addi %mul3A_366, %add3A_383 : i32
          %add3A_385 = vector.broadcast %add3A_384 : i32 to vector<16xi32>
          %add3A_386 = arith.addi %mul3A_5, %add3A_385 : vector<16xi32>
          %add3A_387 = arith.constant 5 : i32
          %add3A_388 = arith.addi %mul3A_366, %add3A_387 : i32
          %add3A_389 = vector.broadcast %add3A_388 : i32 to vector<16xi32>
          %add3A_390 = arith.addi %mul3A_5, %add3A_389 : vector<16xi32>
          %add3A_391 = arith.constant 6 : i32
          %add3A_392 = arith.addi %mul3A_366, %add3A_391 : i32
          %add3A_393 = vector.broadcast %add3A_392 : i32 to vector<16xi32>
          %add3A_394 = arith.addi %mul3A_5, %add3A_393 : vector<16xi32>
          %add3A_395 = arith.constant 7 : i32
          %add3A_396 = arith.addi %mul3A_366, %add3A_395 : i32
          %add3A_397 = vector.broadcast %add3A_396 : i32 to vector<16xi32>
          %add3A_398 = arith.addi %mul3A_5, %add3A_397 : vector<16xi32>
          %gather3A = tpu.vector_load_idx %arg5[%broadcast_in_dim3A_354, %add3A_370] : memref<8x2048xf32, #tpu.memory_space<vmem>>[vector<16xi32>, vector<16xi32>], vector<16xf32>,
          %gather3A_399 = tpu.vector_load_idx %arg5[%broadcast_in_dim3A_354, %add3A_374] : memref<8x2048xf32, #tpu.memory_space<vmem>>[vector<16xi32>, vector<16xi32>], vector<16xf32>,
          %gather3A_400 = tpu.vector_load_idx %arg5[%broadcast_in_dim3A_354, %add3A_378] : memref<8x2048xf32, #tpu.memory_space<vmem>>[vector<16xi32>, vector<16xi32>], vector<16xf32>,
          %gather3A_401 = tpu.vector_load_idx %arg5[%broadcast_in_dim3A_354, %add3A_382] : memref<8x2048xf32, #tpu.memory_space<vmem>>[vector<16xi32>, vector<16xi32>], vector<16xf32>,
          %gather3A_402 = tpu.vector_load_idx %arg5[%broadcast_in_dim3A_354, %add3A_386] : memref<8x2048xf32, #tpu.memory_space<vmem>>[vector<16xi32>, vector<16xi32>], vector<16xf32>,
          %gather3A_403 = tpu.vector_load_idx %arg5[%broadcast_in_dim3A_354, %add3A_390] : memref<8x2048xf32, #tpu.memory_space<vmem>>[vector<16xi32>, vector<16xi32>], vector<16xf32>,
          %gather3A_404 = tpu.vector_load_idx %arg5[%broadcast_in_dim3A_354, %add3A_394] : memref<8x2048xf32, #tpu.memory_space<vmem>>[vector<16xi32>, vector<16xi32>], vector<16xf32>,
          %gather3A_405 = tpu.vector_load_idx %arg5[%broadcast_in_dim3A_354, %add3A_398] : memref<8x2048xf32, #tpu.memory_space<vmem>>[vector<16xi32>, vector<16xi32>], vector<16xf32>,
          %broadcast_in_dim3A_406 = arith.constant 0 : i32
          %broadcast_in_dim3A_407 = vector.broadcast %broadcast_in_dim3A_406 : i32 to vector<16xi32>
          %broadcast_in_dim3A_408 = arith.constant 0 : i32
          %broadcast_in_dim3A_409 = vector.broadcast %broadcast_in_dim3A_408 : i32 to vector<16xi32>
          %broadcast_in_dim3A_410 = arith.constant 0 : i32
          %broadcast_in_dim3A_411 = vector.broadcast %broadcast_in_dim3A_410 : i32 to vector<16xi32>
          %broadcast_in_dim3A_412 = arith.constant 0 : i32
          %broadcast_in_dim3A_413 = vector.broadcast %broadcast_in_dim3A_412 : i32 to vector<16xi32>
          %broadcast_in_dim3A_414 = arith.constant 0 : i32
          %broadcast_in_dim3A_415 = vector.broadcast %broadcast_in_dim3A_414 : i32 to vector<16xi32>
          %broadcast_in_dim3A_416 = arith.constant 0 : i32
          %broadcast_in_dim3A_417 = vector.broadcast %broadcast_in_dim3A_416 : i32 to vector<16xi32>
          %broadcast_in_dim3A_418 = arith.constant 0 : i32
          %broadcast_in_dim3A_419 = vector.broadcast %broadcast_in_dim3A_418 : i32 to vector<16xi32>
          %broadcast_in_dim3A_420 = arith.constant 0 : i32
          %broadcast_in_dim3A_421 = vector.broadcast %broadcast_in_dim3A_420 : i32 to vector<16xi32>
          %le3A_422 = arith.cmpf ole, %gather3A, %gather3A_399 : vector<16xf32>
          %jit3A_423 = arith.constant 1 : i32
          %jit3A_424 = arith.constant -1 : i32
          %broadcast_in_dim3A_425 = vector.broadcast %jit3A_423 : i32 to vector<16xi32>
          %broadcast_in_dim3A_426 = vector.broadcast %jit3A_424 : i32 to vector<16xi32>
          %select_n3A_427 = arith.select %le3A_422, %broadcast_in_dim3A_425, %broadcast_in_dim3A_426 : vector<16xi1>, vector<16xi32>
          %add3A_428 = arith.addi %broadcast_in_dim3A_409, %select_n3A_427 : vector<16xi32>
          %sub3A_429 = arith.subi %broadcast_in_dim3A_407, %select_n3A_427 : vector<16xi32>
          %le3A_430 = arith.cmpf ole, %gather3A, %gather3A_400 : vector<16xf32>
          %jit3A_431 = arith.constant 1 : i32
          %jit3A_432 = arith.constant -1 : i32
          %broadcast_in_dim3A_433 = vector.broadcast %jit3A_431 : i32 to vector<16xi32>
          %broadcast_in_dim3A_434 = vector.broadcast %jit3A_432 : i32 to vector<16xi32>
          %select_n3A_435 = arith.select %le3A_430, %broadcast_in_dim3A_433, %broadcast_in_dim3A_434 : vector<16xi1>, vector<16xi32>
          %add3A_436 = arith.addi %broadcast_in_dim3A_411, %select_n3A_435 : vector<16xi32>
          %sub3A_437 = arith.subi %sub3A_429, %select_n3A_435 : vector<16xi32>
          %le3A_438 = arith.cmpf ole, %gather3A, %gather3A_401 : vector<16xf32>
          %jit3A_439 = arith.constant 1 : i32
          %jit3A_440 = arith.constant -1 : i32
          %broadcast_in_dim3A_441 = vector.broadcast %jit3A_439 : i32 to vector<16xi32>
          %broadcast_in_dim3A_442 = vector.broadcast %jit3A_440 : i32 to vector<16xi32>
          %select_n3A_443 = arith.select %le3A_438, %broadcast_in_dim3A_441, %broadcast_in_dim3A_442 : vector<16xi1>, vector<16xi32>
          %add3A_444 = arith.addi %broadcast_in_dim3A_413, %select_n3A_443 : vector<16xi32>
          %sub3A_445 = arith.subi %sub3A_437, %select_n3A_443 : vector<16xi32>
          %le3A_446 = arith.cmpf ole, %gather3A, %gather3A_402 : vector<16xf32>
          %jit3A_447 = arith.constant 1 : i32
          %jit3A_448 = arith.constant -1 : i32
          %broadcast_in_dim3A_449 = vector.broadcast %jit3A_447 : i32 to vector<16xi32>
          %broadcast_in_dim3A_450 = vector.broadcast %jit3A_448 : i32 to vector<16xi32>
          %select_n3A_451 = arith.select %le3A_446, %broadcast_in_dim3A_449, %broadcast_in_dim3A_450 : vector<16xi1>, vector<16xi32>
          %add3A_452 = arith.addi %broadcast_in_dim3A_415, %select_n3A_451 : vector<16xi32>
          %sub3A_453 = arith.subi %sub3A_445, %select_n3A_451 : vector<16xi32>
          %le3A_454 = arith.cmpf ole, %gather3A, %gather3A_403 : vector<16xf32>
          %jit3A_455 = arith.constant 1 : i32
          %jit3A_456 = arith.constant -1 : i32
          %broadcast_in_dim3A_457 = vector.broadcast %jit3A_455 : i32 to vector<16xi32>
          %broadcast_in_dim3A_458 = vector.broadcast %jit3A_456 : i32 to vector<16xi32>
          %select_n3A_459 = arith.select %le3A_454, %broadcast_in_dim3A_457, %broadcast_in_dim3A_458 : vector<16xi1>, vector<16xi32>
          %add3A_460 = arith.addi %broadcast_in_dim3A_417, %select_n3A_459 : vector<16xi32>
          %sub3A_461 = arith.subi %sub3A_453, %select_n3A_459 : vector<16xi32>
          %le3A_462 = arith.cmpf ole, %gather3A, %gather3A_404 : vector<16xf32>
          %jit3A_463 = arith.constant 1 : i32
          %jit3A_464 = arith.constant -1 : i32
          %broadcast_in_dim3A_465 = vector.broadcast %jit3A_463 : i32 to vector<16xi32>
          %broadcast_in_dim3A_466 = vector.broadcast %jit3A_464 : i32 to vector<16xi32>
          %select_n3A_467 = arith.select %le3A_462, %broadcast_in_dim3A_465, %broadcast_in_dim3A_466 : vector<16xi1>, vector<16xi32>
          %add3A_468 = arith.addi %broadcast_in_dim3A_419, %select_n3A_467 : vector<16xi32>
          %sub3A_469 = arith.subi %sub3A_461, %select_n3A_467 : vector<16xi32>
          %le3A_470 = arith.cmpf ole, %gather3A, %gather3A_405 : vector<16xf32>
          %jit3A_471 = arith.constant 1 : i32
          %jit3A_472 = arith.constant -1 : i32
          %broadcast_in_dim3A_473 = vector.broadcast %jit3A_471 : i32 to vector<16xi32>
          %broadcast_in_dim3A_474 = vector.broadcast %jit3A_472 : i32 to vector<16xi32>
          %select_n3A_475 = arith.select %le3A_470, %broadcast_in_dim3A_473, %broadcast_in_dim3A_474 : vector<16xi1>, vector<16xi32>
          %add3A_476 = arith.addi %broadcast_in_dim3A_421, %select_n3A_475 : vector<16xi32>
          %sub3A_477 = arith.subi %sub3A_469, %select_n3A_475 : vector<16xi32>
          %le3A_478 = arith.cmpf ole, %gather3A_399, %gather3A_400 : vector<16xf32>
          %jit3A_479 = arith.constant 1 : i32
          %jit3A_480 = arith.constant -1 : i32
          %broadcast_in_dim3A_481 = vector.broadcast %jit3A_479 : i32 to vector<16xi32>
          %broadcast_in_dim3A_482 = vector.broadcast %jit3A_480 : i32 to vector<16xi32>
          %select_n3A_483 = arith.select %le3A_478, %broadcast_in_dim3A_481, %broadcast_in_dim3A_482 : vector<16xi1>, vector<16xi32>
          %add3A_484 = arith.addi %add3A_436, %select_n3A_483 : vector<16xi32>
          %sub3A_485 = arith.subi %add3A_428, %select_n3A_483 : vector<16xi32>
          %le3A_486 = arith.cmpf ole, %gather3A_399, %gather3A_401 : vector<16xf32>
          %jit3A_487 = arith.constant 1 : i32
          %jit3A_488 = arith.constant -1 : i32
          %broadcast_in_dim3A_489 = vector.broadcast %jit3A_487 : i32 to vector<16xi32>
          %broadcast_in_dim3A_490 = vector.broadcast %jit3A_488 : i32 to vector<16xi32>
          %select_n3A_491 = arith.select %le3A_486, %broadcast_in_dim3A_489, %broadcast_in_dim3A_490 : vector<16xi1>, vector<16xi32>
          %add3A_492 = arith.addi %add3A_444, %select_n3A_491 : vector<16xi32>
          %sub3A_493 = arith.subi %sub3A_485, %select_n3A_491 : vector<16xi32>
          %le3A_494 = arith.cmpf ole, %gather3A_399, %gather3A_402 : vector<16xf32>
          %jit3A_495 = arith.constant 1 : i32
          %jit3A_496 = arith.constant -1 : i32
          %broadcast_in_dim3A_497 = vector.broadcast %jit3A_495 : i32 to vector<16xi32>
          %broadcast_in_dim3A_498 = vector.broadcast %jit3A_496 : i32 to vector<16xi32>
          %select_n3A_499 = arith.select %le3A_494, %broadcast_in_dim3A_497, %broadcast_in_dim3A_498 : vector<16xi1>, vector<16xi32>
          %add3A_500 = arith.addi %add3A_452, %select_n3A_499 : vector<16xi32>
          %sub3A_501 = arith.subi %sub3A_493, %select_n3A_499 : vector<16xi32>
          %le3A_502 = arith.cmpf ole, %gather3A_399, %gather3A_403 : vector<16xf32>
          %jit3A_503 = arith.constant 1 : i32
          %jit3A_504 = arith.constant -1 : i32
          %broadcast_in_dim3A_505 = vector.broadcast %jit3A_503 : i32 to vector<16xi32>
          %broadcast_in_dim3A_506 = vector.broadcast %jit3A_504 : i32 to vector<16xi32>
          %select_n3A_507 = arith.select %le3A_502, %broadcast_in_dim3A_505, %broadcast_in_dim3A_506 : vector<16xi1>, vector<16xi32>
          %add3A_508 = arith.addi %add3A_460, %select_n3A_507 : vector<16xi32>
          %sub3A_509 = arith.subi %sub3A_501, %select_n3A_507 : vector<16xi32>
          %le3A_510 = arith.cmpf ole, %gather3A_399, %gather3A_404 : vector<16xf32>
          %jit3A_511 = arith.constant 1 : i32
          %jit3A_512 = arith.constant -1 : i32
          %broadcast_in_dim3A_513 = vector.broadcast %jit3A_511 : i32 to vector<16xi32>
          %broadcast_in_dim3A_514 = vector.broadcast %jit3A_512 : i32 to vector<16xi32>
          %select_n3A_515 = arith.select %le3A_510, %broadcast_in_dim3A_513, %broadcast_in_dim3A_514 : vector<16xi1>, vector<16xi32>
          %add3A_516 = arith.addi %add3A_468, %select_n3A_515 : vector<16xi32>
          %sub3A_517 = arith.subi %sub3A_509, %select_n3A_515 : vector<16xi32>
          %le3A_518 = arith.cmpf ole, %gather3A_399, %gather3A_405 : vector<16xf32>
          %jit3A_519 = arith.constant 1 : i32
          %jit3A_520 = arith.constant -1 : i32
          %broadcast_in_dim3A_521 = vector.broadcast %jit3A_519 : i32 to vector<16xi32>
          %broadcast_in_dim3A_522 = vector.broadcast %jit3A_520 : i32 to vector<16xi32>
          %select_n3A_523 = arith.select %le3A_518, %broadcast_in_dim3A_521, %broadcast_in_dim3A_522 : vector<16xi1>, vector<16xi32>
          %add3A_524 = arith.addi %add3A_476, %select_n3A_523 : vector<16xi32>
          %sub3A_525 = arith.subi %sub3A_517, %select_n3A_523 : vector<16xi32>
          %le3A_526 = arith.cmpf ole, %gather3A_400, %gather3A_401 : vector<16xf32>
          %jit3A_527 = arith.constant 1 : i32
          %jit3A_528 = arith.constant -1 : i32
          %broadcast_in_dim3A_529 = vector.broadcast %jit3A_527 : i32 to vector<16xi32>
          %broadcast_in_dim3A_530 = vector.broadcast %jit3A_528 : i32 to vector<16xi32>
          %select_n3A_531 = arith.select %le3A_526, %broadcast_in_dim3A_529, %broadcast_in_dim3A_530 : vector<16xi1>, vector<16xi32>
          %add3A_532 = arith.addi %add3A_492, %select_n3A_531 : vector<16xi32>
          %sub3A_533 = arith.subi %add3A_484, %select_n3A_531 : vector<16xi32>
          %le3A_534 = arith.cmpf ole, %gather3A_400, %gather3A_402 : vector<16xf32>
          %jit3A_535 = arith.constant 1 : i32
          %jit3A_536 = arith.constant -1 : i32
          %broadcast_in_dim3A_537 = vector.broadcast %jit3A_535 : i32 to vector<16xi32>
          %broadcast_in_dim3A_538 = vector.broadcast %jit3A_536 : i32 to vector<16xi32>
          %select_n3A_539 = arith.select %le3A_534, %broadcast_in_dim3A_537, %broadcast_in_dim3A_538 : vector<16xi1>, vector<16xi32>
          %add3A_540 = arith.addi %add3A_500, %select_n3A_539 : vector<16xi32>
          %sub3A_541 = arith.subi %sub3A_533, %select_n3A_539 : vector<16xi32>
          %le3A_542 = arith.cmpf ole, %gather3A_400, %gather3A_403 : vector<16xf32>
          %jit3A_543 = arith.constant 1 : i32
          %jit3A_544 = arith.constant -1 : i32
          %broadcast_in_dim3A_545 = vector.broadcast %jit3A_543 : i32 to vector<16xi32>
          %broadcast_in_dim3A_546 = vector.broadcast %jit3A_544 : i32 to vector<16xi32>
          %select_n3A_547 = arith.select %le3A_542, %broadcast_in_dim3A_545, %broadcast_in_dim3A_546 : vector<16xi1>, vector<16xi32>
          %add3A_548 = arith.addi %add3A_508, %select_n3A_547 : vector<16xi32>
          %sub3A_549 = arith.subi %sub3A_541, %select_n3A_547 : vector<16xi32>
          %le3A_550 = arith.cmpf ole, %gather3A_400, %gather3A_404 : vector<16xf32>
          %jit3A_551 = arith.constant 1 : i32
          %jit3A_552 = arith.constant -1 : i32
          %broadcast_in_dim3A_553 = vector.broadcast %jit3A_551 : i32 to vector<16xi32>
          %broadcast_in_dim3A_554 = vector.broadcast %jit3A_552 : i32 to vector<16xi32>
          %select_n3A_555 = arith.select %le3A_550, %broadcast_in_dim3A_553, %broadcast_in_dim3A_554 : vector<16xi1>, vector<16xi32>
          %add3A_556 = arith.addi %add3A_516, %select_n3A_555 : vector<16xi32>
          %sub3A_557 = arith.subi %sub3A_549, %select_n3A_555 : vector<16xi32>
          %le3A_558 = arith.cmpf ole, %gather3A_400, %gather3A_405 : vector<16xf32>
          %jit3A_559 = arith.constant 1 : i32
          %jit3A_560 = arith.constant -1 : i32
          %broadcast_in_dim3A_561 = vector.broadcast %jit3A_559 : i32 to vector<16xi32>
          %broadcast_in_dim3A_562 = vector.broadcast %jit3A_560 : i32 to vector<16xi32>
          %select_n3A_563 = arith.select %le3A_558, %broadcast_in_dim3A_561, %broadcast_in_dim3A_562 : vector<16xi1>, vector<16xi32>
          %add3A_564 = arith.addi %add3A_524, %select_n3A_563 : vector<16xi32>
          %sub3A_565 = arith.subi %sub3A_557, %select_n3A_563 : vector<16xi32>
          %le3A_566 = arith.cmpf ole, %gather3A_401, %gather3A_402 : vector<16xf32>
          %jit3A_567 = arith.constant 1 : i32
          %jit3A_568 = arith.constant -1 : i32
          %broadcast_in_dim3A_569 = vector.broadcast %jit3A_567 : i32 to vector<16xi32>
          %broadcast_in_dim3A_570 = vector.broadcast %jit3A_568 : i32 to vector<16xi32>
          %select_n3A_571 = arith.select %le3A_566, %broadcast_in_dim3A_569, %broadcast_in_dim3A_570 : vector<16xi1>, vector<16xi32>
          %add3A_572 = arith.addi %add3A_540, %select_n3A_571 : vector<16xi32>
          %sub3A_573 = arith.subi %add3A_532, %select_n3A_571 : vector<16xi32>
          %le3A_574 = arith.cmpf ole, %gather3A_401, %gather3A_403 : vector<16xf32>
          %jit3A_575 = arith.constant 1 : i32
          %jit3A_576 = arith.constant -1 : i32
          %broadcast_in_dim3A_577 = vector.broadcast %jit3A_575 : i32 to vector<16xi32>
          %broadcast_in_dim3A_578 = vector.broadcast %jit3A_576 : i32 to vector<16xi32>
          %select_n3A_579 = arith.select %le3A_574, %broadcast_in_dim3A_577, %broadcast_in_dim3A_578 : vector<16xi1>, vector<16xi32>
          %add3A_580 = arith.addi %add3A_548, %select_n3A_579 : vector<16xi32>
          %sub3A_581 = arith.subi %sub3A_573, %select_n3A_579 : vector<16xi32>
          %le3A_582 = arith.cmpf ole, %gather3A_401, %gather3A_404 : vector<16xf32>
          %jit3A_583 = arith.constant 1 : i32
          %jit3A_584 = arith.constant -1 : i32
          %broadcast_in_dim3A_585 = vector.broadcast %jit3A_583 : i32 to vector<16xi32>
          %broadcast_in_dim3A_586 = vector.broadcast %jit3A_584 : i32 to vector<16xi32>
          %select_n3A_587 = arith.select %le3A_582, %broadcast_in_dim3A_585, %broadcast_in_dim3A_586 : vector<16xi1>, vector<16xi32>
          %add3A_588 = arith.addi %add3A_556, %select_n3A_587 : vector<16xi32>
          %sub3A_589 = arith.subi %sub3A_581, %select_n3A_587 : vector<16xi32>
          %le3A_590 = arith.cmpf ole, %gather3A_401, %gather3A_405 : vector<16xf32>
          %jit3A_591 = arith.constant 1 : i32
          %jit3A_592 = arith.constant -1 : i32
          %broadcast_in_dim3A_593 = vector.broadcast %jit3A_591 : i32 to vector<16xi32>
          %broadcast_in_dim3A_594 = vector.broadcast %jit3A_592 : i32 to vector<16xi32>
          %select_n3A_595 = arith.select %le3A_590, %broadcast_in_dim3A_593, %broadcast_in_dim3A_594 : vector<16xi1>, vector<16xi32>
          %add3A_596 = arith.addi %add3A_564, %select_n3A_595 : vector<16xi32>
          %sub3A_597 = arith.subi %sub3A_589, %select_n3A_595 : vector<16xi32>
          %le3A_598 = arith.cmpf ole, %gather3A_402, %gather3A_403 : vector<16xf32>
          %jit3A_599 = arith.constant 1 : i32
          %jit3A_600 = arith.constant -1 : i32
          %broadcast_in_dim3A_601 = vector.broadcast %jit3A_599 : i32 to vector<16xi32>
          %broadcast_in_dim3A_602 = vector.broadcast %jit3A_600 : i32 to vector<16xi32>
          %select_n3A_603 = arith.select %le3A_598, %broadcast_in_dim3A_601, %broadcast_in_dim3A_602 : vector<16xi1>, vector<16xi32>
          %add3A_604 = arith.addi %add3A_580, %select_n3A_603 : vector<16xi32>
          %sub3A_605 = arith.subi %add3A_572, %select_n3A_603 : vector<16xi32>
          %le3A_606 = arith.cmpf ole, %gather3A_402, %gather3A_404 : vector<16xf32>
          %jit3A_607 = arith.constant 1 : i32
          %jit3A_608 = arith.constant -1 : i32
          %broadcast_in_dim3A_609 = vector.broadcast %jit3A_607 : i32 to vector<16xi32>
          %broadcast_in_dim3A_610 = vector.broadcast %jit3A_608 : i32 to vector<16xi32>
          %select_n3A_611 = arith.select %le3A_606, %broadcast_in_dim3A_609, %broadcast_in_dim3A_610 : vector<16xi1>, vector<16xi32>
          %add3A_612 = arith.addi %add3A_588, %select_n3A_611 : vector<16xi32>
          %sub3A_613 = arith.subi %sub3A_605, %select_n3A_611 : vector<16xi32>
          %le3A_614 = arith.cmpf ole, %gather3A_402, %gather3A_405 : vector<16xf32>
          %jit3A_615 = arith.constant 1 : i32
          %jit3A_616 = arith.constant -1 : i32
          %broadcast_in_dim3A_617 = vector.broadcast %jit3A_615 : i32 to vector<16xi32>
          %broadcast_in_dim3A_618 = vector.broadcast %jit3A_616 : i32 to vector<16xi32>
          %select_n3A_619 = arith.select %le3A_614, %broadcast_in_dim3A_617, %broadcast_in_dim3A_618 : vector<16xi1>, vector<16xi32>
          %add3A_620 = arith.addi %add3A_596, %select_n3A_619 : vector<16xi32>
          %sub3A_621 = arith.subi %sub3A_613, %select_n3A_619 : vector<16xi32>
          %le3A_622 = arith.cmpf ole, %gather3A_403, %gather3A_404 : vector<16xf32>
          %jit3A_623 = arith.constant 1 : i32
          %jit3A_624 = arith.constant -1 : i32
          %broadcast_in_dim3A_625 = vector.broadcast %jit3A_623 : i32 to vector<16xi32>
          %broadcast_in_dim3A_626 = vector.broadcast %jit3A_624 : i32 to vector<16xi32>
          %select_n3A_627 = arith.select %le3A_622, %broadcast_in_dim3A_625, %broadcast_in_dim3A_626 : vector<16xi1>, vector<16xi32>
          %add3A_628 = arith.addi %add3A_612, %select_n3A_627 : vector<16xi32>
          %sub3A_629 = arith.subi %add3A_604, %select_n3A_627 : vector<16xi32>
          %le3A_630 = arith.cmpf ole, %gather3A_403, %gather3A_405 : vector<16xf32>
          %jit3A_631 = arith.constant 1 : i32
          %jit3A_632 = arith.constant -1 : i32
          %broadcast_in_dim3A_633 = vector.broadcast %jit3A_631 : i32 to vector<16xi32>
          %broadcast_in_dim3A_634 = vector.broadcast %jit3A_632 : i32 to vector<16xi32>
          %select_n3A_635 = arith.select %le3A_630, %broadcast_in_dim3A_633, %broadcast_in_dim3A_634 : vector<16xi1>, vector<16xi32>
          %add3A_636 = arith.addi %add3A_620, %select_n3A_635 : vector<16xi32>
          %sub3A_637 = arith.subi %sub3A_629, %select_n3A_635 : vector<16xi32>
          %le3A_638 = arith.cmpf ole, %gather3A_404, %gather3A_405 : vector<16xf32>
          %jit3A_639 = arith.constant 1 : i32
          %jit3A_640 = arith.constant -1 : i32
          %broadcast_in_dim3A_641 = vector.broadcast %jit3A_639 : i32 to vector<16xi32>
          %broadcast_in_dim3A_642 = vector.broadcast %jit3A_640 : i32 to vector<16xi32>
          %select_n3A_643 = arith.select %le3A_638, %broadcast_in_dim3A_641, %broadcast_in_dim3A_642 : vector<16xi1>, vector<16xi32>
          %add3A_644 = arith.addi %add3A_636, %select_n3A_643 : vector<16xi32>
          %sub3A_645 = arith.subi %add3A_628, %select_n3A_643 : vector<16xi32>
          %lt3A_646 = arith.constant 0 : i32
          %lt3A_647 = vector.broadcast %lt3A_646 : i32 to vector<16xi32>
          %lt3A_648 = arith.cmpi slt, %sub3A_477, %lt3A_647 : vector<16xi32>
          tpu.vector_store_idx %arg9[%broadcast_in_dim3A_354, %add3A_370], %broadcast_in_dim3A_6 masked %lt3A_648 : memref<8x2048xf32, #tpu.memory_space<vmem>>[vector<16xi32>, vector<16xi32>], vector<16xf32>, vector<16xi1>
          %lt3A_649 = arith.constant 0 : i32
          %lt3A_650 = vector.broadcast %lt3A_649 : i32 to vector<16xi32>
          %lt3A_651 = arith.cmpi slt, %sub3A_525, %lt3A_650 : vector<16xi32>
          tpu.vector_store_idx %arg9[%broadcast_in_dim3A_354, %add3A_374], %broadcast_in_dim3A_6 masked %lt3A_651 : memref<8x2048xf32, #tpu.memory_space<vmem>>[vector<16xi32>, vector<16xi32>], vector<16xf32>, vector<16xi1>
          %lt3A_652 = arith.constant 0 : i32
          %lt3A_653 = vector.broadcast %lt3A_652 : i32 to vector<16xi32>
          %lt3A_654 = arith.cmpi slt, %sub3A_565, %lt3A_653 : vector<16xi32>
          tpu.vector_store_idx %arg9[%broadcast_in_dim3A_354, %add3A_378], %broadcast_in_dim3A_6 masked %lt3A_654 : memref<8x2048xf32, #tpu.memory_space<vmem>>[vector<16xi32>, vector<16xi32>], vector<16xf32>, vector<16xi1>
          %lt3A_655 = arith.constant 0 : i32
          %lt3A_656 = vector.broadcast %lt3A_655 : i32 to vector<16xi32>
          %lt3A_657 = arith.cmpi slt, %sub3A_597, %lt3A_656 : vector<16xi32>
          tpu.vector_store_idx %arg9[%broadcast_in_dim3A_354, %add3A_382], %broadcast_in_dim3A_6 masked %lt3A_657 : memref<8x2048xf32, #tpu.memory_space<vmem>>[vector<16xi32>, vector<16xi32>], vector<16xf32>, vector<16xi1>
          %lt3A_658 = arith.constant 0 : i32
          %lt3A_659 = vector.broadcast %lt3A_658 : i32 to vector<16xi32>
          %lt3A_660 = arith.cmpi slt, %sub3A_621, %lt3A_659 : vector<16xi32>
          tpu.vector_store_idx %arg9[%broadcast_in_dim3A_354, %add3A_386], %broadcast_in_dim3A_6 masked %lt3A_660 : memref<8x2048xf32, #tpu.memory_space<vmem>>[vector<16xi32>, vector<16xi32>], vector<16xf32>, vector<16xi1>
          %lt3A_661 = arith.constant 0 : i32
          %lt3A_662 = vector.broadcast %lt3A_661 : i32 to vector<16xi32>
          %lt3A_663 = arith.cmpi slt, %sub3A_637, %lt3A_662 : vector<16xi32>
          tpu.vector_store_idx %arg9[%broadcast_in_dim3A_354, %add3A_390], %broadcast_in_dim3A_6 masked %lt3A_663 : memref<8x2048xf32, #tpu.memory_space<vmem>>[vector<16xi32>, vector<16xi32>], vector<16xf32>, vector<16xi1>
          %lt3A_664 = arith.constant 0 : i32
          %lt3A_665 = vector.broadcast %lt3A_664 : i32 to vector<16xi32>
          %lt3A_666 = arith.cmpi slt, %sub3A_645, %lt3A_665 : vector<16xi32>
          tpu.vector_store_idx %arg9[%broadcast_in_dim3A_354, %add3A_394], %broadcast_in_dim3A_6 masked %lt3A_666 : memref<8x2048xf32, #tpu.memory_space<vmem>>[vector<16xi32>, vector<16xi32>], vector<16xf32>, vector<16xi1>
          %lt3A_667 = arith.constant 0 : i32
          %lt3A_668 = vector.broadcast %lt3A_667 : i32 to vector<16xi32>
          %lt3A_669 = arith.cmpi slt, %add3A_644, %lt3A_668 : vector<16xi32>
          tpu.vector_store_idx %arg9[%broadcast_in_dim3A_354, %add3A_398], %broadcast_in_dim3A_6 masked %lt3A_669 : memref<8x2048xf32, #tpu.memory_space<vmem>>[vector<16xi32>, vector<16xi32>], vector<16xf32>, vector<16xi1>
        }
        %scan3A_359 = arith.constant 16 : i32
      }
      %scan3A_219 = arith.constant 8 : i32
      %jit3A_220 = arith.constant 2 : i32
      %div3A_221 = arith.divsi %add3A_202, %jit3A_220 : i32
      %sign3A_222 = arith.constant 0 : i32
      %sign3A_223 = arith.cmpi sgt, %add3A_202, %sign3A_222 : i32
      %sign3A_224 = arith.extui %sign3A_223 : i1 to i32
      %sign3A_225 = arith.constant 0 : i32
      %sign3A_226 = arith.cmpi slt, %add3A_202, %sign3A_225 : i32
      %sign3A_227 = arith.extui %sign3A_226 : i1 to i32
      %sign3A_228 = arith.subi %sign3A_224, %sign3A_227 : i32
      %sign3A_229 = arith.constant 0 : i32
      %sign3A_230 = arith.cmpi sgt, %jit3A_220, %sign3A_229 : i32
      %sign3A_231 = arith.extui %sign3A_230 : i1 to i32
      %sign3A_232 = arith.constant 0 : i32
      %sign3A_233 = arith.cmpi slt, %jit3A_220, %sign3A_232 : i32
      %sign3A_234 = arith.extui %sign3A_233 : i1 to i32
      %sign3A_235 = arith.subi %sign3A_231, %sign3A_234 : i32
      %ne3A_236 = arith.cmpi ne, %sign3A_228, %sign3A_235 : i32
      %rem3A_237 = arith.remsi %add3A_202, %jit3A_220 : i32
      %ne3A_238 = arith.constant 0 : i32
      %ne3A_239 = arith.cmpi ne, %rem3A_237, %ne3A_238 : i32
      %and3A_240 = arith.andi %ne3A_236, %ne3A_239 : i1
      %sub3A_241 = arith.constant 1 : i32
      %sub3A_242 = arith.subi %div3A_221, %sub3A_241 : i32
      %select_n3A_243 = arith.select %and3A_240, %sub3A_242, %div3A_221 : i32
      %mul3A_244 = arith.constant 8 : i32
      %mul3A_245 = arith.muli %select_n3A_243, %mul3A_244 : i32
      %add3A_246 = arith.addi %mul3A_2, %mul3A_245 : i32
      %jit3A_247 = arith.constant 2 : i32
      %eq3A_248 = arith.constant 0 : i32
      %eq3A_249 = arith.cmpi eq, %jit3A_247, %eq3A_248 : i32
      %jit3A_250 = arith.constant 1 : i32
      %select_n3A_251 = arith.select %eq3A_249, %jit3A_250, %jit3A_247 : i32
      %rem3A_252 = arith.remsi %add3A_202, %select_n3A_251 : i32
      %ne3A_253 = arith.constant 0 : i32
      %ne3A_254 = arith.cmpi ne, %rem3A_252, %ne3A_253 : i32
      %lt3A_255 = arith.constant 0 : i32
      %lt3A_256 = arith.cmpi slt, %rem3A_252, %lt3A_255 : i32
      %lt3A_257 = arith.constant 0 : i32
      %lt3A_258 = arith.cmpi slt, %select_n3A_251, %lt3A_257 : i32
      %ne3A_259 = arith.xori %lt3A_256, %lt3A_258 : i1
      %and3A_260 = arith.andi %ne3A_259, %ne3A_254 : i1
      %add3A_261 = arith.addi %rem3A_252, %select_n3A_251 : i32
      %select_n3A_262 = arith.select %and3A_260, %add3A_261, %rem3A_252 : i32
      %mul3A_263 = arith.constant 2048 : i32
      %mul3A_264 = arith.muli %select_n3A_262, %mul3A_263 : i32
      %dma_start3A_265 = tpu.memref_slice %arg4[%add3A_246, %mul3A_264] : memref<8192x4096xf32, #tpu.memory_space<hbm>> -> memref<8x2048xf32, #tpu.memory_space<hbm>>
      %dma_start3A_266 = tpu.memref_slice %arg4[%add3A_246, %mul3A_264] : memref<8192x4096xf32, #tpu.memory_space<hbm>> -> memref<8x2048xf32, #tpu.memory_space<hbm>>
      tpu.enqueue_dma source(%arg9 : memref<8x2048xf32, #tpu.memory_space<vmem>>) target(%dma_start3A_266 : memref<8x2048xf32, #tpu.memory_space<hbm>>) target_semaphore(%arg19 : memref<!tpu.dma_semaphore, #tpu.memory_space<semaphore_mem>>)
      %add3A_267 = arith.constant 2 : i32
      %add3A_268 = arith.addi %add3A_202, %add3A_267 : i32
      %le3A_269 = arith.constant 63 : i32
      %le3A_270 = arith.cmpi sle, %add3A_268, %le3A_269 : i32
      %convert_element_type3A_271 = arith.extui %le3A_270 : i1 to i32
      %cond3A_272 = arith.constant 0 : i32
      %cond3A_273 = arith.cmpi ne, %convert_element_type3A_271, %cond3A_272 : i32
      scf.if %cond3A_273 {
        %add3A_349 = arith.constant 2 : i32
        %add3A_350 = arith.addi %add3A_202, %add3A_349 : i32
        %jit3A_351 = arith.constant 2 : i32
        %div3A_352 = arith.divsi %add3A_350, %jit3A_351 : i32
        %sign3A_353 = arith.constant 0 : i32
        %sign3A_354 = arith.cmpi sgt, %add3A_350, %sign3A_353 : i32
        %sign3A_355 = arith.extui %sign3A_354 : i1 to i32
        %sign3A_356 = arith.constant 0 : i32
        %sign3A_357 = arith.cmpi slt, %add3A_350, %sign3A_356 : i32
        %sign3A_358 = arith.extui %sign3A_357 : i1 to i32
        %sign3A_359 = arith.subi %sign3A_355, %sign3A_358 : i32
        %sign3A_360 = arith.constant 0 : i32
        %sign3A_361 = arith.cmpi sgt, %jit3A_351, %sign3A_360 : i32
        %sign3A_362 = arith.extui %sign3A_361 : i1 to i32
        %sign3A_363 = arith.constant 0 : i32
        %sign3A_364 = arith.cmpi slt, %jit3A_351, %sign3A_363 : i32
        %sign3A_365 = arith.extui %sign3A_364 : i1 to i32
        %sign3A_366 = arith.subi %sign3A_362, %sign3A_365 : i32
        %ne3A_367 = arith.cmpi ne, %sign3A_359, %sign3A_366 : i32
        %rem3A_368 = arith.remsi %add3A_350, %jit3A_351 : i32
        %ne3A_369 = arith.constant 0 : i32
        %ne3A_370 = arith.cmpi ne, %rem3A_368, %ne3A_369 : i32
        %and3A_371 = arith.andi %ne3A_367, %ne3A_370 : i1
        %sub3A_372 = arith.constant 1 : i32
        %sub3A_373 = arith.subi %div3A_352, %sub3A_372 : i32
        %select_n3A_374 = arith.select %and3A_371, %sub3A_373, %div3A_352 : i32
        %mul3A_375 = arith.constant 8 : i32
        %mul3A_376 = arith.muli %select_n3A_374, %mul3A_375 : i32
        %add3A_377 = arith.addi %mul3A_2, %mul3A_376 : i32
        %jit3A_378 = arith.constant 2 : i32
        %eq3A_379 = arith.constant 0 : i32
        %eq3A_380 = arith.cmpi eq, %jit3A_378, %eq3A_379 : i32
        %jit3A_381 = arith.constant 1 : i32
        %select_n3A_382 = arith.select %eq3A_380, %jit3A_381, %jit3A_378 : i32
        %rem3A_383 = arith.remsi %add3A_350, %select_n3A_382 : i32
        %ne3A_384 = arith.constant 0 : i32
        %ne3A_385 = arith.cmpi ne, %rem3A_383, %ne3A_384 : i32
        %lt3A_386 = arith.constant 0 : i32
        %lt3A_387 = arith.cmpi slt, %rem3A_383, %lt3A_386 : i32
        %lt3A_388 = arith.constant 0 : i32
        %lt3A_389 = arith.cmpi slt, %select_n3A_382, %lt3A_388 : i32
        %ne3A_390 = arith.xori %lt3A_387, %lt3A_389 : i1
        %and3A_391 = arith.andi %ne3A_390, %ne3A_385 : i1
        %add3A_392 = arith.addi %rem3A_383, %select_n3A_382 : i32
        %select_n3A_393 = arith.select %and3A_391, %add3A_392, %rem3A_383 : i32
        %mul3A_394 = arith.constant 2048 : i32
        %mul3A_395 = arith.muli %select_n3A_393, %mul3A_394 : i32
        %dma_start3A_396 = tpu.memref_slice %arg3[%add3A_377, %mul3A_395] : memref<8192x4096xf32, #tpu.memory_space<hbm>> -> memref<8x2048xf32, #tpu.memory_space<hbm>>
        %dma_start3A_397 = tpu.memref_slice %arg3[%add3A_377, %mul3A_395] : memref<8192x4096xf32, #tpu.memory_space<hbm>> -> memref<8x2048xf32, #tpu.memory_space<hbm>>
        tpu.enqueue_dma source(%dma_start3A_397 : memref<8x2048xf32, #tpu.memory_space<hbm>>) target(%arg5 : memref<8x2048xf32, #tpu.memory_space<vmem>>) target_semaphore(%arg11 : memref<!tpu.dma_semaphore, #tpu.memory_space<semaphore_mem>>)
        %ge3A = arith.constant 2 : i32
        %ge3A_398 = arith.cmpi sge, %add3A_202, %ge3A : i32
        %convert_element_type3A_399 = arith.extui %ge3A_398 : i1 to i32
        %cond3A_400 = arith.constant 0 : i32
        %cond3A_401 = arith.cmpi ne, %convert_element_type3A_399, %cond3A_400 : i32
        scf.if %cond3A_401 {
          %dma_wait3A_451 = arith.constant 0 : i32
          %dma_wait3A_452 = arith.constant 0 : i32
          %dma_wait3A_453 = tpu.memref_slice %arg4[%dma_wait3A_451, %dma_wait3A_452] : memref<8192x4096xf32, #tpu.memory_space<hbm>> -> memref<8x2048xf32, #tpu.memory_space<hbm>>
          %dma_wait3A_454 = arith.constant 0 : i32
          %dma_wait3A_455 = arith.constant 0 : i32
          %dma_wait3A_456 = tpu.memref_slice %arg4[%dma_wait3A_454, %dma_wait3A_455] : memref<8192x4096xf32, #tpu.memory_space<hbm>> -> memref<8x2048xf32, #tpu.memory_space<hbm>>
          tpu.wait_dma2 semaphore(%arg17 : memref<!tpu.dma_semaphore, #tpu.memory_space<semaphore_mem>>) src(%arg7 : memref<8x2048xf32, #tpu.memory_space<vmem>>) dst(%dma_wait3A_456 : memref<8x2048xf32, #tpu.memory_space<hbm>>)
        } else {
        }
        %add3A_402 = arith.constant 2 : i32
        %add3A_403 = arith.addi %add3A_202, %add3A_402 : i32
        %jit3A_404 = arith.constant 2 : i32
        %div3A_405 = arith.divsi %add3A_403, %jit3A_404 : i32
        %sign3A_406 = arith.constant 0 : i32
        %sign3A_407 = arith.cmpi sgt, %add3A_403, %sign3A_406 : i32
        %sign3A_408 = arith.extui %sign3A_407 : i1 to i32
        %sign3A_409 = arith.constant 0 : i32
        %sign3A_410 = arith.cmpi slt, %add3A_403, %sign3A_409 : i32
        %sign3A_411 = arith.extui %sign3A_410 : i1 to i32
        %sign3A_412 = arith.subi %sign3A_408, %sign3A_411 : i32
        %sign3A_413 = arith.constant 0 : i32
        %sign3A_414 = arith.cmpi sgt, %jit3A_404, %sign3A_413 : i32
        %sign3A_415 = arith.extui %sign3A_414 : i1 to i32
        %sign3A_416 = arith.constant 0 : i32
        %sign3A_417 = arith.cmpi slt, %jit3A_404, %sign3A_416 : i32
        %sign3A_418 = arith.extui %sign3A_417 : i1 to i32
        %sign3A_419 = arith.subi %sign3A_415, %sign3A_418 : i32
        %ne3A_420 = arith.cmpi ne, %sign3A_412, %sign3A_419 : i32
        %rem3A_421 = arith.remsi %add3A_403, %jit3A_404 : i32
        %ne3A_422 = arith.constant 0 : i32
        %ne3A_423 = arith.cmpi ne, %rem3A_421, %ne3A_422 : i32
        %and3A_424 = arith.andi %ne3A_420, %ne3A_423 : i1
        %sub3A_425 = arith.constant 1 : i32
        %sub3A_426 = arith.subi %div3A_405, %sub3A_425 : i32
        %select_n3A_427 = arith.select %and3A_424, %sub3A_426, %div3A_405 : i32
        %mul3A_428 = arith.constant 8 : i32
        %mul3A_429 = arith.muli %select_n3A_427, %mul3A_428 : i32
        %add3A_430 = arith.addi %mul3A_2, %mul3A_429 : i32
        %jit3A_431 = arith.constant 2 : i32
        %eq3A_432 = arith.constant 0 : i32
        %eq3A_433 = arith.cmpi eq, %jit3A_431, %eq3A_432 : i32
        %jit3A_434 = arith.constant 1 : i32
        %select_n3A_435 = arith.select %eq3A_433, %jit3A_434, %jit3A_431 : i32
        %rem3A_436 = arith.remsi %add3A_403, %select_n3A_435 : i32
        %ne3A_437 = arith.constant 0 : i32
        %ne3A_438 = arith.cmpi ne, %rem3A_436, %ne3A_437 : i32
        %lt3A_439 = arith.constant 0 : i32
        %lt3A_440 = arith.cmpi slt, %rem3A_436, %lt3A_439 : i32
        %lt3A_441 = arith.constant 0 : i32
        %lt3A_442 = arith.cmpi slt, %select_n3A_435, %lt3A_441 : i32
        %ne3A_443 = arith.xori %lt3A_440, %lt3A_442 : i1
        %and3A_444 = arith.andi %ne3A_443, %ne3A_438 : i1
        %add3A_445 = arith.addi %rem3A_436, %select_n3A_435 : i32
        %select_n3A_446 = arith.select %and3A_444, %add3A_445, %rem3A_436 : i32
        %mul3A_447 = arith.constant 2048 : i32
        %mul3A_448 = arith.muli %select_n3A_446, %mul3A_447 : i32
        %dma_start3A_449 = tpu.memref_slice %arg2[%add3A_430, %mul3A_448] : memref<8192x4096xf32, #tpu.memory_space<hbm>> -> memref<8x2048xf32, #tpu.memory_space<hbm>>
        %dma_start3A_450 = tpu.memref_slice %arg2[%add3A_430, %mul3A_448] : memref<8192x4096xf32, #tpu.memory_space<hbm>> -> memref<8x2048xf32, #tpu.memory_space<hbm>>
        tpu.enqueue_dma source(%dma_start3A_450 : memref<8x2048xf32, #tpu.memory_space<hbm>>) target(%arg7 : memref<8x2048xf32, #tpu.memory_space<vmem>>) target_semaphore(%arg13 : memref<!tpu.dma_semaphore, #tpu.memory_space<semaphore_mem>>)
      } else {
      }
      %mul3A_274 = arith.constant 4 : i32
      %mul3A_275 = arith.muli %add3A_61, %mul3A_274 : i32
      %add3A_276 = arith.constant 3 : i32
      %add3A_277 = arith.addi %mul3A_275, %add3A_276 : i32
      %dma_wait3A_278 = arith.constant 0 : i32
      %dma_wait3A_279 = arith.constant 0 : i32
      %dma_wait3A_280 = tpu.memref_slice %arg3[%dma_wait3A_278, %dma_wait3A_279] : memref<8192x4096xf32, #tpu.memory_space<hbm>> -> memref<8x2048xf32, #tpu.memory_space<hbm>>
      %dma_wait3A_281 = arith.constant 0 : i32
      %dma_wait3A_282 = arith.constant 0 : i32
      %dma_wait3A_283 = tpu.memref_slice %arg3[%dma_wait3A_281, %dma_wait3A_282] : memref<8192x4096xf32, #tpu.memory_space<hbm>> -> memref<8x2048xf32, #tpu.memory_space<hbm>>
      tpu.wait_dma2 semaphore(%arg12 : memref<!tpu.dma_semaphore, #tpu.memory_space<semaphore_mem>>) src(%dma_wait3A_283 : memref<8x2048xf32, #tpu.memory_space<hbm>>) dst(%arg6 : memref<8x2048xf32, #tpu.memory_space<vmem>>)
      %dma_wait3A_284 = arith.constant 0 : i32
      %dma_wait3A_285 = arith.constant 0 : i32
      %dma_wait3A_286 = tpu.memref_slice %arg2[%dma_wait3A_284, %dma_wait3A_285] : memref<8192x4096xf32, #tpu.memory_space<hbm>> -> memref<8x2048xf32, #tpu.memory_space<hbm>>
      %dma_wait3A_287 = arith.constant 0 : i32
      %dma_wait3A_288 = arith.constant 0 : i32
      %dma_wait3A_289 = tpu.memref_slice %arg2[%dma_wait3A_287, %dma_wait3A_288] : memref<8192x4096xf32, #tpu.memory_space<hbm>> -> memref<8x2048xf32, #tpu.memory_space<hbm>>
      tpu.wait_dma2 semaphore(%arg16 : memref<!tpu.dma_semaphore, #tpu.memory_space<semaphore_mem>>) src(%dma_wait3A_289 : memref<8x2048xf32, #tpu.memory_space<hbm>>) dst(%arg10 : memref<8x2048xf32, #tpu.memory_space<vmem>>)
      %scan3A_290 = arith.constant 0 : i32
      %scan3A_291 = arith.constant 8 : i32
      %scan3A_292 = arith.addi %scan3A_290, %scan3A_291 : i32
      %scan3A_293 = arith.constant 1 : i32
      scf.for %scan3A_349 = %scan3A_290 to %scan3A_292 step %scan3A_293  : i32 {
        %mul3A_350 = arith.constant 1 : i32
        %mul3A_351 = arith.muli %scan3A_349, %mul3A_350 : i32
        %add3A_352 = arith.constant 0 : i32
        %add3A_353 = arith.addi %add3A_352, %mul3A_351 : i32
        %broadcast_in_dim3A_354 = vector.broadcast %add3A_353 : i32 to vector<16xi32>
        %scan3A_355 = arith.constant 0 : i32
        %scan3A_356 = arith.constant 16 : i32
        %scan3A_357 = arith.addi %scan3A_355, %scan3A_356 : i32
        %scan3A_358 = arith.constant 1 : i32
        scf.for %scan3A_360 = %scan3A_355 to %scan3A_357 step %scan3A_358  : i32 {
          %mul3A_361 = arith.constant 1 : i32
          %mul3A_362 = arith.muli %scan3A_360, %mul3A_361 : i32
          %add3A_363 = arith.constant 0 : i32
          %add3A_364 = arith.addi %add3A_363, %mul3A_362 : i32
          %mul3A_365 = arith.constant 128 : i32
          %mul3A_366 = arith.muli %add3A_364, %mul3A_365 : i32
          %add3A_367 = arith.constant 0 : i32
          %add3A_368 = arith.addi %mul3A_366, %add3A_367 : i32
          %add3A_369 = vector.broadcast %add3A_368 : i32 to vector<16xi32>
          %add3A_370 = arith.addi %mul3A_5, %add3A_369 : vector<16xi32>
          %add3A_371 = arith.constant 1 : i32
          %add3A_372 = arith.addi %mul3A_366, %add3A_371 : i32
          %add3A_373 = vector.broadcast %add3A_372 : i32 to vector<16xi32>
          %add3A_374 = arith.addi %mul3A_5, %add3A_373 : vector<16xi32>
          %add3A_375 = arith.constant 2 : i32
          %add3A_376 = arith.addi %mul3A_366, %add3A_375 : i32
          %add3A_377 = vector.broadcast %add3A_376 : i32 to vector<16xi32>
          %add3A_378 = arith.addi %mul3A_5, %add3A_377 : vector<16xi32>
          %add3A_379 = arith.constant 3 : i32
          %add3A_380 = arith.addi %mul3A_366, %add3A_379 : i32
          %add3A_381 = vector.broadcast %add3A_380 : i32 to vector<16xi32>
          %add3A_382 = arith.addi %mul3A_5, %add3A_381 : vector<16xi32>
          %add3A_383 = arith.constant 4 : i32
          %add3A_384 = arith.addi %mul3A_366, %add3A_383 : i32
          %add3A_385 = vector.broadcast %add3A_384 : i32 to vector<16xi32>
          %add3A_386 = arith.addi %mul3A_5, %add3A_385 : vector<16xi32>
          %add3A_387 = arith.constant 5 : i32
          %add3A_388 = arith.addi %mul3A_366, %add3A_387 : i32
          %add3A_389 = vector.broadcast %add3A_388 : i32 to vector<16xi32>
          %add3A_390 = arith.addi %mul3A_5, %add3A_389 : vector<16xi32>
          %add3A_391 = arith.constant 6 : i32
          %add3A_392 = arith.addi %mul3A_366, %add3A_391 : i32
          %add3A_393 = vector.broadcast %add3A_392 : i32 to vector<16xi32>
          %add3A_394 = arith.addi %mul3A_5, %add3A_393 : vector<16xi32>
          %add3A_395 = arith.constant 7 : i32
          %add3A_396 = arith.addi %mul3A_366, %add3A_395 : i32
          %add3A_397 = vector.broadcast %add3A_396 : i32 to vector<16xi32>
          %add3A_398 = arith.addi %mul3A_5, %add3A_397 : vector<16xi32>
          %gather3A = tpu.vector_load_idx %arg6[%broadcast_in_dim3A_354, %add3A_370] : memref<8x2048xf32, #tpu.memory_space<vmem>>[vector<16xi32>, vector<16xi32>], vector<16xf32>,
          %gather3A_399 = tpu.vector_load_idx %arg6[%broadcast_in_dim3A_354, %add3A_374] : memref<8x2048xf32, #tpu.memory_space<vmem>>[vector<16xi32>, vector<16xi32>], vector<16xf32>,
          %gather3A_400 = tpu.vector_load_idx %arg6[%broadcast_in_dim3A_354, %add3A_378] : memref<8x2048xf32, #tpu.memory_space<vmem>>[vector<16xi32>, vector<16xi32>], vector<16xf32>,
          %gather3A_401 = tpu.vector_load_idx %arg6[%broadcast_in_dim3A_354, %add3A_382] : memref<8x2048xf32, #tpu.memory_space<vmem>>[vector<16xi32>, vector<16xi32>], vector<16xf32>,
          %gather3A_402 = tpu.vector_load_idx %arg6[%broadcast_in_dim3A_354, %add3A_386] : memref<8x2048xf32, #tpu.memory_space<vmem>>[vector<16xi32>, vector<16xi32>], vector<16xf32>,
          %gather3A_403 = tpu.vector_load_idx %arg6[%broadcast_in_dim3A_354, %add3A_390] : memref<8x2048xf32, #tpu.memory_space<vmem>>[vector<16xi32>, vector<16xi32>], vector<16xf32>,
          %gather3A_404 = tpu.vector_load_idx %arg6[%broadcast_in_dim3A_354, %add3A_394] : memref<8x2048xf32, #tpu.memory_space<vmem>>[vector<16xi32>, vector<16xi32>], vector<16xf32>,
          %gather3A_405 = tpu.vector_load_idx %arg6[%broadcast_in_dim3A_354, %add3A_398] : memref<8x2048xf32, #tpu.memory_space<vmem>>[vector<16xi32>, vector<16xi32>], vector<16xf32>,
          %broadcast_in_dim3A_406 = arith.constant 0 : i32
          %broadcast_in_dim3A_407 = vector.broadcast %broadcast_in_dim3A_406 : i32 to vector<16xi32>
          %broadcast_in_dim3A_408 = arith.constant 0 : i32
          %broadcast_in_dim3A_409 = vector.broadcast %broadcast_in_dim3A_408 : i32 to vector<16xi32>
          %broadcast_in_dim3A_410 = arith.constant 0 : i32
          %broadcast_in_dim3A_411 = vector.broadcast %broadcast_in_dim3A_410 : i32 to vector<16xi32>
          %broadcast_in_dim3A_412 = arith.constant 0 : i32
          %broadcast_in_dim3A_413 = vector.broadcast %broadcast_in_dim3A_412 : i32 to vector<16xi32>
          %broadcast_in_dim3A_414 = arith.constant 0 : i32
          %broadcast_in_dim3A_415 = vector.broadcast %broadcast_in_dim3A_414 : i32 to vector<16xi32>
          %broadcast_in_dim3A_416 = arith.constant 0 : i32
          %broadcast_in_dim3A_417 = vector.broadcast %broadcast_in_dim3A_416 : i32 to vector<16xi32>
          %broadcast_in_dim3A_418 = arith.constant 0 : i32
          %broadcast_in_dim3A_419 = vector.broadcast %broadcast_in_dim3A_418 : i32 to vector<16xi32>
          %broadcast_in_dim3A_420 = arith.constant 0 : i32
          %broadcast_in_dim3A_421 = vector.broadcast %broadcast_in_dim3A_420 : i32 to vector<16xi32>
          %le3A_422 = arith.cmpf ole, %gather3A, %gather3A_399 : vector<16xf32>
          %jit3A_423 = arith.constant 1 : i32
          %jit3A_424 = arith.constant -1 : i32
          %broadcast_in_dim3A_425 = vector.broadcast %jit3A_423 : i32 to vector<16xi32>
          %broadcast_in_dim3A_426 = vector.broadcast %jit3A_424 : i32 to vector<16xi32>
          %select_n3A_427 = arith.select %le3A_422, %broadcast_in_dim3A_425, %broadcast_in_dim3A_426 : vector<16xi1>, vector<16xi32>
          %add3A_428 = arith.addi %broadcast_in_dim3A_409, %select_n3A_427 : vector<16xi32>
          %sub3A_429 = arith.subi %broadcast_in_dim3A_407, %select_n3A_427 : vector<16xi32>
          %le3A_430 = arith.cmpf ole, %gather3A, %gather3A_400 : vector<16xf32>
          %jit3A_431 = arith.constant 1 : i32
          %jit3A_432 = arith.constant -1 : i32
          %broadcast_in_dim3A_433 = vector.broadcast %jit3A_431 : i32 to vector<16xi32>
          %broadcast_in_dim3A_434 = vector.broadcast %jit3A_432 : i32 to vector<16xi32>
          %select_n3A_435 = arith.select %le3A_430, %broadcast_in_dim3A_433, %broadcast_in_dim3A_434 : vector<16xi1>, vector<16xi32>
          %add3A_436 = arith.addi %broadcast_in_dim3A_411, %select_n3A_435 : vector<16xi32>
          %sub3A_437 = arith.subi %sub3A_429, %select_n3A_435 : vector<16xi32>
          %le3A_438 = arith.cmpf ole, %gather3A, %gather3A_401 : vector<16xf32>
          %jit3A_439 = arith.constant 1 : i32
          %jit3A_440 = arith.constant -1 : i32
          %broadcast_in_dim3A_441 = vector.broadcast %jit3A_439 : i32 to vector<16xi32>
          %broadcast_in_dim3A_442 = vector.broadcast %jit3A_440 : i32 to vector<16xi32>
          %select_n3A_443 = arith.select %le3A_438, %broadcast_in_dim3A_441, %broadcast_in_dim3A_442 : vector<16xi1>, vector<16xi32>
          %add3A_444 = arith.addi %broadcast_in_dim3A_413, %select_n3A_443 : vector<16xi32>
          %sub3A_445 = arith.subi %sub3A_437, %select_n3A_443 : vector<16xi32>
          %le3A_446 = arith.cmpf ole, %gather3A, %gather3A_402 : vector<16xf32>
          %jit3A_447 = arith.constant 1 : i32
          %jit3A_448 = arith.constant -1 : i32
          %broadcast_in_dim3A_449 = vector.broadcast %jit3A_447 : i32 to vector<16xi32>
          %broadcast_in_dim3A_450 = vector.broadcast %jit3A_448 : i32 to vector<16xi32>
          %select_n3A_451 = arith.select %le3A_446, %broadcast_in_dim3A_449, %broadcast_in_dim3A_450 : vector<16xi1>, vector<16xi32>
          %add3A_452 = arith.addi %broadcast_in_dim3A_415, %select_n3A_451 : vector<16xi32>
          %sub3A_453 = arith.subi %sub3A_445, %select_n3A_451 : vector<16xi32>
          %le3A_454 = arith.cmpf ole, %gather3A, %gather3A_403 : vector<16xf32>
          %jit3A_455 = arith.constant 1 : i32
          %jit3A_456 = arith.constant -1 : i32
          %broadcast_in_dim3A_457 = vector.broadcast %jit3A_455 : i32 to vector<16xi32>
          %broadcast_in_dim3A_458 = vector.broadcast %jit3A_456 : i32 to vector<16xi32>
          %select_n3A_459 = arith.select %le3A_454, %broadcast_in_dim3A_457, %broadcast_in_dim3A_458 : vector<16xi1>, vector<16xi32>
          %add3A_460 = arith.addi %broadcast_in_dim3A_417, %select_n3A_459 : vector<16xi32>
          %sub3A_461 = arith.subi %sub3A_453, %select_n3A_459 : vector<16xi32>
          %le3A_462 = arith.cmpf ole, %gather3A, %gather3A_404 : vector<16xf32>
          %jit3A_463 = arith.constant 1 : i32
          %jit3A_464 = arith.constant -1 : i32
          %broadcast_in_dim3A_465 = vector.broadcast %jit3A_463 : i32 to vector<16xi32>
          %broadcast_in_dim3A_466 = vector.broadcast %jit3A_464 : i32 to vector<16xi32>
          %select_n3A_467 = arith.select %le3A_462, %broadcast_in_dim3A_465, %broadcast_in_dim3A_466 : vector<16xi1>, vector<16xi32>
          %add3A_468 = arith.addi %broadcast_in_dim3A_419, %select_n3A_467 : vector<16xi32>
          %sub3A_469 = arith.subi %sub3A_461, %select_n3A_467 : vector<16xi32>
          %le3A_470 = arith.cmpf ole, %gather3A, %gather3A_405 : vector<16xf32>
          %jit3A_471 = arith.constant 1 : i32
          %jit3A_472 = arith.constant -1 : i32
          %broadcast_in_dim3A_473 = vector.broadcast %jit3A_471 : i32 to vector<16xi32>
          %broadcast_in_dim3A_474 = vector.broadcast %jit3A_472 : i32 to vector<16xi32>
          %select_n3A_475 = arith.select %le3A_470, %broadcast_in_dim3A_473, %broadcast_in_dim3A_474 : vector<16xi1>, vector<16xi32>
          %add3A_476 = arith.addi %broadcast_in_dim3A_421, %select_n3A_475 : vector<16xi32>
          %sub3A_477 = arith.subi %sub3A_469, %select_n3A_475 : vector<16xi32>
          %le3A_478 = arith.cmpf ole, %gather3A_399, %gather3A_400 : vector<16xf32>
          %jit3A_479 = arith.constant 1 : i32
          %jit3A_480 = arith.constant -1 : i32
          %broadcast_in_dim3A_481 = vector.broadcast %jit3A_479 : i32 to vector<16xi32>
          %broadcast_in_dim3A_482 = vector.broadcast %jit3A_480 : i32 to vector<16xi32>
          %select_n3A_483 = arith.select %le3A_478, %broadcast_in_dim3A_481, %broadcast_in_dim3A_482 : vector<16xi1>, vector<16xi32>
          %add3A_484 = arith.addi %add3A_436, %select_n3A_483 : vector<16xi32>
          %sub3A_485 = arith.subi %add3A_428, %select_n3A_483 : vector<16xi32>
          %le3A_486 = arith.cmpf ole, %gather3A_399, %gather3A_401 : vector<16xf32>
          %jit3A_487 = arith.constant 1 : i32
          %jit3A_488 = arith.constant -1 : i32
          %broadcast_in_dim3A_489 = vector.broadcast %jit3A_487 : i32 to vector<16xi32>
          %broadcast_in_dim3A_490 = vector.broadcast %jit3A_488 : i32 to vector<16xi32>
          %select_n3A_491 = arith.select %le3A_486, %broadcast_in_dim3A_489, %broadcast_in_dim3A_490 : vector<16xi1>, vector<16xi32>
          %add3A_492 = arith.addi %add3A_444, %select_n3A_491 : vector<16xi32>
          %sub3A_493 = arith.subi %sub3A_485, %select_n3A_491 : vector<16xi32>
          %le3A_494 = arith.cmpf ole, %gather3A_399, %gather3A_402 : vector<16xf32>
          %jit3A_495 = arith.constant 1 : i32
          %jit3A_496 = arith.constant -1 : i32
          %broadcast_in_dim3A_497 = vector.broadcast %jit3A_495 : i32 to vector<16xi32>
          %broadcast_in_dim3A_498 = vector.broadcast %jit3A_496 : i32 to vector<16xi32>
          %select_n3A_499 = arith.select %le3A_494, %broadcast_in_dim3A_497, %broadcast_in_dim3A_498 : vector<16xi1>, vector<16xi32>
          %add3A_500 = arith.addi %add3A_452, %select_n3A_499 : vector<16xi32>
          %sub3A_501 = arith.subi %sub3A_493, %select_n3A_499 : vector<16xi32>
          %le3A_502 = arith.cmpf ole, %gather3A_399, %gather3A_403 : vector<16xf32>
          %jit3A_503 = arith.constant 1 : i32
          %jit3A_504 = arith.constant -1 : i32
          %broadcast_in_dim3A_505 = vector.broadcast %jit3A_503 : i32 to vector<16xi32>
          %broadcast_in_dim3A_506 = vector.broadcast %jit3A_504 : i32 to vector<16xi32>
          %select_n3A_507 = arith.select %le3A_502, %broadcast_in_dim3A_505, %broadcast_in_dim3A_506 : vector<16xi1>, vector<16xi32>
          %add3A_508 = arith.addi %add3A_460, %select_n3A_507 : vector<16xi32>
          %sub3A_509 = arith.subi %sub3A_501, %select_n3A_507 : vector<16xi32>
          %le3A_510 = arith.cmpf ole, %gather3A_399, %gather3A_404 : vector<16xf32>
          %jit3A_511 = arith.constant 1 : i32
          %jit3A_512 = arith.constant -1 : i32
          %broadcast_in_dim3A_513 = vector.broadcast %jit3A_511 : i32 to vector<16xi32>
          %broadcast_in_dim3A_514 = vector.broadcast %jit3A_512 : i32 to vector<16xi32>
          %select_n3A_515 = arith.select %le3A_510, %broadcast_in_dim3A_513, %broadcast_in_dim3A_514 : vector<16xi1>, vector<16xi32>
          %add3A_516 = arith.addi %add3A_468, %select_n3A_515 : vector<16xi32>
          %sub3A_517 = arith.subi %sub3A_509, %select_n3A_515 : vector<16xi32>
          %le3A_518 = arith.cmpf ole, %gather3A_399, %gather3A_405 : vector<16xf32>
          %jit3A_519 = arith.constant 1 : i32
          %jit3A_520 = arith.constant -1 : i32
          %broadcast_in_dim3A_521 = vector.broadcast %jit3A_519 : i32 to vector<16xi32>
          %broadcast_in_dim3A_522 = vector.broadcast %jit3A_520 : i32 to vector<16xi32>
          %select_n3A_523 = arith.select %le3A_518, %broadcast_in_dim3A_521, %broadcast_in_dim3A_522 : vector<16xi1>, vector<16xi32>
          %add3A_524 = arith.addi %add3A_476, %select_n3A_523 : vector<16xi32>
          %sub3A_525 = arith.subi %sub3A_517, %select_n3A_523 : vector<16xi32>
          %le3A_526 = arith.cmpf ole, %gather3A_400, %gather3A_401 : vector<16xf32>
          %jit3A_527 = arith.constant 1 : i32
          %jit3A_528 = arith.constant -1 : i32
          %broadcast_in_dim3A_529 = vector.broadcast %jit3A_527 : i32 to vector<16xi32>
          %broadcast_in_dim3A_530 = vector.broadcast %jit3A_528 : i32 to vector<16xi32>
          %select_n3A_531 = arith.select %le3A_526, %broadcast_in_dim3A_529, %broadcast_in_dim3A_530 : vector<16xi1>, vector<16xi32>
          %add3A_532 = arith.addi %add3A_492, %select_n3A_531 : vector<16xi32>
          %sub3A_533 = arith.subi %add3A_484, %select_n3A_531 : vector<16xi32>
          %le3A_534 = arith.cmpf ole, %gather3A_400, %gather3A_402 : vector<16xf32>
          %jit3A_535 = arith.constant 1 : i32
          %jit3A_536 = arith.constant -1 : i32
          %broadcast_in_dim3A_537 = vector.broadcast %jit3A_535 : i32 to vector<16xi32>
          %broadcast_in_dim3A_538 = vector.broadcast %jit3A_536 : i32 to vector<16xi32>
          %select_n3A_539 = arith.select %le3A_534, %broadcast_in_dim3A_537, %broadcast_in_dim3A_538 : vector<16xi1>, vector<16xi32>
          %add3A_540 = arith.addi %add3A_500, %select_n3A_539 : vector<16xi32>
          %sub3A_541 = arith.subi %sub3A_533, %select_n3A_539 : vector<16xi32>
          %le3A_542 = arith.cmpf ole, %gather3A_400, %gather3A_403 : vector<16xf32>
          %jit3A_543 = arith.constant 1 : i32
          %jit3A_544 = arith.constant -1 : i32
          %broadcast_in_dim3A_545 = vector.broadcast %jit3A_543 : i32 to vector<16xi32>
          %broadcast_in_dim3A_546 = vector.broadcast %jit3A_544 : i32 to vector<16xi32>
          %select_n3A_547 = arith.select %le3A_542, %broadcast_in_dim3A_545, %broadcast_in_dim3A_546 : vector<16xi1>, vector<16xi32>
          %add3A_548 = arith.addi %add3A_508, %select_n3A_547 : vector<16xi32>
          %sub3A_549 = arith.subi %sub3A_541, %select_n3A_547 : vector<16xi32>
          %le3A_550 = arith.cmpf ole, %gather3A_400, %gather3A_404 : vector<16xf32>
          %jit3A_551 = arith.constant 1 : i32
          %jit3A_552 = arith.constant -1 : i32
          %broadcast_in_dim3A_553 = vector.broadcast %jit3A_551 : i32 to vector<16xi32>
          %broadcast_in_dim3A_554 = vector.broadcast %jit3A_552 : i32 to vector<16xi32>
          %select_n3A_555 = arith.select %le3A_550, %broadcast_in_dim3A_553, %broadcast_in_dim3A_554 : vector<16xi1>, vector<16xi32>
          %add3A_556 = arith.addi %add3A_516, %select_n3A_555 : vector<16xi32>
          %sub3A_557 = arith.subi %sub3A_549, %select_n3A_555 : vector<16xi32>
          %le3A_558 = arith.cmpf ole, %gather3A_400, %gather3A_405 : vector<16xf32>
          %jit3A_559 = arith.constant 1 : i32
          %jit3A_560 = arith.constant -1 : i32
          %broadcast_in_dim3A_561 = vector.broadcast %jit3A_559 : i32 to vector<16xi32>
          %broadcast_in_dim3A_562 = vector.broadcast %jit3A_560 : i32 to vector<16xi32>
          %select_n3A_563 = arith.select %le3A_558, %broadcast_in_dim3A_561, %broadcast_in_dim3A_562 : vector<16xi1>, vector<16xi32>
          %add3A_564 = arith.addi %add3A_524, %select_n3A_563 : vector<16xi32>
          %sub3A_565 = arith.subi %sub3A_557, %select_n3A_563 : vector<16xi32>
          %le3A_566 = arith.cmpf ole, %gather3A_401, %gather3A_402 : vector<16xf32>
          %jit3A_567 = arith.constant 1 : i32
          %jit3A_568 = arith.constant -1 : i32
          %broadcast_in_dim3A_569 = vector.broadcast %jit3A_567 : i32 to vector<16xi32>
          %broadcast_in_dim3A_570 = vector.broadcast %jit3A_568 : i32 to vector<16xi32>
          %select_n3A_571 = arith.select %le3A_566, %broadcast_in_dim3A_569, %broadcast_in_dim3A_570 : vector<16xi1>, vector<16xi32>
          %add3A_572 = arith.addi %add3A_540, %select_n3A_571 : vector<16xi32>
          %sub3A_573 = arith.subi %add3A_532, %select_n3A_571 : vector<16xi32>
          %le3A_574 = arith.cmpf ole, %gather3A_401, %gather3A_403 : vector<16xf32>
          %jit3A_575 = arith.constant 1 : i32
          %jit3A_576 = arith.constant -1 : i32
          %broadcast_in_dim3A_577 = vector.broadcast %jit3A_575 : i32 to vector<16xi32>
          %broadcast_in_dim3A_578 = vector.broadcast %jit3A_576 : i32 to vector<16xi32>
          %select_n3A_579 = arith.select %le3A_574, %broadcast_in_dim3A_577, %broadcast_in_dim3A_578 : vector<16xi1>, vector<16xi32>
          %add3A_580 = arith.addi %add3A_548, %select_n3A_579 : vector<16xi32>
          %sub3A_581 = arith.subi %sub3A_573, %select_n3A_579 : vector<16xi32>
          %le3A_582 = arith.cmpf ole, %gather3A_401, %gather3A_404 : vector<16xf32>
          %jit3A_583 = arith.constant 1 : i32
          %jit3A_584 = arith.constant -1 : i32
          %broadcast_in_dim3A_585 = vector.broadcast %jit3A_583 : i32 to vector<16xi32>
          %broadcast_in_dim3A_586 = vector.broadcast %jit3A_584 : i32 to vector<16xi32>
          %select_n3A_587 = arith.select %le3A_582, %broadcast_in_dim3A_585, %broadcast_in_dim3A_586 : vector<16xi1>, vector<16xi32>
          %add3A_588 = arith.addi %add3A_556, %select_n3A_587 : vector<16xi32>
          %sub3A_589 = arith.subi %sub3A_581, %select_n3A_587 : vector<16xi32>
          %le3A_590 = arith.cmpf ole, %gather3A_401, %gather3A_405 : vector<16xf32>
          %jit3A_591 = arith.constant 1 : i32
          %jit3A_592 = arith.constant -1 : i32
          %broadcast_in_dim3A_593 = vector.broadcast %jit3A_591 : i32 to vector<16xi32>
          %broadcast_in_dim3A_594 = vector.broadcast %jit3A_592 : i32 to vector<16xi32>
          %select_n3A_595 = arith.select %le3A_590, %broadcast_in_dim3A_593, %broadcast_in_dim3A_594 : vector<16xi1>, vector<16xi32>
          %add3A_596 = arith.addi %add3A_564, %select_n3A_595 : vector<16xi32>
          %sub3A_597 = arith.subi %sub3A_589, %select_n3A_595 : vector<16xi32>
          %le3A_598 = arith.cmpf ole, %gather3A_402, %gather3A_403 : vector<16xf32>
          %jit3A_599 = arith.constant 1 : i32
          %jit3A_600 = arith.constant -1 : i32
          %broadcast_in_dim3A_601 = vector.broadcast %jit3A_599 : i32 to vector<16xi32>
          %broadcast_in_dim3A_602 = vector.broadcast %jit3A_600 : i32 to vector<16xi32>
          %select_n3A_603 = arith.select %le3A_598, %broadcast_in_dim3A_601, %broadcast_in_dim3A_602 : vector<16xi1>, vector<16xi32>
          %add3A_604 = arith.addi %add3A_580, %select_n3A_603 : vector<16xi32>
          %sub3A_605 = arith.subi %add3A_572, %select_n3A_603 : vector<16xi32>
          %le3A_606 = arith.cmpf ole, %gather3A_402, %gather3A_404 : vector<16xf32>
          %jit3A_607 = arith.constant 1 : i32
          %jit3A_608 = arith.constant -1 : i32
          %broadcast_in_dim3A_609 = vector.broadcast %jit3A_607 : i32 to vector<16xi32>
          %broadcast_in_dim3A_610 = vector.broadcast %jit3A_608 : i32 to vector<16xi32>
          %select_n3A_611 = arith.select %le3A_606, %broadcast_in_dim3A_609, %broadcast_in_dim3A_610 : vector<16xi1>, vector<16xi32>
          %add3A_612 = arith.addi %add3A_588, %select_n3A_611 : vector<16xi32>
          %sub3A_613 = arith.subi %sub3A_605, %select_n3A_611 : vector<16xi32>
          %le3A_614 = arith.cmpf ole, %gather3A_402, %gather3A_405 : vector<16xf32>
          %jit3A_615 = arith.constant 1 : i32
          %jit3A_616 = arith.constant -1 : i32
          %broadcast_in_dim3A_617 = vector.broadcast %jit3A_615 : i32 to vector<16xi32>
          %broadcast_in_dim3A_618 = vector.broadcast %jit3A_616 : i32 to vector<16xi32>
          %select_n3A_619 = arith.select %le3A_614, %broadcast_in_dim3A_617, %broadcast_in_dim3A_618 : vector<16xi1>, vector<16xi32>
          %add3A_620 = arith.addi %add3A_596, %select_n3A_619 : vector<16xi32>
          %sub3A_621 = arith.subi %sub3A_613, %select_n3A_619 : vector<16xi32>
          %le3A_622 = arith.cmpf ole, %gather3A_403, %gather3A_404 : vector<16xf32>
          %jit3A_623 = arith.constant 1 : i32
          %jit3A_624 = arith.constant -1 : i32
          %broadcast_in_dim3A_625 = vector.broadcast %jit3A_623 : i32 to vector<16xi32>
          %broadcast_in_dim3A_626 = vector.broadcast %jit3A_624 : i32 to vector<16xi32>
          %select_n3A_627 = arith.select %le3A_622, %broadcast_in_dim3A_625, %broadcast_in_dim3A_626 : vector<16xi1>, vector<16xi32>
          %add3A_628 = arith.addi %add3A_612, %select_n3A_627 : vector<16xi32>
          %sub3A_629 = arith.subi %add3A_604, %select_n3A_627 : vector<16xi32>
          %le3A_630 = arith.cmpf ole, %gather3A_403, %gather3A_405 : vector<16xf32>
          %jit3A_631 = arith.constant 1 : i32
          %jit3A_632 = arith.constant -1 : i32
          %broadcast_in_dim3A_633 = vector.broadcast %jit3A_631 : i32 to vector<16xi32>
          %broadcast_in_dim3A_634 = vector.broadcast %jit3A_632 : i32 to vector<16xi32>
          %select_n3A_635 = arith.select %le3A_630, %broadcast_in_dim3A_633, %broadcast_in_dim3A_634 : vector<16xi1>, vector<16xi32>
          %add3A_636 = arith.addi %add3A_620, %select_n3A_635 : vector<16xi32>
          %sub3A_637 = arith.subi %sub3A_629, %select_n3A_635 : vector<16xi32>
          %le3A_638 = arith.cmpf ole, %gather3A_404, %gather3A_405 : vector<16xf32>
          %jit3A_639 = arith.constant 1 : i32
          %jit3A_640 = arith.constant -1 : i32
          %broadcast_in_dim3A_641 = vector.broadcast %jit3A_639 : i32 to vector<16xi32>
          %broadcast_in_dim3A_642 = vector.broadcast %jit3A_640 : i32 to vector<16xi32>
          %select_n3A_643 = arith.select %le3A_638, %broadcast_in_dim3A_641, %broadcast_in_dim3A_642 : vector<16xi1>, vector<16xi32>
          %add3A_644 = arith.addi %add3A_636, %select_n3A_643 : vector<16xi32>
          %sub3A_645 = arith.subi %add3A_628, %select_n3A_643 : vector<16xi32>
          %lt3A_646 = arith.constant 0 : i32
          %lt3A_647 = vector.broadcast %lt3A_646 : i32 to vector<16xi32>
          %lt3A_648 = arith.cmpi slt, %sub3A_477, %lt3A_647 : vector<16xi32>
          tpu.vector_store_idx %arg10[%broadcast_in_dim3A_354, %add3A_370], %broadcast_in_dim3A_6 masked %lt3A_648 : memref<8x2048xf32, #tpu.memory_space<vmem>>[vector<16xi32>, vector<16xi32>], vector<16xf32>, vector<16xi1>
          %lt3A_649 = arith.constant 0 : i32
          %lt3A_650 = vector.broadcast %lt3A_649 : i32 to vector<16xi32>
          %lt3A_651 = arith.cmpi slt, %sub3A_525, %lt3A_650 : vector<16xi32>
          tpu.vector_store_idx %arg10[%broadcast_in_dim3A_354, %add3A_374], %broadcast_in_dim3A_6 masked %lt3A_651 : memref<8x2048xf32, #tpu.memory_space<vmem>>[vector<16xi32>, vector<16xi32>], vector<16xf32>, vector<16xi1>
          %lt3A_652 = arith.constant 0 : i32
          %lt3A_653 = vector.broadcast %lt3A_652 : i32 to vector<16xi32>
          %lt3A_654 = arith.cmpi slt, %sub3A_565, %lt3A_653 : vector<16xi32>
          tpu.vector_store_idx %arg10[%broadcast_in_dim3A_354, %add3A_378], %broadcast_in_dim3A_6 masked %lt3A_654 : memref<8x2048xf32, #tpu.memory_space<vmem>>[vector<16xi32>, vector<16xi32>], vector<16xf32>, vector<16xi1>
          %lt3A_655 = arith.constant 0 : i32
          %lt3A_656 = vector.broadcast %lt3A_655 : i32 to vector<16xi32>
          %lt3A_657 = arith.cmpi slt, %sub3A_597, %lt3A_656 : vector<16xi32>
          tpu.vector_store_idx %arg10[%broadcast_in_dim3A_354, %add3A_382], %broadcast_in_dim3A_6 masked %lt3A_657 : memref<8x2048xf32, #tpu.memory_space<vmem>>[vector<16xi32>, vector<16xi32>], vector<16xf32>, vector<16xi1>
          %lt3A_658 = arith.constant 0 : i32
          %lt3A_659 = vector.broadcast %lt3A_658 : i32 to vector<16xi32>
          %lt3A_660 = arith.cmpi slt, %sub3A_621, %lt3A_659 : vector<16xi32>
          tpu.vector_store_idx %arg10[%broadcast_in_dim3A_354, %add3A_386], %broadcast_in_dim3A_6 masked %lt3A_660 : memref<8x2048xf32, #tpu.memory_space<vmem>>[vector<16xi32>, vector<16xi32>], vector<16xf32>, vector<16xi1>
          %lt3A_661 = arith.constant 0 : i32
          %lt3A_662 = vector.broadcast %lt3A_661 : i32 to vector<16xi32>
          %lt3A_663 = arith.cmpi slt, %sub3A_637, %lt3A_662 : vector<16xi32>
          tpu.vector_store_idx %arg10[%broadcast_in_dim3A_354, %add3A_390], %broadcast_in_dim3A_6 masked %lt3A_663 : memref<8x2048xf32, #tpu.memory_space<vmem>>[vector<16xi32>, vector<16xi32>], vector<16xf32>, vector<16xi1>
          %lt3A_664 = arith.constant 0 : i32
          %lt3A_665 = vector.broadcast %lt3A_664 : i32 to vector<16xi32>
          %lt3A_666 = arith.cmpi slt, %sub3A_645, %lt3A_665 : vector<16xi32>
          tpu.vector_store_idx %arg10[%broadcast_in_dim3A_354, %add3A_394], %broadcast_in_dim3A_6 masked %lt3A_666 : memref<8x2048xf32, #tpu.memory_space<vmem>>[vector<16xi32>, vector<16xi32>], vector<16xf32>, vector<16xi1>
          %lt3A_667 = arith.constant 0 : i32
          %lt3A_668 = vector.broadcast %lt3A_667 : i32 to vector<16xi32>
          %lt3A_669 = arith.cmpi slt, %add3A_644, %lt3A_668 : vector<16xi32>
          tpu.vector_store_idx %arg10[%broadcast_in_dim3A_354, %add3A_398], %broadcast_in_dim3A_6 masked %lt3A_669 : memref<8x2048xf32, #tpu.memory_space<vmem>>[vector<16xi32>, vector<16xi32>], vector<16xf32>, vector<16xi1>
        }
        %scan3A_359 = arith.constant 16 : i32
      }
      %scan3A_294 = arith.constant 8 : i32
      %jit3A_295 = arith.constant 2 : i32
      %div3A_296 = arith.divsi %add3A_277, %jit3A_295 : i32
      %sign3A_297 = arith.constant 0 : i32
      %sign3A_298 = arith.cmpi sgt, %add3A_277, %sign3A_297 : i32
      %sign3A_299 = arith.extui %sign3A_298 : i1 to i32
      %sign3A_300 = arith.constant 0 : i32
      %sign3A_301 = arith.cmpi slt, %add3A_277, %sign3A_300 : i32
      %sign3A_302 = arith.extui %sign3A_301 : i1 to i32
      %sign3A_303 = arith.subi %sign3A_299, %sign3A_302 : i32
      %sign3A_304 = arith.constant 0 : i32
      %sign3A_305 = arith.cmpi sgt, %jit3A_295, %sign3A_304 : i32
      %sign3A_306 = arith.extui %sign3A_305 : i1 to i32
      %sign3A_307 = arith.constant 0 : i32
      %sign3A_308 = arith.cmpi slt, %jit3A_295, %sign3A_307 : i32
      %sign3A_309 = arith.extui %sign3A_308 : i1 to i32
      %sign3A_310 = arith.subi %sign3A_306, %sign3A_309 : i32
      %ne3A_311 = arith.cmpi ne, %sign3A_303, %sign3A_310 : i32
      %rem3A_312 = arith.remsi %add3A_277, %jit3A_295 : i32
      %ne3A_313 = arith.constant 0 : i32
      %ne3A_314 = arith.cmpi ne, %rem3A_312, %ne3A_313 : i32
      %and3A_315 = arith.andi %ne3A_311, %ne3A_314 : i1
      %sub3A_316 = arith.constant 1 : i32
      %sub3A_317 = arith.subi %div3A_296, %sub3A_316 : i32
      %select_n3A_318 = arith.select %and3A_315, %sub3A_317, %div3A_296 : i32
      %mul3A_319 = arith.constant 8 : i32
      %mul3A_320 = arith.muli %select_n3A_318, %mul3A_319 : i32
      %add3A_321 = arith.addi %mul3A_2, %mul3A_320 : i32
      %jit3A_322 = arith.constant 2 : i32
      %eq3A_323 = arith.constant 0 : i32
      %eq3A_324 = arith.cmpi eq, %jit3A_322, %eq3A_323 : i32
      %jit3A_325 = arith.constant 1 : i32
      %select_n3A_326 = arith.select %eq3A_324, %jit3A_325, %jit3A_322 : i32
      %rem3A_327 = arith.remsi %add3A_277, %select_n3A_326 : i32
      %ne3A_328 = arith.constant 0 : i32
      %ne3A_329 = arith.cmpi ne, %rem3A_327, %ne3A_328 : i32
      %lt3A_330 = arith.constant 0 : i32
      %lt3A_331 = arith.cmpi slt, %rem3A_327, %lt3A_330 : i32
      %lt3A_332 = arith.constant 0 : i32
      %lt3A_333 = arith.cmpi slt, %select_n3A_326, %lt3A_332 : i32
      %ne3A_334 = arith.xori %lt3A_331, %lt3A_333 : i1
      %and3A_335 = arith.andi %ne3A_334, %ne3A_329 : i1
      %add3A_336 = arith.addi %rem3A_327, %select_n3A_326 : i32
      %select_n3A_337 = arith.select %and3A_335, %add3A_336, %rem3A_327 : i32
      %mul3A_338 = arith.constant 2048 : i32
      %mul3A_339 = arith.muli %select_n3A_337, %mul3A_338 : i32
      %dma_start3A_340 = tpu.memref_slice %arg4[%add3A_321, %mul3A_339] : memref<8192x4096xf32, #tpu.memory_space<hbm>> -> memref<8x2048xf32, #tpu.memory_space<hbm>>
      %dma_start3A_341 = tpu.memref_slice %arg4[%add3A_321, %mul3A_339] : memref<8192x4096xf32, #tpu.memory_space<hbm>> -> memref<8x2048xf32, #tpu.memory_space<hbm>>
      tpu.enqueue_dma source(%arg10 : memref<8x2048xf32, #tpu.memory_space<vmem>>) target(%dma_start3A_341 : memref<8x2048xf32, #tpu.memory_space<hbm>>) target_semaphore(%arg20 : memref<!tpu.dma_semaphore, #tpu.memory_space<semaphore_mem>>)
      %add3A_342 = arith.constant 2 : i32
      %add3A_343 = arith.addi %add3A_277, %add3A_342 : i32
      %le3A_344 = arith.constant 63 : i32
      %le3A_345 = arith.cmpi sle, %add3A_343, %le3A_344 : i32
      %convert_element_type3A_346 = arith.extui %le3A_345 : i1 to i32
      %cond3A_347 = arith.constant 0 : i32
      %cond3A_348 = arith.cmpi ne, %convert_element_type3A_346, %cond3A_347 : i32
      scf.if %cond3A_348 {
        %add3A_349 = arith.constant 2 : i32
        %add3A_350 = arith.addi %add3A_277, %add3A_349 : i32
        %jit3A_351 = arith.constant 2 : i32
        %div3A_352 = arith.divsi %add3A_350, %jit3A_351 : i32
        %sign3A_353 = arith.constant 0 : i32
        %sign3A_354 = arith.cmpi sgt, %add3A_350, %sign3A_353 : i32
        %sign3A_355 = arith.extui %sign3A_354 : i1 to i32
        %sign3A_356 = arith.constant 0 : i32
        %sign3A_357 = arith.cmpi slt, %add3A_350, %sign3A_356 : i32
        %sign3A_358 = arith.extui %sign3A_357 : i1 to i32
        %sign3A_359 = arith.subi %sign3A_355, %sign3A_358 : i32
        %sign3A_360 = arith.constant 0 : i32
        %sign3A_361 = arith.cmpi sgt, %jit3A_351, %sign3A_360 : i32
        %sign3A_362 = arith.extui %sign3A_361 : i1 to i32
        %sign3A_363 = arith.constant 0 : i32
        %sign3A_364 = arith.cmpi slt, %jit3A_351, %sign3A_363 : i32
        %sign3A_365 = arith.extui %sign3A_364 : i1 to i32
        %sign3A_366 = arith.subi %sign3A_362, %sign3A_365 : i32
        %ne3A_367 = arith.cmpi ne, %sign3A_359, %sign3A_366 : i32
        %rem3A_368 = arith.remsi %add3A_350, %jit3A_351 : i32
        %ne3A_369 = arith.constant 0 : i32
        %ne3A_370 = arith.cmpi ne, %rem3A_368, %ne3A_369 : i32
        %and3A_371 = arith.andi %ne3A_367, %ne3A_370 : i1
        %sub3A_372 = arith.constant 1 : i32
        %sub3A_373 = arith.subi %div3A_352, %sub3A_372 : i32
        %select_n3A_374 = arith.select %and3A_371, %sub3A_373, %div3A_352 : i32
        %mul3A_375 = arith.constant 8 : i32
        %mul3A_376 = arith.muli %select_n3A_374, %mul3A_375 : i32
        %add3A_377 = arith.addi %mul3A_2, %mul3A_376 : i32
        %jit3A_378 = arith.constant 2 : i32
        %eq3A_379 = arith.constant 0 : i32
        %eq3A_380 = arith.cmpi eq, %jit3A_378, %eq3A_379 : i32
        %jit3A_381 = arith.constant 1 : i32
        %select_n3A_382 = arith.select %eq3A_380, %jit3A_381, %jit3A_378 : i32
        %rem3A_383 = arith.remsi %add3A_350, %select_n3A_382 : i32
        %ne3A_384 = arith.constant 0 : i32
        %ne3A_385 = arith.cmpi ne, %rem3A_383, %ne3A_384 : i32
        %lt3A_386 = arith.constant 0 : i32
        %lt3A_387 = arith.cmpi slt, %rem3A_383, %lt3A_386 : i32
        %lt3A_388 = arith.constant 0 : i32
        %lt3A_389 = arith.cmpi slt, %select_n3A_382, %lt3A_388 : i32
        %ne3A_390 = arith.xori %lt3A_387, %lt3A_389 : i1
        %and3A_391 = arith.andi %ne3A_390, %ne3A_385 : i1
        %add3A_392 = arith.addi %rem3A_383, %select_n3A_382 : i32
        %select_n3A_393 = arith.select %and3A_391, %add3A_392, %rem3A_383 : i32
        %mul3A_394 = arith.constant 2048 : i32
        %mul3A_395 = arith.muli %select_n3A_393, %mul3A_394 : i32
        %dma_start3A_396 = tpu.memref_slice %arg3[%add3A_377, %mul3A_395] : memref<8192x4096xf32, #tpu.memory_space<hbm>> -> memref<8x2048xf32, #tpu.memory_space<hbm>>
        %dma_start3A_397 = tpu.memref_slice %arg3[%add3A_377, %mul3A_395] : memref<8192x4096xf32, #tpu.memory_space<hbm>> -> memref<8x2048xf32, #tpu.memory_space<hbm>>
        tpu.enqueue_dma source(%dma_start3A_397 : memref<8x2048xf32, #tpu.memory_space<hbm>>) target(%arg6 : memref<8x2048xf32, #tpu.memory_space<vmem>>) target_semaphore(%arg12 : memref<!tpu.dma_semaphore, #tpu.memory_space<semaphore_mem>>)
        %ge3A = arith.constant 2 : i32
        %ge3A_398 = arith.cmpi sge, %add3A_277, %ge3A : i32
        %convert_element_type3A_399 = arith.extui %ge3A_398 : i1 to i32
        %cond3A_400 = arith.constant 0 : i32
        %cond3A_401 = arith.cmpi ne, %convert_element_type3A_399, %cond3A_400 : i32
        scf.if %cond3A_401 {
          %dma_wait3A_451 = arith.constant 0 : i32
          %dma_wait3A_452 = arith.constant 0 : i32
          %dma_wait3A_453 = tpu.memref_slice %arg4[%dma_wait3A_451, %dma_wait3A_452] : memref<8192x4096xf32, #tpu.memory_space<hbm>> -> memref<8x2048xf32, #tpu.memory_space<hbm>>
          %dma_wait3A_454 = arith.constant 0 : i32
          %dma_wait3A_455 = arith.constant 0 : i32
          %dma_wait3A_456 = tpu.memref_slice %arg4[%dma_wait3A_454, %dma_wait3A_455] : memref<8192x4096xf32, #tpu.memory_space<hbm>> -> memref<8x2048xf32, #tpu.memory_space<hbm>>
          tpu.wait_dma2 semaphore(%arg18 : memref<!tpu.dma_semaphore, #tpu.memory_space<semaphore_mem>>) src(%arg8 : memref<8x2048xf32, #tpu.memory_space<vmem>>) dst(%dma_wait3A_456 : memref<8x2048xf32, #tpu.memory_space<hbm>>)
        } else {
        }
        %add3A_402 = arith.constant 2 : i32
        %add3A_403 = arith.addi %add3A_277, %add3A_402 : i32
        %jit3A_404 = arith.constant 2 : i32
        %div3A_405 = arith.divsi %add3A_403, %jit3A_404 : i32
        %sign3A_406 = arith.constant 0 : i32
        %sign3A_407 = arith.cmpi sgt, %add3A_403, %sign3A_406 : i32
        %sign3A_408 = arith.extui %sign3A_407 : i1 to i32
        %sign3A_409 = arith.constant 0 : i32
        %sign3A_410 = arith.cmpi slt, %add3A_403, %sign3A_409 : i32
        %sign3A_411 = arith.extui %sign3A_410 : i1 to i32
        %sign3A_412 = arith.subi %sign3A_408, %sign3A_411 : i32
        %sign3A_413 = arith.constant 0 : i32
        %sign3A_414 = arith.cmpi sgt, %jit3A_404, %sign3A_413 : i32
        %sign3A_415 = arith.extui %sign3A_414 : i1 to i32
        %sign3A_416 = arith.constant 0 : i32
        %sign3A_417 = arith.cmpi slt, %jit3A_404, %sign3A_416 : i32
        %sign3A_418 = arith.extui %sign3A_417 : i1 to i32
        %sign3A_419 = arith.subi %sign3A_415, %sign3A_418 : i32
        %ne3A_420 = arith.cmpi ne, %sign3A_412, %sign3A_419 : i32
        %rem3A_421 = arith.remsi %add3A_403, %jit3A_404 : i32
        %ne3A_422 = arith.constant 0 : i32
        %ne3A_423 = arith.cmpi ne, %rem3A_421, %ne3A_422 : i32
        %and3A_424 = arith.andi %ne3A_420, %ne3A_423 : i1
        %sub3A_425 = arith.constant 1 : i32
        %sub3A_426 = arith.subi %div3A_405, %sub3A_425 : i32
        %select_n3A_427 = arith.select %and3A_424, %sub3A_426, %div3A_405 : i32
        %mul3A_428 = arith.constant 8 : i32
        %mul3A_429 = arith.muli %select_n3A_427, %mul3A_428 : i32
        %add3A_430 = arith.addi %mul3A_2, %mul3A_429 : i32
        %jit3A_431 = arith.constant 2 : i32
        %eq3A_432 = arith.constant 0 : i32
        %eq3A_433 = arith.cmpi eq, %jit3A_431, %eq3A_432 : i32
        %jit3A_434 = arith.constant 1 : i32
        %select_n3A_435 = arith.select %eq3A_433, %jit3A_434, %jit3A_431 : i32
        %rem3A_436 = arith.remsi %add3A_403, %select_n3A_435 : i32
        %ne3A_437 = arith.constant 0 : i32
        %ne3A_438 = arith.cmpi ne, %rem3A_436, %ne3A_437 : i32
        %lt3A_439 = arith.constant 0 : i32
        %lt3A_440 = arith.cmpi slt, %rem3A_436, %lt3A_439 : i32
        %lt3A_441 = arith.constant 0 : i32
        %lt3A_442 = arith.cmpi slt, %select_n3A_435, %lt3A_441 : i32
        %ne3A_443 = arith.xori %lt3A_440, %lt3A_442 : i1
        %and3A_444 = arith.andi %ne3A_443, %ne3A_438 : i1
        %add3A_445 = arith.addi %rem3A_436, %select_n3A_435 : i32
        %select_n3A_446 = arith.select %and3A_444, %add3A_445, %rem3A_436 : i32
        %mul3A_447 = arith.constant 2048 : i32
        %mul3A_448 = arith.muli %select_n3A_446, %mul3A_447 : i32
        %dma_start3A_449 = tpu.memref_slice %arg2[%add3A_430, %mul3A_448] : memref<8192x4096xf32, #tpu.memory_space<hbm>> -> memref<8x2048xf32, #tpu.memory_space<hbm>>
        %dma_start3A_450 = tpu.memref_slice %arg2[%add3A_430, %mul3A_448] : memref<8192x4096xf32, #tpu.memory_space<hbm>> -> memref<8x2048xf32, #tpu.memory_space<hbm>>
        tpu.enqueue_dma source(%dma_start3A_450 : memref<8x2048xf32, #tpu.memory_space<hbm>>) target(%arg8 : memref<8x2048xf32, #tpu.memory_space<vmem>>) target_semaphore(%arg14 : memref<!tpu.dma_semaphore, #tpu.memory_space<semaphore_mem>>)
      } else {
      }
    }
    %scan3A_33 = arith.constant 16 : i32
    %dma_wait3A = arith.constant 0 : i32
    %dma_wait3A_34 = arith.constant 0 : i32
    %dma_wait3A_35 = tpu.memref_slice %arg4[%dma_wait3A, %dma_wait3A_34] : memref<8192x4096xf32, #tpu.memory_space<hbm>> -> memref<8x2048xf32, #tpu.memory_space<hbm>>
    %dma_wait3A_36 = arith.constant 0 : i32
    %dma_wait3A_37 = arith.constant 0 : i32
    %dma_wait3A_38 = tpu.memref_slice %arg4[%dma_wait3A_36, %dma_wait3A_37] : memref<8192x4096xf32, #tpu.memory_space<hbm>> -> memref<8x2048xf32, #tpu.memory_space<hbm>>
    tpu.wait_dma2 semaphore(%arg17 : memref<!tpu.dma_semaphore, #tpu.memory_space<semaphore_mem>>) src(%arg7 : memref<8x2048xf32, #tpu.memory_space<vmem>>) dst(%dma_wait3A_38 : memref<8x2048xf32, #tpu.memory_space<hbm>>)
    %dma_wait3A_39 = arith.constant 0 : i32
    %dma_wait3A_40 = arith.constant 0 : i32
    %dma_wait3A_41 = tpu.memref_slice %arg4[%dma_wait3A_39, %dma_wait3A_40] : memref<8192x4096xf32, #tpu.memory_space<hbm>> -> memref<8x2048xf32, #tpu.memory_space<hbm>>
    %dma_wait3A_42 = arith.constant 0 : i32
    %dma_wait3A_43 = arith.constant 0 : i32
    %dma_wait3A_44 = tpu.memref_slice %arg4[%dma_wait3A_42, %dma_wait3A_43] : memref<8192x4096xf32, #tpu.memory_space<hbm>> -> memref<8x2048xf32, #tpu.memory_space<hbm>>
    tpu.wait_dma2 semaphore(%arg18 : memref<!tpu.dma_semaphore, #tpu.memory_space<semaphore_mem>>) src(%arg8 : memref<8x2048xf32, #tpu.memory_space<vmem>>) dst(%dma_wait3A_44 : memref<8x2048xf32, #tpu.memory_space<hbm>>)
    %dma_wait3A_45 = arith.constant 0 : i32
    %dma_wait3A_46 = arith.constant 0 : i32
    %dma_wait3A_47 = tpu.memref_slice %arg4[%dma_wait3A_45, %dma_wait3A_46] : memref<8192x4096xf32, #tpu.memory_space<hbm>> -> memref<8x2048xf32, #tpu.memory_space<hbm>>
    %dma_wait3A_48 = arith.constant 0 : i32
    %dma_wait3A_49 = arith.constant 0 : i32
    %dma_wait3A_50 = tpu.memref_slice %arg4[%dma_wait3A_48, %dma_wait3A_49] : memref<8192x4096xf32, #tpu.memory_space<hbm>> -> memref<8x2048xf32, #tpu.memory_space<hbm>>
    tpu.wait_dma2 semaphore(%arg19 : memref<!tpu.dma_semaphore, #tpu.memory_space<semaphore_mem>>) src(%arg9 : memref<8x2048xf32, #tpu.memory_space<vmem>>) dst(%dma_wait3A_50 : memref<8x2048xf32, #tpu.memory_space<hbm>>)
    %dma_wait3A_51 = arith.constant 0 : i32
    %dma_wait3A_52 = arith.constant 0 : i32
    %dma_wait3A_53 = tpu.memref_slice %arg4[%dma_wait3A_51, %dma_wait3A_52] : memref<8192x4096xf32, #tpu.memory_space<hbm>> -> memref<8x2048xf32, #tpu.memory_space<hbm>>
    %dma_wait3A_54 = arith.constant 0 : i32
    %dma_wait3A_55 = arith.constant 0 : i32
    %dma_wait3A_56 = tpu.memref_slice %arg4[%dma_wait3A_54, %dma_wait3A_55] : memref<8192x4096xf32, #tpu.memory_space<hbm>> -> memref<8x2048xf32, #tpu.memory_space<hbm>>
    tpu.wait_dma2 semaphore(%arg20 : memref<!tpu.dma_semaphore, #tpu.memory_space<semaphore_mem>>) src(%arg10 : memref<8x2048xf32, #tpu.memory_space<vmem>>) dst(%dma_wait3A_56 : memref<8x2048xf32, #tpu.memory_space<hbm>>)
    return
  }
}

</mosaic_0001>

<sc_bundles>
// kernel: _run.3.cloned.1.call-start
scs
__scs_entry_jumppad:
0x0: {  	(pc) =	sbr.rel $0x88, $3  }
0x1: {  	(tag) =	ssettag $0x0;
	lr =	simm.s32 $0x1  }
0x2: {  	[smem:$0x3F9F] =	sst lr;
	_ =	strace $0xD0000000  }
0x3: {  	_ = 	snop  }
0x4: {  	_ = 	snop  }
0x5: {  	_ = 	snop  }
0x6: {  	_ = 	snop  }
0x7: {  	_ = 	snop  }
__scs_overlays_trampoline_lowered:
0x8: {  	[smem:$0x3FAE] =	sst s0  }
0x9: {  	[smem:$0x3FAF] =	sst s1  }
0xa: {  	[smem:$0x3FB0] =	sst s2  }
0xb: {  	[smem:$0x3FB1] =	sst s3  }
0xc: {  	[smem:$0x3FB2] =	sst s4  }
0xd: {  	[smem:$0x3FB3] =	sst s5  }
0xe: {  	[smem:$0x3FB4] =	sst s6  }
0xf: {  	[smem:$0x3FB5] =	sst s7  }
0x10: {  	[smem:$0x3FB6] =	sst s8  }
0x11: {  	[smem:$0x3FB7] =	sst s9;
	s0 =	simm.s32 @!p0 $0x0  }
0x12: {  	s1 =	sld [smem:$0x3F9D];
	s0 =	simm.s32 @p0 $0x1  }
0x13: {  	[smem:$0x3FB8] =	sst s0;
	s0 =	simm.s32 @!p1 $0x0  }
0x14: {  	s2 =	sld [smem:$0x3F9C];
	s0 =	simm.s32 @p1 $0x1  }
0x15: {  	[smem:$0x3FB9] =	sst s0;
	s0 =	simm.s32 @!p2 $0x0  }
0x16: {  	s3 =	sld [smem:$0x3FDB];
	s0 =	simm.s32 @p2 $0x1  }
0x17: {  	s4 =	simm.s32 $0x1BF5;
	[smem:$0x3FBB] =	sst s0  }
0x18: {  	s0 =	sld [smem:$0x3F9E];
	_ =	swait.ge [sflag:s4], $0x0  }
0x19: {  	s7 =	sld [smem:$0x3F9F]  }
0x1a: {  	s8 =	sadd.s32 $0xFFFFE003, lr  }
0x1b: {  	s9 =	sadd.s32 $0xFFFFFEF7, lr;
	s5 =	simm.s32 $0xFFFFFFFF;
	p2 =	slt.u32 s8, $0xFFFFF086  }
0x1c: {  	p1 =	slt.u32 s9, $0xF7A;
	s5 =	simm.s32 @!p2 $0x0  }
0x1d: {  	s5 =	simm.s32 @p1 $0x1;
	p0 =	seq.s32 s7, s2  }
0x1e: {  	s7 =	smul.u32 @!p0 $0xF7A, s2;
	p2 =	seq.s32 @!p0 s5, $0x0  }
0x1f: {  	s9 =	smul.u32 $0xF7A, s1;
	s8 =	simm.s32 @!p0 $0x1BF5;
	p2 =	por !p2, p0  }
0x20: {  	[sflag:s8] =	ssyncset.s32 @!p0 $0xFFFFF086;
	s6 =	sadd.s32 @!p0 s3, s7;
	s7 =	simm.s32 @!p0 $0x108  }
0x21: {  	s3 =	sadd.s32 s3, s9;
	s6 =	sadd.s32 @!p0 $0x88, s6;
	s7 =	simm.s32 @p2 $0x1082  }
0x22: {  	[simem:s7], [sflag:s8] =	dma.local @!p0 [hbm:s6], $0xF7A  }
0x23: {  	s9 =	sor.u32 $0xD0000000, s2;
	s6 =	simm.s32 $0x108;
	_ =	swait.ge @!p0 [sflag:s8], $0x0  }
0x24: {  	s3 =	sadd.s32 $0x88, s3;
	s6 =	simm.s32 @!p1 $0x1082;
	[sflag:s4] =	ssyncset.s32 $0xFFFFF086  }
0x25: {  	[simem:s6], [sflag:s4] =	dma.local [hbm:s3], $0xF7A  }
0x26: {  	[smem:$0x3F9F] =	sst s1;
	(tag) =	ssettag s2;
	_ =	strace s9  }
0x27: {  	s1 =	sld [smem:$0x3FAF]  }
0x28: {  	s2 =	sld [smem:$0x3FB0]  }
0x29: {  	s4 =	sld [smem:$0x3FB2]  }
0x2a: {  	p0 =	seq.s32 s5, $0x0;
	s5 =	sld [smem:$0x3FB3]  }
0x2b: {  	s6 =	sld [smem:$0x3FB4]  }
0x2c: {  	s7 =	sld [smem:$0x3FB5]  }
0x2d: {  	s3 =	simm.s32 $0x108;
	s8 =	sld [smem:$0x3FB6]  }
0x2e: {  	s3 =	simm.s32 @!p0 $0x1082;
	s9 =	sld [smem:$0x3FB7]  }
0x2f: {  	lr =	sadd.s32 s0, s3;
	s0 =	sld [smem:$0x3FAE]  }
0x30: {  	s3 =	sld [smem:$0x3FB1]  }
0x31: {  	[smem:$0x3FBA] =	sst s10  }
0x32: {  	s10 =	sld [smem:$0x3FB8];
	_ =	sdelay $0x3  }
0x33: {  	p0 =	seq.s32 s10, $0x1;
	s10 =	sld [smem:$0x3FBA];
	_ =	sdelay $0x3  }
0x34: {  	[smem:$0x3FBA] =	sst s10  }
0x35: {  	s10 =	sld [smem:$0x3FB9];
	_ =	sdelay $0x3  }
0x36: {  	p1 =	seq.s32 s10, $0x1;
	s10 =	sld [smem:$0x3FBA];
	_ =	sdelay $0x3  }
0x37: {  	[smem:$0x3FBA] =	sst s10  }
0x38: {  	s10 =	sld [smem:$0x3FBB]  }
0x39: {  	_ = 	snop;
	(pc) =	sbr.ind lr, $3  }
0x3a: {  	_ = 	snop  }
0x3b: {  	_ = 	snop  }
0x3c: {  	p2 =	seq.s32 s10, $0x1;
	s10 =	sld [smem:$0x3FBA]  }
0x3d: {  	_ =	shalt  }
0x3e: {  	_ =	shalt  }
0x3f: {  	_ =	shalt  }
0x40: {  	_ =	shalt  }
0x41: {  	_ =	shalt  }
0x42: {  	_ =	shalt  }
0x43: {  	_ =	shalt  }
0x44: {  	_ =	shalt  }
0x45: {  	_ =	shalt  }
0x46: {  	_ =	shalt  }
0x47: {  	_ =	shalt  }
0x48: {  	_ =	shalt  }
0x49: {  	_ =	shalt  }
0x4a: {  	_ =	shalt  }
0x4b: {  	_ =	shalt  }
0x4c: {  	_ =	shalt  }
0x4d: {  	_ =	shalt  }
0x4e: {  	_ =	shalt  }
0x4f: {  	_ =	shalt  }
0x50: {  	_ =	shalt  }
0x51: {  	_ =	shalt  }
0x52: {  	_ =	shalt  }
0x53: {  	_ =	shalt  }
0x54: {  	_ =	shalt  }
0x55: {  	_ =	shalt  }
0x56: {  	_ =	shalt  }
0x57: {  	_ =	shalt  }
0x58: {  	_ =	shalt  }
0x59: {  	_ =	shalt  }
0x5a: {  	_ =	shalt  }
0x5b: {  	_ =	shalt  }
0x5c: {  	_ =	shalt  }
0x5d: {  	_ =	shalt  }
0x5e: {  	_ =	shalt  }
0x5f: {  	_ =	shalt  }
0x60: {  	_ =	shalt  }
0x61: {  	_ =	shalt  }
0x62: {  	_ =	shalt  }
0x63: {  	_ =	shalt  }
0x64: {  	_ =	shalt  }
0x65: {  	_ =	shalt  }
0x66: {  	_ =	shalt  }
0x67: {  	_ =	shalt  }
0x68: {  	_ =	shalt  }
0x69: {  	_ =	shalt  }
0x6a: {  	_ =	shalt  }
0x6b: {  	_ =	shalt  }
0x6c: {  	_ =	shalt  }
0x6d: {  	_ =	shalt  }
0x6e: {  	_ =	shalt  }
0x6f: {  	_ =	shalt  }
0x70: {  	_ =	shalt  }
0x71: {  	_ =	shalt  }
0x72: {  	_ =	shalt  }
0x73: {  	_ =	shalt  }
0x74: {  	_ =	shalt  }
0x75: {  	_ =	shalt  }
0x76: {  	_ =	shalt  }
0x77: {  	_ =	shalt  }
0x78: {  	_ =	shalt  }
0x79: {  	_ =	shalt  }
0x7a: {  	_ =	shalt  }
0x7b: {  	_ =	shalt  }
0x7c: {  	_ =	shalt  }
0x7d: {  	_ =	shalt  }
0x7e: {  	_ =	shalt  }
0x7f: {  	_ =	shalt  }
0x80: {  	_ =	shalt  }
0x81: {  	_ =	shalt  }
0x82: {  	_ =	shalt  }
0x83: {  	_ =	shalt  }
0x84: {  	_ =	shalt  }
0x85: {  	_ =	shalt  }
0x86: {  	_ =	shalt  }
0x87: {  	_ =	shalt  }
.Lfunc_end0:
.L_simem_size_0:
called_computation_lowered:
.L_overlay_start_0:
0x88: {  	s2 =	sld [smem:$0x3FD9]  }
0x89: {  	s3 =	sld [smem:$0x3FFE];
	_ =	sdelay $0x1  }
0x8a: {  	s1 =	srdreg.scid  }
0x8b: {  	s0 =	sand.u32 $0x1, s1  }
0x8c: {  	s18 =	sshll.u32 s0, $0xA;
	s2 =	sadd.s32 s3, s2  }
0x8d: {  	s2 =	sadd.s32 s2, s18  }
0x8e: {  	[smem:$0x3FC6] =	sst s2  }
0x8f: {  	_ = 	snop  }
0x90: {  	s2 =	sld [smem:$0x3FC9]  }
0x91: {  	s19 =	sld [smem:$0x3FC8]  }
0x92: {  	s4 =	sld [smem:$0x3FD0];
	(tm) =	ssettm $0x1  }
0x93: {  	s5 =	sld [smem:$0x3FFB];
	_ =	sdelay $0x3  }
0x94: {  	_ =	strace s5  }
0x95: {  	s5 =	sld [smem:$0x3FFC];
	_ =	sdelay $0x3  }
0x96: {  	_ =	strace s5  }
0x97: {  	s5 =	sld [smem:$0x3FFD];
	_ =	sdelay $0x3  }
0x98: {  	_ =	strace s5  }
0x99: {  	_ =	strace $0x8FFFFFFF  }
0x9a: {  	s20 =	sld [smem:$0x3FDB];
	_ =	sdelay $0x1  }
0x9b: {  	s6 =	simm.s32 $_scs_section_size  }
0x9c: {  	s7 =	simm.s32 $_size__tile_overlayer_lowered;
	s8 =	simm.s32 $_tile_overlayer_lowered  }
0x9d: {  	s23 =	simm.s32 $0x1BFF;
	s22 =	sshll.u32 s8, $0x1;
	s5 =	sadd.s32 s6, s20  }
0x9e: {  	s9 =	simm.s32 $0x0;
	s21 =	sshll.u32 s7, $0x1;
	s7 =	sadd.s32 s22, s5  }
0x9f: {  	[timem:s9], [sflag:s23] =	dma.local [hbm:s7], s21  }
0xa0: {  	_ =	swait.ge [sflag:s23], s21  }
0xa1: {  	s6 =	ssub.s32 $0x0, s21;
	[sflag:s23] =	ssyncset.done $0x0  }
0xa2: {  	[sflag:s23] =	ssyncadd.s32 s6;
	_ =	sdelay $0x1  }
0xa3: {  	s24 =	simm.s32 $0x1B8B  }
0xa4: {  	_ =	swait.ge [sflag:s24], $0x1  }
0xa5: {  	[sflag:s24] =	ssyncset.done $0x0  }
0xa6: {  	s25 =	simm.s32 $0x1B8E;
	[sflag:s24] =	ssyncadd.s32 $0xFFFFFFFF  }
0xa7: {  	s26 =	simm.s32 $execute0_lowered;
	[smem:$0x3FD2] =	sst s25  }
0xa8: {  	s6 =	sshll.u32 s26, $0x1;
	_ =	strace $0x80000046;
	[dreg:$0x1] =	wrdreg $0xFFFFFFFF  }
0xa9: {  	s28 =	simm.s32 $_size_execute0_lowered;
	s5 =	sadd.s32 s5, s6;
	[dreg:$0x0] =	wrdreg $0x0  }
0xaa: {  	s6 =	sshll.u32 s28, $0x1;
	[dreg:$0x2] =	wrdreg s5  }
0xab: {  	[dreg:$0x3] =	wrdreg s6  }
0xac: {  	[dreg:$0x4] =	wrdreg $0xC0  }
0xad: {  	_ =	task [dreg:s9], $0x5FFFF  }
0xae: {  	[dreg:$0x1] =	wrdreg $0xFFFFFFFF  }
0xaf: {  	[dreg:$0x0] =	wrdreg $0x60  }
0xb0: {  	[dreg:$0x2] =	wrdreg s2  }
0xb1: {  	[dreg:$0x3] =	wrdreg s19  }
0xb2: {  	[dreg:$0x4] =	wrdreg s4  }
0xb3: {  	[dreg:$0x5] =	wrdreg $0x9  }
0xb4: {  	_ =	task.clear_ibuf [dreg:s9], $0x6FFFF;
	_ =	strace $0x90000046  }
0xb5: {  	s29 =	simm.s32 $0x9;
	_ =	strace $0x80000048  }
0xb6: {  	_ =	swait.ge [sflag:s29], $0x1  }
0xb7: {  	[sflag:s29] =	ssyncadd.s32 $0xFFFFFFFF  }
0xb8: {  	_ =	strace $0x90000048  }
0xb9: {  	_ =	sfence  }
0xba: {  	s30 =	sld [smem:$0x0];
	_ =	sdelay $0x2  }
0xbb: {  	s31 =	sshll.u32 s1, $0xD;
	s1 =	sshrl.u32 s1, $0x2  }
0xbc: {  	s3 =	sand.u32 $0x4000, s31;
	s1 =	sadd.s32 s1, s30  }
0xbd: {  	s0 =	sor.u32 s3, s0;
	s1 =	sshll.u32 s1, $0x11  }
0xbe: {  	s0 =	sor.u32 s1, s0  }
0xbf: {  	s0 =	sadd.s32 $0x8F2B, s0  }
0xc0: {  	[sflag:s0] =	ssyncadd.remote.s32 $0x1  }
0xc1: {  	_ =	sfence.sel $0xFFFF  }
0xc2: {  	[dreg:$0x0] =	wrdreg $0xFFFFFFFF;
	(pc) =	sbr.abs _section_cstart, $3  }
0xc3: {  	[dreg:$0x1] =	wrdreg $0xFFFFFFFF  }
0xc4: {  	_ =	task.clear_ibuf [dreg:s9], $0x2FFFF;
	_ =	strace $0x9FFFFFFF  }
0xc5: {  	(tm) =	ssettm $0x7FFFFFFF  }
tec
execute0_lowered:
.L_overlay_start_1:
0x0: {  	(tag) =	ssettag $0x1  }
0x1: {  	s1 =	rddreg [dreg:$0x0]  }
0x2: {  	s2 =	rddreg [dreg:$0x1]  }
0x3: {  	s4 =	rddreg [dreg:$0x2]  }
0x4: {  	s0 =	srdreg.scid;
	s5 =	simm.s32 $0x0;
	s6 =	stileid.u32  }
0x5: {  	s15 =	simm.s32 $0x4000;
	s16 =	simm.s32 $0x8000;
	s17 =	simm.s32 $0xC000  }
0x6: {  	s18 =	simm.s32 $0x1;
	s19 =	simm.s32 $0x3;
	s20 =	simm.s32 $0x10000  }
0x7: {  	s21 =	simm.s32 $0x2;
	s28 =	simm.s32 $0x8;
	s29 =	simm.s32 $0x9  }
0x8: {  	s30 =	simm.s32 $0xA;
	s31 =	simm.s32 $0x0;
	s0 =	sand.u32 $0x1, s0  }
0x9: {  	s6 =	sshll.u32 s6, $0x12;
	[smem:$0x7FF] =	sst s5;
	s3 =	ssub.s32 $0x2, s0  }
0xa: {  	s12 =	sadd.s32 $0x800, s4;
	s0 =	sshll.u32 s0, $0x11;
	s7 =	sshrl.u32 s3, $0x1  }
0xb: {  	_ =	strace $0x80000047;
	s6 =	sor.u32 s0, s6;
	s22 =	ssub.s32 s3, s7  }
0xc: {  	v0 =	vlaneseq.u32;
	s23 =	sor.u32 $0x800, s6;
	s24 =	sadd.s32 s2, s6;
	s26 =	sadd.s32 s1, s6  }
.Ltmp0:
0xd: {  	v0 =	vmul.u32 $0x8, v0;
	s11 =	sor.u32 $0x1000, s6;
	[dreg:$0x4] =	wrdreg s24;
	(pc) =	sbr.rel .LBB2_1-.Ltmp0, $4  }
0xe: {  	v8 =	vimm.s32 $0x1;
	s13 =	sor.u32 $0x2000, s6;
	s25 =	sadd.s32 s2, s23;
	[dreg:$0x6] =	wrdreg s26  }
0xf: {  	v9 =	vimm.s32 $0xFFFFFFFF;
	v10 =	vimm.f32 $0.0e+00;
	v1 =	vor.u32 $0x1, v0;
	s3 =	sadd.s32 s1, s23;
	s0 =	smax.u32 s22, $0x1;
	[dreg:$0x5] =	wrdreg s25  }
0x10: {  	v2 =	vor.u32 $0x2, v0;
	v3 =	vor.u32 $0x3, v0;
	v4 =	vor.u32 $0x4, v0;
	s22 =	simm.s32 $0x4;
	s23 =	simm.s32 $0x14000;
	[dreg:$0x7] =	wrdreg s3  }
0x11: {  	v5 =	vor.u32 $0x5, v0;
	v6 =	vor.u32 $0x6, v0;
	v7 =	vor.u32 $0x7, v0;
	s24 =	simm.s32 $0x5;
	[dreg:$0x8] =	wrdreg s0;
	s25 =	simm.s32 $0x6  }
.LBB2_20:
0x12: {  	s0 =	simm.s32 $0x7  }
0x13: {  	_ =	swait.ge [sflag:s0], $0x4000  }
0x14: {  	[sflag:s0] =	ssyncset.done $0x0  }
0x15: {  	[sflag:s0] =	ssyncadd.s32 $0xFFFFC000  }
0x16: {  	_ =	swait.ge [sflag:s28], $0x4000  }
0x17: {  	[sflag:s28] =	ssyncset.done $0x0  }
0x18: {  	[sflag:s28] =	ssyncadd.s32 $0xFFFFC000  }
0x19: {  	_ =	swait.ge [sflag:s29], $0x4000  }
0x1a: {  	[sflag:s29] =	ssyncset.done $0x0  }
0x1b: {  	[sflag:s29] =	ssyncadd.s32 $0xFFFFC000  }
0x1c: {  	_ =	swait.ge [sflag:s30], $0x4000  }
0x1d: {  	s31 =	sadd.s32 $0x1, s31;
	s26 =	rddreg [dreg:$0x8]  }
0x1e: {  	p0 =	sne.s32 s31, s26  }
.Ltmp1:
0x1f: {  	_ = 	snop;
	(pc) =	sbr.rel @!p0 .LBB2_21-.Ltmp1, $3  }
0x20: {  	_ =	sdelay $0x1  }
0x21: {  	[sflag:s30] =	ssyncset.done $0x0  }
0x22: {  	[sflag:s30] =	ssyncadd.s32 $0xFFFFC000  }
.LBB2_1:
0x23: {  	s0 =	rddreg [dreg:$0x4]  }
0x24: {  	[tilespmem:s5], [sflag:$0x1] =	stream.linear.gather [hbm4b:s0+s5], $0x4000, $0x38;
	[tilespmem:$0x18000] =	vst v63  }
0x25: {  	s10 =	rddreg [dreg:$0x5]  }
0x26: {  	[tilespmem:s15], [sflag:$0x2] =	stream.linear.gather [hbm4b:s10+s5], $0x4000, $0x38;
	[tilespmem:$0x18000] =	vst v63  }
0x27: {  	s14 =	rddreg [dreg:$0x6]  }
0x28: {  	[tilespmem:s16], [sflag:$0x3] =	stream.linear.gather [hbm4b:s14+s5], $0x4000, $0x38;
	[tilespmem:$0x18000] =	vst v63  }
0x29: {  	s26 =	rddreg [dreg:$0x7];
	s0 =	simm.s32 $0x0  }
0x2a: {  	[tilespmem:s17], [sflag:$0x4] =	stream.linear.gather [hbm4b:s26+s5], $0x4000, $0x38;
	[tilespmem:$0x18000] =	vst v63  }
.LBB2_2:
0x2b: {  	_ =	swait.ge [sflag:s18], $0x4000  }
0x2c: {  	[sflag:s18] =	ssyncset.done $0x0  }
0x2d: {  	[sflag:s18] =	ssyncadd.s32 $0xFFFFC000  }
0x2e: {  	_ =	swait.ge [sflag:s19], $0x4000  }
0x2f: {  	[sflag:s19] =	ssyncset.done $0x0  }
0x30: {  	s3 =	simm.s32 $0x0;
	s7 =	simm.s32 $0x0;
	[sflag:s19] =	ssyncadd.s32 $0xFFFFC000  }
.LBB2_3:
0x31: {  	v11 =	vmov s7;
	v12 =	vmov s3  }
0x32: {  	v11 =	vshll.u32 v11, $0x7;
	v12 =	vshrl.u32 v12, $0x7  }
0x33: {  	v19 =	vand.u32 $0x380, v11;
	v11 =	vshll.u32 v12, $0xA  }
0x34: {  	v11 =	vor.u32 v19, v11  }
0x35: {  	v18 =	vbroadcast v11, $0x0;
	_ =	sdelay $0x1  }
0x36: {  	v12 =	vor.u32 v4, v18  }
0x37: {  	v13 =	vor.u32 v5, v18  }
0x38: {  	v16 =	vor.u32 v1, v18  }
0x39: {  	v11 =	vor.u32 v7, v18  }
0x3a: {  	v14 =	vor.u32 v2, v18  }
0x3b: {  	v17 =	vor.u32 v0, v18;
	v25 =	vld.idx.msk [tilespmem:v12+s5+$0x0], $0xffff  }
0x3c: {  	v15 =	vor.u32 v6, v18;
	v39 =	vld.idx.msk [tilespmem:v13+s5+$0x0], $0xffff  }
0x3d: {  	v31 =	vld.idx.msk [tilespmem:v16+s5+$0x0], $0xffff  }
0x3e: {  	v30 =	vld.idx.msk [tilespmem:v11+s5+$0x0], $0xffff  }
0x3f: {  	v27 =	vld.idx.msk [tilespmem:v14+s5+$0x0], $0xffff  }
0x40: {  	v18 =	vor.u32 v3, v18;
	v41 =	vld.idx.msk [tilespmem:v17+s5+$0x0], $0xffff  }
0x41: {  	v33 =	vld.idx.msk [tilespmem:v15+s5+$0x0], $0xffff;
	_ =	sdelay $0x2  }
0x42: {  	vm0 =	vle.f32 v25, v39;
	vm1 =	vle.f32 v31, v25;
	vm2 =	vle.f32 v31, v27  }
0x43: {  	v32 =	vld.idx.msk [tilespmem:v18+s5+$0x0], $0xffff;
	vm3 =	vle.f32 v31, v30;
	vm4 =	vle.f32 v41, v27;
	vm5 =	vle.f32 v41, v30  }
0x44: {  	vm6 =	vle.f32 v39, v33;
	vm8 =	vle.f32 v27, v30;
	vm7 =	vle.f32 v27, v33  }
0x45: {  	vm9 =	vle.f32 v41, v39;
	v20 =	vsel vm0, $0x1, v9;
	v22 =	vsel vm1, $0x1, v9  }
0x46: {  	vm1 =	vle.f32 v31, v39;
	vm0 =	vle.f32 v39, v30;
	v42 =	vsel vm2, $0x1, v9  }
0x47: {  	vm2 =	vle.f32 v25, v30;
	v23 =	vsel vm3, $0x1, v9;
	vm3 =	vle.f32 v25, v33  }
0x48: {  	v37 =	vsel vm5, $0x1, v9;
	vm5 =	vle.f32 v31, v32;
	v35 =	vsel vm7, $0x1, v9  }
0x49: {  	v44 =	vsel vm9, $0x1, v9;
	vm7 =	vle.f32 v27, v39;
	v47 =	vsel vm4, $0x1, v9  }
0x4a: {  	v21 =	vsel vm0, $0x1, v9;
	vm0 =	vle.f32 v31, v33;
	v34 =	vsel vm2, $0x1, v9  }
0x4b: {  	vm2 =	vle.f32 v41, v25;
	v29 =	vsel vm1, $0x1, v9;
	vm1 =	vle.f32 v32, v30  }
0x4c: {  	v28 =	vsel vm3, $0x1, v9;
	vm3 =	vle.f32 v41, v31;
	v31 =	vsel vm6, $0x1, v9  }
0x4d: {  	v46 =	vsel vm5, $0x1, v9;
	vm6 =	vle.f32 v41, v32;
	v24 =	vsel vm0, $0x1, v9  }
0x4e: {  	vm0 =	vle.f32 v32, v25;
	v26 =	vsel vm1, $0x1, v9;
	vm1 =	vle.f32 v41, v33  }
0x4f: {  	v38 =	vsel vm2, $0x1, v9;
	vm2 =	vle.f32 v32, v33;
	v40 =	vsel vm1, $0x1, v9  }
0x50: {  	v45 =	vadd.s32 v20, v28;
	v36 =	vsel vm3, $0x1, v9;
	v43 =	vadd.s32 v24, v40  }
0x51: {  	vm1 =	vle.f32 v32, v39;
	v39 =	vadd.s32 v42, v47;
	v41 =	vadd.s32 v35, v43  }
0x52: {  	s8 =	simm.s32 $0x80;
	v43 =	vadd.s32 v34, v45;
	v45 =	vadd.s32 v42, v46;
	v42 =	vsel vm8, $0x1, v9  }
.LBB2_4:
0x53: {  	p0 =	sne.s32 s8, $0x780;
	v48 =	vsel vm6, $0x1, v9;
	v49 =	vsel vm7, $0x1, v9;
	v50 =	vsel vm2, $0x1, v9;
	s9 =	smov.u32 s8;
	s8 =	sadd.s32 $0x80, s8  }
0x54: {  	v51 =	vadd.s32 v22, v38;
	vm2 =	vle.f32 v27, v25;
	vm4 =	vle.f32 v33, v30  }
0x55: {  	v25 =	vsel vm3, $0xFFFFFFFF, v8;
	v30 =	vsel vm2, $0x1, v9;
	v33 =	vsel vm4, $0x1, v9  }
0x56: {  	vm2 =	vle.f32 v27, v32;
	v27 =	vsel vm0, $0x1, v9;
	v32 =	vsel vm1, $0x1, v9  }
0x57: {  	v46 =	vadd.s32 v46, v48;
	v51 =	vadd.s32 v30, v51;
	v52 =	vadd.s32 v27, v32  }
0x58: {  	v47 =	vadd.s32 v47, v48;
	v48 =	vadd.s32 v23, v37;
	v52 =	vadd.s32 v50, v52  }
0x59: {  	v48 =	vadd.s32 v42, v48;
	v27 =	vadd.s32 v27, v51  }
0x5a: {  	v38 =	vadd.s32 v38, v47;
	v47 =	vadd.s32 v26, v48  }
0x5b: {  	v38 =	vadd.s32 v44, v38;
	v44 =	vadd.s32 v29, v44;
	v34 =	vadd.s32 v34, v47  }
0x5c: {  	v38 =	vadd.s32 v40, v38;
	v40 =	vadd.s32 v49, v44;
	vm0 =	vlt.s32 v27, v43  }
0x5d: {  	v27 =	vsel vm2, $0x1, v9;
	v32 =	vadd.s32 v32, v40;
	v34 =	vadd.s32 v21, v34  }
0x5e: {  	v22 =	vadd.s32 v22, v45;
	v20 =	vadd.s32 v20, v32;
	v32 =	vadd.s32 v33, v34  }
0x5f: {  	v22 =	vadd.s32 v29, v22;
	v26 =	vadd.s32 v26, v52;
	v34 =	vadd.s32 v37, v38  }
0x60: {  	v22 =	vadd.s32 v24, v22;
	v24 =	vadd.s32 v27, v30;
	v21 =	vadd.s32 v31, v21  }
0x61: {  	v22 =	vadd.s32 v23, v22;
	v23 =	vadd.s32 v49, v24;
	v24 =	vadd.s32 v50, v41  }
0x62: {  	v23 =	vadd.s32 v35, v23;
	v24 =	vadd.s32 v28, v24;
	vm1 =	vlt.s32 v25, v34  }
0x63: {  	vm2 =	vlt.s32 v36, v22;
	v23 =	vadd.s32 v42, v23;
	v24 =	vadd.s32 v31, v24  }
0x64: {  	v22 =	vmov s9;
	v25 =	vadd.s32 v27, v46;
	vm3 =	vlt.s32 v39, v23  }
0x65: {  	v22 =	vshrl.u32 v22, $0x7;
	vm5 =	vlt.s32 v20, v21;
	vm4 =	vlt.s32 v25, v26  }
0x66: {  	v20 =	vshll.u32 v22, $0xA;
	vm7 =	vlt.s32 v32, $0x0;
	vm6 =	vlt.s32 v24, v33  }
0x67: {  	v20 =	vor.u32 v19, v20  }
0x68: {  	v20 =	vbroadcast v20, $0x0;
	[tilespmem:v17+s16+$0x0] =	vst.idx.msk vm1, v10  }
0x69: {  	[tilespmem:v16+s16+$0x0] =	vst.idx.msk vm2, v10  }
0x6a: {  	v17 =	vor.u32 v0, v20;
	[tilespmem:v14+s16+$0x0] =	vst.idx.msk vm3, v10;
	v14 =	vor.u32 v2, v20  }
0x6b: {  	v21 =	vor.u32 v4, v20;
	v16 =	vor.u32 v1, v20;
	[tilespmem:v18+s16+$0x0] =	vst.idx.msk vm4, v10  }
0x6c: {  	v18 =	vor.u32 v5, v20;
	[tilespmem:v12+s16+$0x0] =	vst.idx.msk vm0, v10;
	v12 =	vmov v21  }
0x6d: {  	[tilespmem:v13+s16+$0x0] =	vst.idx.msk vm5, v10;
	v13 =	vmov v18  }
0x6e: {  	v22 =	vor.u32 v7, v20;
	[tilespmem:v15+s16+$0x0] =	vst.idx.msk vm6, v10  }
0x6f: {  	[tilespmem:v11+s16+$0x0] =	vst.idx.msk vm7, v10;
	v11 =	vmov v22  }
0x70: {  	v15 =	vor.u32 v6, v20;
	v25 =	vld.idx.msk [tilespmem:v21+s5+$0x0], $0xffff  }
0x71: {  	v39 =	vld.idx.msk [tilespmem:v18+s5+$0x0], $0xffff  }
0x72: {  	v18 =	vor.u32 v3, v20;
	v31 =	vld.idx.msk [tilespmem:v16+s5+$0x0], $0xffff  }
0x73: {  	v30 =	vld.idx.msk [tilespmem:v22+s5+$0x0], $0xffff  }
0x74: {  	v27 =	vld.idx.msk [tilespmem:v14+s5+$0x0], $0xffff  }
0x75: {  	v41 =	vld.idx.msk [tilespmem:v17+s5+$0x0], $0xffff  }
0x76: {  	v33 =	vld.idx.msk [tilespmem:v15+s5+$0x0], $0xffff  }
0x77: {  	vm0 =	vle.f32 v25, v39;
	v32 =	vld.idx.msk [tilespmem:v18+s5+$0x0], $0xffff  }
0x78: {  	vm1 =	vle.f32 v31, v25;
	v20 =	vsel vm0, $0x1, v9  }
0x79: {  	v22 =	vsel vm1, $0x1, v9;
	vm1 =	vle.f32 v31, v39;
	vm0 =	vle.f32 v39, v30  }
0x7a: {  	vm3 =	vle.f32 v31, v30;
	vm2 =	vle.f32 v31, v27;
	v21 =	vsel vm0, $0x1, v9  }
0x7b: {  	vm4 =	vle.f32 v41, v27;
	v42 =	vsel vm2, $0x1, v9;
	vm2 =	vle.f32 v25, v30  }
0x7c: {  	v23 =	vsel vm3, $0x1, v9;
	vm6 =	vle.f32 v41, v30;
	vm0 =	vle.f32 v31, v33  }
0x7d: {  	v34 =	vsel vm2, $0x1, v9;
	v24 =	vsel vm0, $0x1, v9;
	vm0 =	vle.f32 v32, v25  }
0x7e: {  	v29 =	vsel vm1, $0x1, v9;
	vm2 =	vle.f32 v41, v25;
	vm1 =	vle.f32 v32, v30  }
0x7f: {  	vm7 =	vle.f32 v39, v33;
	v38 =	vsel vm2, $0x1, v9;
	v26 =	vsel vm1, $0x1, v9  }
0x80: {  	vm5 =	vle.f32 v27, v30;
	vm3 =	vle.f32 v25, v33;
	vm1 =	vle.f32 v41, v33  }
0x81: {  	vm8 =	vle.f32 v27, v33;
	vm2 =	vle.f32 v32, v33;
	v40 =	vsel vm1, $0x1, v9  }
0x82: {  	vm9 =	vle.f32 v41, v39;
	v28 =	vsel vm3, $0x1, v9;
	vm1 =	vle.f32 v32, v39  }
0x83: {  	v37 =	vsel vm6, $0x1, v9;
	vm6 =	vle.f32 v31, v32;
	v43 =	vadd.s32 v24, v40  }
.Ltmp2:
0x84: {  	vm3 =	vle.f32 v41, v31;
	v35 =	vsel vm8, $0x1, v9;
	v31 =	vsel vm7, $0x1, v9;
	(pc) =	sbr.rel @p0 .LBB2_4-.Ltmp2, $4  }
0x85: {  	v44 =	vsel vm9, $0x1, v9;
	v46 =	vsel vm6, $0x1, v9;
	v45 =	vadd.s32 v20, v28  }
0x86: {  	vm7 =	vle.f32 v27, v39;
	v36 =	vsel vm3, $0x1, v9;
	vm6 =	vle.f32 v41, v32  }
0x87: {  	v47 =	vsel vm4, $0x1, v9;
	v41 =	vadd.s32 v35, v43;
	v43 =	vadd.s32 v34, v45  }
0x88: {  	v39 =	vadd.s32 v42, v47;
	v45 =	vadd.s32 v42, v46;
	v42 =	vsel vm5, $0x1, v9  }
0x89: {  	v19 =	vsel vm6, $0x1, v9  }
0x8a: {  	v48 =	vsel vm7, $0x1, v9;
	v49 =	vsel vm2, $0x1, v9;
	v50 =	vadd.s32 v22, v38  }
0x8b: {  	vm15 =	vle.f32 v27, v25;
	vm4 =	vle.f32 v33, v30;
	v56 =	vsel vm3, $0xFFFFFFFF, v8  }
0x8c: {  	vm8 =	vle.f32 v27, v32;
	v58 =	vsel vm0, $0x1, v9;
	v59 =	vsel vm1, $0x1, v9  }
0x8d: {  	v60 =	vadd.s32 v23, v37;
	v62 =	vadd.s32 v29, v44;
	v57 =	vsel vm15, $0x1, v9  }
0x8e: {  	v33 =	vsel vm4, $0x1, v9;
	v46 =	vadd.s32 v46, v19;
	v51 =	vadd.s32 v58, v59  }
0x8f: {  	v19 =	vadd.s32 v47, v19;
	v47 =	vadd.s32 v42, v60;
	v63 =	vsel vm8, $0x1, v9  }
0x90: {  	v60 =	vadd.s32 v31, v21;
	v50 =	vadd.s32 v57, v50;
	v51 =	vadd.s32 v49, v51  }
0x91: {  	v19 =	vadd.s32 v38, v19;
	v61 =	vadd.s32 v26, v47;
	v47 =	vadd.s32 v22, v45  }
0x92: {  	v52 =	vadd.s32 v63, v57;
	v57 =	vadd.s32 v63, v46;
	v19 =	vadd.s32 v44, v19  }
0x93: {  	v27 =	vadd.s32 v58, v50;
	v22 =	vadd.s32 v29, v47;
	v19 =	vadd.s32 v40, v19  }
0x94: {  	v53 =	vadd.s32 v48, v52;
	v22 =	vadd.s32 v24, v22;
	v19 =	vadd.s32 v37, v19  }
0x95: {  	v54 =	vadd.s32 v35, v53;
	v22 =	vadd.s32 v23, v22;
	vm9 =	vlt.s32 v56, v19  }
0x96: {  	v34 =	vadd.s32 v34, v61;
	v55 =	vadd.s32 v42, v54;
	vm11 =	vlt.s32 v36, v22  }
0x97: {  	v50 =	vadd.s32 v48, v62;
	v56 =	vadd.s32 v26, v51;
	vm12 =	vlt.s32 v39, v55  }
0x98: {  	v58 =	vadd.s32 v59, v50;
	v59 =	vadd.s32 v49, v41;
	vm13 =	vlt.s32 v57, v56  }
0x99: {  	vm10 =	vlt.s32 v27, v43;
	v61 =	vadd.s32 v28, v59;
	v19 =	vadd.s32 v20, v58  }
0x9a: {  	v62 =	vadd.s32 v21, v34;
	v22 =	vadd.s32 v31, v61;
	vm5 =	vlt.s32 v19, v60  }
0x9b: {  	v63 =	vadd.s32 v33, v62;
	vm14 =	vlt.s32 v22, v33;
	[tilespmem:v17+s16+$0x0] =	vst.idx.msk vm9, v10  }
0x9c: {  	s7 =	sadd.s32 $0x1, s7;
	vm15 =	vlt.s32 v63, $0x0;
	[tilespmem:v16+s16+$0x0] =	vst.idx.msk vm11, v10  }
0x9d: {  	p0 =	sne.s32 s7, $0x8;
	[tilespmem:v14+s16+$0x0] =	vst.idx.msk vm12, v10  }
.Ltmp3:
0x9e: {  	[tilespmem:v18+s16+$0x0] =	vst.idx.msk vm13, v10;
	(pc) =	sbr.rel @p0 .LBB2_3-.Ltmp3, $4  }
0x9f: {  	[tilespmem:v12+s16+$0x0] =	vst.idx.msk vm10, v10  }
0xa0: {  	[tilespmem:v13+s16+$0x0] =	vst.idx.msk vm5, v10  }
0xa1: {  	[tilespmem:v15+s16+$0x0] =	vst.idx.msk vm14, v10  }
0xa2: {  	[tilespmem:v11+s16+$0x0] =	vst.idx.msk vm15, v10  }
0xa3: {  	s3 =	sshll.u32 s0, $0xD  }
0xa4: {  	s7 =	sor.u32 s6, s3  }
0xa5: {  	s8 =	sadd.s32 s4, s7  }
0xa6: {  	[hbm4b:s8+s5] =	stream.linear.scatter [tilespmem:s16], [sflag:$0x7], $0x4000, $0x38;
	[tilespmem:$0x18000] =	vst v63  }
0xa7: {  	s8 =	sadd.s32 s11, s3  }
0xa8: {  	p0 =	seq.s32 s0, $0x0;
	s9 =	sadd.s32 s2, s8  }
0xa9: {  	[tilespmem:s5], [sflag:$0x1] =	stream.linear.gather [hbm4b:s9+s5], $0x4000, $0x38;
	[tilespmem:$0x18000] =	vst v63  }
0xaa: {  	s9 =	simm.s32 @!p0 $0x9  }
0xab: {  	_ =	swait.ge @!p0 [sflag:s9], $0x4000  }
0xac: {  	[sflag:s9] =	ssyncset.done @!p0 $0x0  }
0xad: {  	s10 =	sadd.s32 s1, s8;
	[sflag:s9] =	ssyncadd.s32 @!p0 $0xFFFFC000;
	s9 =	simm.s32 $0x0  }
0xae: {  	[tilespmem:s20], [sflag:$0x5] =	stream.linear.gather [hbm4b:s10+s9], $0x4000, $0x38;
	[tilespmem:$0x18000] =	vst v63  }
0xaf: {  	_ =	swait.ge [sflag:s21], $0x4000  }
0xb0: {  	[sflag:s21] =	ssyncset.done $0x0  }
0xb1: {  	[sflag:s21] =	ssyncadd.s32 $0xFFFFC000  }
0xb2: {  	_ =	swait.ge [sflag:s22], $0x4000  }
0xb3: {  	[sflag:s22] =	ssyncset.done $0x0  }
0xb4: {  	s10 =	simm.s32 $0x0;
	[sflag:s22] =	ssyncadd.s32 $0xFFFFC000  }
.LBB2_7:
0xb5: {  	v11 =	vmov s10;
	v12 =	vmov s9  }
0xb6: {  	v11 =	vshll.u32 v11, $0x7;
	v12 =	vshrl.u32 v12, $0x7  }
0xb7: {  	v19 =	vand.u32 $0x380, v11;
	v11 =	vshll.u32 v12, $0xA  }
0xb8: {  	v11 =	vor.u32 v19, v11  }
0xb9: {  	v18 =	vbroadcast v11, $0x0;
	_ =	sdelay $0x1  }
0xba: {  	v12 =	vor.u32 v4, v18  }
0xbb: {  	v13 =	vor.u32 v5, v18  }
0xbc: {  	v16 =	vor.u32 v1, v18  }
0xbd: {  	v11 =	vor.u32 v7, v18  }
0xbe: {  	v14 =	vor.u32 v2, v18  }
0xbf: {  	v17 =	vor.u32 v0, v18;
	v25 =	vld.idx.msk [tilespmem:v12+s15+$0x0], $0xffff  }
0xc0: {  	v15 =	vor.u32 v6, v18;
	v39 =	vld.idx.msk [tilespmem:v13+s15+$0x0], $0xffff  }
0xc1: {  	v31 =	vld.idx.msk [tilespmem:v16+s15+$0x0], $0xffff  }
0xc2: {  	v30 =	vld.idx.msk [tilespmem:v11+s15+$0x0], $0xffff  }
0xc3: {  	v27 =	vld.idx.msk [tilespmem:v14+s15+$0x0], $0xffff  }
0xc4: {  	v18 =	vor.u32 v3, v18;
	v41 =	vld.idx.msk [tilespmem:v17+s15+$0x0], $0xffff  }
0xc5: {  	v33 =	vld.idx.msk [tilespmem:v15+s15+$0x0], $0xffff;
	_ =	sdelay $0x2  }
0xc6: {  	vm0 =	vle.f32 v25, v39;
	vm1 =	vle.f32 v31, v25;
	vm2 =	vle.f32 v31, v27  }
0xc7: {  	v32 =	vld.idx.msk [tilespmem:v18+s15+$0x0], $0xffff;
	vm3 =	vle.f32 v31, v30;
	vm4 =	vle.f32 v41, v27;
	vm5 =	vle.f32 v41, v30  }
0xc8: {  	vm6 =	vle.f32 v39, v33;
	vm8 =	vle.f32 v27, v30;
	vm7 =	vle.f32 v27, v33  }
0xc9: {  	vm9 =	vle.f32 v41, v39;
	v20 =	vsel vm0, $0x1, v9;
	v22 =	vsel vm1, $0x1, v9  }
0xca: {  	vm1 =	vle.f32 v31, v39;
	vm0 =	vle.f32 v39, v30;
	v42 =	vsel vm2, $0x1, v9  }
0xcb: {  	vm2 =	vle.f32 v25, v30;
	v23 =	vsel vm3, $0x1, v9;
	vm3 =	vle.f32 v25, v33  }
0xcc: {  	v37 =	vsel vm5, $0x1, v9;
	vm5 =	vle.f32 v31, v32;
	v35 =	vsel vm7, $0x1, v9  }
0xcd: {  	v44 =	vsel vm9, $0x1, v9;
	vm7 =	vle.f32 v27, v39;
	v47 =	vsel vm4, $0x1, v9  }
0xce: {  	v21 =	vsel vm0, $0x1, v9;
	vm0 =	vle.f32 v31, v33;
	v34 =	vsel vm2, $0x1, v9  }
0xcf: {  	vm2 =	vle.f32 v41, v25;
	v29 =	vsel vm1, $0x1, v9;
	vm1 =	vle.f32 v32, v30  }
0xd0: {  	v28 =	vsel vm3, $0x1, v9;
	vm3 =	vle.f32 v41, v31;
	v31 =	vsel vm6, $0x1, v9  }
0xd1: {  	v46 =	vsel vm5, $0x1, v9;
	vm6 =	vle.f32 v41, v32;
	v24 =	vsel vm0, $0x1, v9  }
0xd2: {  	vm0 =	vle.f32 v32, v25;
	v26 =	vsel vm1, $0x1, v9;
	vm1 =	vle.f32 v41, v33  }
0xd3: {  	v38 =	vsel vm2, $0x1, v9;
	vm2 =	vle.f32 v32, v33;
	v40 =	vsel vm1, $0x1, v9  }
0xd4: {  	v45 =	vadd.s32 v20, v28;
	v36 =	vsel vm3, $0x1, v9;
	v43 =	vadd.s32 v24, v40  }
0xd5: {  	vm1 =	vle.f32 v32, v39;
	v39 =	vadd.s32 v42, v47;
	v41 =	vadd.s32 v35, v43  }
0xd6: {  	s14 =	simm.s32 $0x80;
	v43 =	vadd.s32 v34, v45;
	v45 =	vadd.s32 v42, v46;
	v42 =	vsel vm8, $0x1, v9  }
.LBB2_8:
0xd7: {  	p1 =	sne.s32 s14, $0x780;
	v48 =	vsel vm6, $0x1, v9;
	v49 =	vsel vm7, $0x1, v9;
	v50 =	vsel vm2, $0x1, v9;
	s26 =	smov.u32 s14;
	s14 =	sadd.s32 $0x80, s14  }
0xd8: {  	v51 =	vadd.s32 v22, v38;
	vm2 =	vle.f32 v27, v25;
	vm4 =	vle.f32 v33, v30  }
0xd9: {  	v25 =	vsel vm3, $0xFFFFFFFF, v8;
	v30 =	vsel vm2, $0x1, v9;
	v33 =	vsel vm4, $0x1, v9  }
0xda: {  	vm2 =	vle.f32 v27, v32;
	v27 =	vsel vm0, $0x1, v9;
	v32 =	vsel vm1, $0x1, v9  }
0xdb: {  	v46 =	vadd.s32 v46, v48;
	v51 =	vadd.s32 v30, v51;
	v52 =	vadd.s32 v27, v32  }
0xdc: {  	v47 =	vadd.s32 v47, v48;
	v48 =	vadd.s32 v23, v37;
	v52 =	vadd.s32 v50, v52  }
0xdd: {  	v48 =	vadd.s32 v42, v48;
	v27 =	vadd.s32 v27, v51  }
0xde: {  	v38 =	vadd.s32 v38, v47;
	v47 =	vadd.s32 v26, v48  }
0xdf: {  	v38 =	vadd.s32 v44, v38;
	v44 =	vadd.s32 v29, v44;
	v34 =	vadd.s32 v34, v47  }
0xe0: {  	v38 =	vadd.s32 v40, v38;
	v40 =	vadd.s32 v49, v44;
	vm0 =	vlt.s32 v27, v43  }
0xe1: {  	v27 =	vsel vm2, $0x1, v9;
	v32 =	vadd.s32 v32, v40;
	v34 =	vadd.s32 v21, v34  }
0xe2: {  	v22 =	vadd.s32 v22, v45;
	v20 =	vadd.s32 v20, v32;
	v32 =	vadd.s32 v33, v34  }
0xe3: {  	v22 =	vadd.s32 v29, v22;
	v26 =	vadd.s32 v26, v52;
	v34 =	vadd.s32 v37, v38  }
0xe4: {  	v22 =	vadd.s32 v24, v22;
	v24 =	vadd.s32 v27, v30;
	v21 =	vadd.s32 v31, v21  }
0xe5: {  	v22 =	vadd.s32 v23, v22;
	v23 =	vadd.s32 v49, v24;
	v24 =	vadd.s32 v50, v41  }
0xe6: {  	v23 =	vadd.s32 v35, v23;
	v24 =	vadd.s32 v28, v24;
	vm1 =	vlt.s32 v25, v34  }
0xe7: {  	vm2 =	vlt.s32 v36, v22;
	v23 =	vadd.s32 v42, v23;
	v24 =	vadd.s32 v31, v24  }
0xe8: {  	v22 =	vmov s26;
	v25 =	vadd.s32 v27, v46;
	vm3 =	vlt.s32 v39, v23  }
0xe9: {  	v22 =	vshrl.u32 v22, $0x7;
	vm5 =	vlt.s32 v20, v21;
	vm4 =	vlt.s32 v25, v26  }
0xea: {  	v20 =	vshll.u32 v22, $0xA;
	vm7 =	vlt.s32 v32, $0x0;
	vm6 =	vlt.s32 v24, v33  }
0xeb: {  	v20 =	vor.u32 v19, v20  }
0xec: {  	v20 =	vbroadcast v20, $0x0;
	[tilespmem:v17+s17+$0x0] =	vst.idx.msk vm1, v10  }
0xed: {  	[tilespmem:v16+s17+$0x0] =	vst.idx.msk vm2, v10  }
0xee: {  	v17 =	vor.u32 v0, v20;
	[tilespmem:v14+s17+$0x0] =	vst.idx.msk vm3, v10;
	v14 =	vor.u32 v2, v20  }
0xef: {  	v21 =	vor.u32 v4, v20;
	v16 =	vor.u32 v1, v20;
	[tilespmem:v18+s17+$0x0] =	vst.idx.msk vm4, v10  }
0xf0: {  	v18 =	vor.u32 v5, v20;
	[tilespmem:v12+s17+$0x0] =	vst.idx.msk vm0, v10;
	v12 =	vmov v21  }
0xf1: {  	[tilespmem:v13+s17+$0x0] =	vst.idx.msk vm5, v10;
	v13 =	vmov v18  }
0xf2: {  	v22 =	vor.u32 v7, v20;
	[tilespmem:v15+s17+$0x0] =	vst.idx.msk vm6, v10  }
0xf3: {  	[tilespmem:v11+s17+$0x0] =	vst.idx.msk vm7, v10;
	v11 =	vmov v22  }
0xf4: {  	v15 =	vor.u32 v6, v20;
	v25 =	vld.idx.msk [tilespmem:v21+s15+$0x0], $0xffff  }
0xf5: {  	v39 =	vld.idx.msk [tilespmem:v18+s15+$0x0], $0xffff  }
0xf6: {  	v18 =	vor.u32 v3, v20;
	v31 =	vld.idx.msk [tilespmem:v16+s15+$0x0], $0xffff  }
0xf7: {  	v30 =	vld.idx.msk [tilespmem:v22+s15+$0x0], $0xffff  }
0xf8: {  	v27 =	vld.idx.msk [tilespmem:v14+s15+$0x0], $0xffff  }
0xf9: {  	v41 =	vld.idx.msk [tilespmem:v17+s15+$0x0], $0xffff  }
0xfa: {  	v33 =	vld.idx.msk [tilespmem:v15+s15+$0x0], $0xffff  }
0xfb: {  	vm0 =	vle.f32 v25, v39;
	v32 =	vld.idx.msk [tilespmem:v18+s15+$0x0], $0xffff  }
0xfc: {  	vm1 =	vle.f32 v31, v25;
	v20 =	vsel vm0, $0x1, v9  }
0xfd: {  	v22 =	vsel vm1, $0x1, v9;
	vm1 =	vle.f32 v31, v39;
	vm0 =	vle.f32 v39, v30  }
0xfe: {  	vm3 =	vle.f32 v31, v30;
	vm2 =	vle.f32 v31, v27;
	v21 =	vsel vm0, $0x1, v9  }
0xff: {  	vm4 =	vle.f32 v41, v27;
	v42 =	vsel vm2, $0x1, v9;
	vm2 =	vle.f32 v25, v30  }
0x100: {  	v23 =	vsel vm3, $0x1, v9;
	vm6 =	vle.f32 v41, v30;
	vm0 =	vle.f32 v31, v33  }
0x101: {  	v34 =	vsel vm2, $0x1, v9;
	v24 =	vsel vm0, $0x1, v9;
	vm0 =	vle.f32 v32, v25  }
0x102: {  	v29 =	vsel vm1, $0x1, v9;
	vm2 =	vle.f32 v41, v25;
	vm1 =	vle.f32 v32, v30  }
0x103: {  	vm7 =	vle.f32 v39, v33;
	v38 =	vsel vm2, $0x1, v9;
	v26 =	vsel vm1, $0x1, v9  }
0x104: {  	vm5 =	vle.f32 v27, v30;
	vm3 =	vle.f32 v25, v33;
	vm1 =	vle.f32 v41, v33  }
0x105: {  	vm8 =	vle.f32 v27, v33;
	vm2 =	vle.f32 v32, v33;
	v40 =	vsel vm1, $0x1, v9  }
0x106: {  	vm9 =	vle.f32 v41, v39;
	v28 =	vsel vm3, $0x1, v9;
	vm1 =	vle.f32 v32, v39  }
0x107: {  	v37 =	vsel vm6, $0x1, v9;
	vm6 =	vle.f32 v31, v32;
	v43 =	vadd.s32 v24, v40  }
.Ltmp4:
0x108: {  	vm3 =	vle.f32 v41, v31;
	v35 =	vsel vm8, $0x1, v9;
	v31 =	vsel vm7, $0x1, v9;
	(pc) =	sbr.rel @p1 .LBB2_8-.Ltmp4, $4  }
0x109: {  	v44 =	vsel vm9, $0x1, v9;
	v46 =	vsel vm6, $0x1, v9;
	v45 =	vadd.s32 v20, v28  }
0x10a: {  	vm7 =	vle.f32 v27, v39;
	v36 =	vsel vm3, $0x1, v9;
	vm6 =	vle.f32 v41, v32  }
0x10b: {  	v47 =	vsel vm4, $0x1, v9;
	v41 =	vadd.s32 v35, v43;
	v43 =	vadd.s32 v34, v45  }
0x10c: {  	v39 =	vadd.s32 v42, v47;
	v45 =	vadd.s32 v42, v46;
	v42 =	vsel vm5, $0x1, v9  }
0x10d: {  	v19 =	vsel vm6, $0x1, v9  }
0x10e: {  	v48 =	vsel vm7, $0x1, v9;
	v49 =	vsel vm2, $0x1, v9;
	v50 =	vadd.s32 v22, v38  }
0x10f: {  	vm15 =	vle.f32 v27, v25;
	vm4 =	vle.f32 v33, v30;
	v56 =	vsel vm3, $0xFFFFFFFF, v8  }
0x110: {  	vm8 =	vle.f32 v27, v32;
	v58 =	vsel vm0, $0x1, v9;
	v59 =	vsel vm1, $0x1, v9  }
0x111: {  	v60 =	vadd.s32 v23, v37;
	v62 =	vadd.s32 v29, v44;
	v57 =	vsel vm15, $0x1, v9  }
0x112: {  	v33 =	vsel vm4, $0x1, v9;
	v46 =	vadd.s32 v46, v19;
	v51 =	vadd.s32 v58, v59  }
0x113: {  	v19 =	vadd.s32 v47, v19;
	v47 =	vadd.s32 v42, v60;
	v63 =	vsel vm8, $0x1, v9  }
0x114: {  	v60 =	vadd.s32 v31, v21;
	v50 =	vadd.s32 v57, v50;
	v51 =	vadd.s32 v49, v51  }
0x115: {  	v19 =	vadd.s32 v38, v19;
	v61 =	vadd.s32 v26, v47;
	v47 =	vadd.s32 v22, v45  }
0x116: {  	v52 =	vadd.s32 v63, v57;
	v57 =	vadd.s32 v63, v46;
	v19 =	vadd.s32 v44, v19  }
0x117: {  	v27 =	vadd.s32 v58, v50;
	v22 =	vadd.s32 v29, v47;
	v19 =	vadd.s32 v40, v19  }
0x118: {  	v53 =	vadd.s32 v48, v52;
	v22 =	vadd.s32 v24, v22;
	v19 =	vadd.s32 v37, v19  }
0x119: {  	v54 =	vadd.s32 v35, v53;
	v22 =	vadd.s32 v23, v22;
	vm9 =	vlt.s32 v56, v19  }
0x11a: {  	v34 =	vadd.s32 v34, v61;
	v55 =	vadd.s32 v42, v54;
	vm11 =	vlt.s32 v36, v22  }
0x11b: {  	v50 =	vadd.s32 v48, v62;
	v56 =	vadd.s32 v26, v51;
	vm12 =	vlt.s32 v39, v55  }
0x11c: {  	v58 =	vadd.s32 v59, v50;
	v59 =	vadd.s32 v49, v41;
	vm13 =	vlt.s32 v57, v56  }
0x11d: {  	vm10 =	vlt.s32 v27, v43;
	v61 =	vadd.s32 v28, v59;
	v19 =	vadd.s32 v20, v58  }
0x11e: {  	v62 =	vadd.s32 v21, v34;
	v22 =	vadd.s32 v31, v61;
	vm5 =	vlt.s32 v19, v60  }
0x11f: {  	v63 =	vadd.s32 v33, v62;
	vm14 =	vlt.s32 v22, v33;
	[tilespmem:v17+s17+$0x0] =	vst.idx.msk vm9, v10  }
0x120: {  	s10 =	sadd.s32 $0x1, s10;
	vm15 =	vlt.s32 v63, $0x0;
	[tilespmem:v16+s17+$0x0] =	vst.idx.msk vm11, v10  }
0x121: {  	p1 =	sne.s32 s10, $0x8;
	[tilespmem:v14+s17+$0x0] =	vst.idx.msk vm12, v10  }
.Ltmp5:
0x122: {  	[tilespmem:v18+s17+$0x0] =	vst.idx.msk vm13, v10;
	(pc) =	sbr.rel @p1 .LBB2_7-.Ltmp5, $4  }
0x123: {  	[tilespmem:v12+s17+$0x0] =	vst.idx.msk vm10, v10  }
0x124: {  	[tilespmem:v13+s17+$0x0] =	vst.idx.msk vm5, v10  }
0x125: {  	[tilespmem:v15+s17+$0x0] =	vst.idx.msk vm14, v10  }
0x126: {  	[tilespmem:v11+s17+$0x0] =	vst.idx.msk vm15, v10  }
0x127: {  	s7 =	sadd.s32 s7, s12  }
0x128: {  	[hbm4b:s7+s5] =	stream.linear.scatter [tilespmem:s17], [sflag:$0x8], $0x4000, $0x38;
	[tilespmem:$0x18000] =	vst v63  }
0x129: {  	s7 =	sor.u32 $0x800, s8  }
0x12a: {  	s9 =	sadd.s32 s2, s7  }
0x12b: {  	[tilespmem:s15], [sflag:$0x2] =	stream.linear.gather [hbm4b:s9+s5], $0x4000, $0x38;
	[tilespmem:$0x18000] =	vst v63  }
0x12c: {  	s9 =	simm.s32 @!p0 $0xA  }
0x12d: {  	_ =	swait.ge @!p0 [sflag:s9], $0x4000  }
0x12e: {  	[sflag:s9] =	ssyncset.done @!p0 $0x0  }
0x12f: {  	s10 =	sadd.s32 s1, s7;
	[sflag:s9] =	ssyncadd.s32 @!p0 $0xFFFFC000;
	s9 =	simm.s32 $0x0  }
0x130: {  	[tilespmem:s23], [sflag:$0x6] =	stream.linear.gather [hbm4b:s10+s9], $0x4000, $0x38;
	[tilespmem:$0x18000] =	vst v63  }
0x131: {  	_ =	swait.ge [sflag:s18], $0x4000  }
0x132: {  	[sflag:s18] =	ssyncset.done $0x0  }
0x133: {  	[sflag:s18] =	ssyncadd.s32 $0xFFFFC000  }
0x134: {  	_ =	swait.ge [sflag:s24], $0x4000  }
0x135: {  	[sflag:s24] =	ssyncset.done $0x0  }
0x136: {  	s10 =	simm.s32 $0x0;
	[sflag:s24] =	ssyncadd.s32 $0xFFFFC000  }
.LBB2_11:
0x137: {  	v11 =	vmov s10;
	v12 =	vmov s9  }
0x138: {  	v11 =	vshll.u32 v11, $0x7;
	v12 =	vshrl.u32 v12, $0x7  }
0x139: {  	v19 =	vand.u32 $0x380, v11;
	v11 =	vshll.u32 v12, $0xA  }
0x13a: {  	v11 =	vor.u32 v19, v11  }
0x13b: {  	v18 =	vbroadcast v11, $0x0;
	_ =	sdelay $0x1  }
0x13c: {  	v12 =	vor.u32 v4, v18  }
0x13d: {  	v13 =	vor.u32 v5, v18  }
0x13e: {  	v16 =	vor.u32 v1, v18  }
0x13f: {  	v11 =	vor.u32 v7, v18  }
0x140: {  	v14 =	vor.u32 v2, v18  }
0x141: {  	v17 =	vor.u32 v0, v18;
	v25 =	vld.idx.msk [tilespmem:v12+s5+$0x0], $0xffff  }
0x142: {  	v15 =	vor.u32 v6, v18;
	v39 =	vld.idx.msk [tilespmem:v13+s5+$0x0], $0xffff  }
0x143: {  	v31 =	vld.idx.msk [tilespmem:v16+s5+$0x0], $0xffff  }
0x144: {  	v30 =	vld.idx.msk [tilespmem:v11+s5+$0x0], $0xffff  }
0x145: {  	v27 =	vld.idx.msk [tilespmem:v14+s5+$0x0], $0xffff  }
0x146: {  	v18 =	vor.u32 v3, v18;
	v41 =	vld.idx.msk [tilespmem:v17+s5+$0x0], $0xffff  }
0x147: {  	v33 =	vld.idx.msk [tilespmem:v15+s5+$0x0], $0xffff;
	_ =	sdelay $0x2  }
0x148: {  	vm0 =	vle.f32 v25, v39;
	vm1 =	vle.f32 v31, v25;
	vm2 =	vle.f32 v31, v27  }
0x149: {  	v32 =	vld.idx.msk [tilespmem:v18+s5+$0x0], $0xffff;
	vm3 =	vle.f32 v31, v30;
	vm4 =	vle.f32 v41, v27;
	vm5 =	vle.f32 v41, v30  }
0x14a: {  	vm6 =	vle.f32 v39, v33;
	vm8 =	vle.f32 v27, v30;
	vm7 =	vle.f32 v27, v33  }
0x14b: {  	vm9 =	vle.f32 v41, v39;
	v20 =	vsel vm0, $0x1, v9;
	v22 =	vsel vm1, $0x1, v9  }
0x14c: {  	vm1 =	vle.f32 v31, v39;
	vm0 =	vle.f32 v39, v30;
	v42 =	vsel vm2, $0x1, v9  }
0x14d: {  	vm2 =	vle.f32 v25, v30;
	v23 =	vsel vm3, $0x1, v9;
	vm3 =	vle.f32 v25, v33  }
0x14e: {  	v37 =	vsel vm5, $0x1, v9;
	vm5 =	vle.f32 v31, v32;
	v35 =	vsel vm7, $0x1, v9  }
0x14f: {  	v44 =	vsel vm9, $0x1, v9;
	vm7 =	vle.f32 v27, v39;
	v47 =	vsel vm4, $0x1, v9  }
0x150: {  	v21 =	vsel vm0, $0x1, v9;
	vm0 =	vle.f32 v31, v33;
	v34 =	vsel vm2, $0x1, v9  }
0x151: {  	vm2 =	vle.f32 v41, v25;
	v29 =	vsel vm1, $0x1, v9;
	vm1 =	vle.f32 v32, v30  }
0x152: {  	v28 =	vsel vm3, $0x1, v9;
	vm3 =	vle.f32 v41, v31;
	v31 =	vsel vm6, $0x1, v9  }
0x153: {  	v46 =	vsel vm5, $0x1, v9;
	vm6 =	vle.f32 v41, v32;
	v24 =	vsel vm0, $0x1, v9  }
0x154: {  	vm0 =	vle.f32 v32, v25;
	v26 =	vsel vm1, $0x1, v9;
	vm1 =	vle.f32 v41, v33  }
0x155: {  	v38 =	vsel vm2, $0x1, v9;
	vm2 =	vle.f32 v32, v33;
	v40 =	vsel vm1, $0x1, v9  }
0x156: {  	v45 =	vadd.s32 v20, v28;
	v36 =	vsel vm3, $0x1, v9;
	v43 =	vadd.s32 v24, v40  }
0x157: {  	vm1 =	vle.f32 v32, v39;
	v39 =	vadd.s32 v42, v47;
	v41 =	vadd.s32 v35, v43  }
0x158: {  	s14 =	simm.s32 $0x80;
	v43 =	vadd.s32 v34, v45;
	v45 =	vadd.s32 v42, v46;
	v42 =	vsel vm8, $0x1, v9  }
.LBB2_12:
0x159: {  	p0 =	sne.s32 s14, $0x780;
	v48 =	vsel vm6, $0x1, v9;
	v49 =	vsel vm7, $0x1, v9;
	v50 =	vsel vm2, $0x1, v9;
	s26 =	smov.u32 s14;
	s14 =	sadd.s32 $0x80, s14  }
0x15a: {  	v51 =	vadd.s32 v22, v38;
	vm2 =	vle.f32 v27, v25;
	vm4 =	vle.f32 v33, v30  }
0x15b: {  	v25 =	vsel vm3, $0xFFFFFFFF, v8;
	v30 =	vsel vm2, $0x1, v9;
	v33 =	vsel vm4, $0x1, v9  }
0x15c: {  	vm2 =	vle.f32 v27, v32;
	v27 =	vsel vm0, $0x1, v9;
	v32 =	vsel vm1, $0x1, v9  }
0x15d: {  	v46 =	vadd.s32 v46, v48;
	v51 =	vadd.s32 v30, v51;
	v52 =	vadd.s32 v27, v32  }
0x15e: {  	v47 =	vadd.s32 v47, v48;
	v48 =	vadd.s32 v23, v37;
	v52 =	vadd.s32 v50, v52  }
0x15f: {  	v48 =	vadd.s32 v42, v48;
	v27 =	vadd.s32 v27, v51  }
0x160: {  	v38 =	vadd.s32 v38, v47;
	v47 =	vadd.s32 v26, v48  }
0x161: {  	v38 =	vadd.s32 v44, v38;
	v44 =	vadd.s32 v29, v44;
	v34 =	vadd.s32 v34, v47  }
0x162: {  	v38 =	vadd.s32 v40, v38;
	v40 =	vadd.s32 v49, v44;
	vm0 =	vlt.s32 v27, v43  }
0x163: {  	v27 =	vsel vm2, $0x1, v9;
	v32 =	vadd.s32 v32, v40;
	v34 =	vadd.s32 v21, v34  }
0x164: {  	v22 =	vadd.s32 v22, v45;
	v20 =	vadd.s32 v20, v32;
	v32 =	vadd.s32 v33, v34  }
0x165: {  	v22 =	vadd.s32 v29, v22;
	v26 =	vadd.s32 v26, v52;
	v34 =	vadd.s32 v37, v38  }
0x166: {  	v22 =	vadd.s32 v24, v22;
	v24 =	vadd.s32 v27, v30;
	v21 =	vadd.s32 v31, v21  }
0x167: {  	v22 =	vadd.s32 v23, v22;
	v23 =	vadd.s32 v49, v24;
	v24 =	vadd.s32 v50, v41  }
0x168: {  	v23 =	vadd.s32 v35, v23;
	v24 =	vadd.s32 v28, v24;
	vm1 =	vlt.s32 v25, v34  }
0x169: {  	vm2 =	vlt.s32 v36, v22;
	v23 =	vadd.s32 v42, v23;
	v24 =	vadd.s32 v31, v24  }
0x16a: {  	v22 =	vmov s26;
	v25 =	vadd.s32 v27, v46;
	vm3 =	vlt.s32 v39, v23  }
0x16b: {  	v22 =	vshrl.u32 v22, $0x7;
	vm5 =	vlt.s32 v20, v21;
	vm4 =	vlt.s32 v25, v26  }
0x16c: {  	v20 =	vshll.u32 v22, $0xA;
	vm7 =	vlt.s32 v32, $0x0;
	vm6 =	vlt.s32 v24, v33  }
0x16d: {  	v20 =	vor.u32 v19, v20  }
0x16e: {  	v20 =	vbroadcast v20, $0x0;
	[tilespmem:v17+s20+$0x0] =	vst.idx.msk vm1, v10  }
0x16f: {  	[tilespmem:v16+s20+$0x0] =	vst.idx.msk vm2, v10  }
0x170: {  	v17 =	vor.u32 v0, v20;
	[tilespmem:v14+s20+$0x0] =	vst.idx.msk vm3, v10;
	v14 =	vor.u32 v2, v20  }
0x171: {  	v21 =	vor.u32 v4, v20;
	v16 =	vor.u32 v1, v20;
	[tilespmem:v18+s20+$0x0] =	vst.idx.msk vm4, v10  }
0x172: {  	v18 =	vor.u32 v5, v20;
	[tilespmem:v12+s20+$0x0] =	vst.idx.msk vm0, v10;
	v12 =	vmov v21  }
0x173: {  	[tilespmem:v13+s20+$0x0] =	vst.idx.msk vm5, v10;
	v13 =	vmov v18  }
0x174: {  	v22 =	vor.u32 v7, v20;
	[tilespmem:v15+s20+$0x0] =	vst.idx.msk vm6, v10  }
0x175: {  	[tilespmem:v11+s20+$0x0] =	vst.idx.msk vm7, v10;
	v11 =	vmov v22  }
0x176: {  	v15 =	vor.u32 v6, v20;
	v25 =	vld.idx.msk [tilespmem:v21+s5+$0x0], $0xffff  }
0x177: {  	v39 =	vld.idx.msk [tilespmem:v18+s5+$0x0], $0xffff  }
0x178: {  	v18 =	vor.u32 v3, v20;
	v31 =	vld.idx.msk [tilespmem:v16+s5+$0x0], $0xffff  }
0x179: {  	v30 =	vld.idx.msk [tilespmem:v22+s5+$0x0], $0xffff  }
0x17a: {  	v27 =	vld.idx.msk [tilespmem:v14+s5+$0x0], $0xffff  }
0x17b: {  	v41 =	vld.idx.msk [tilespmem:v17+s5+$0x0], $0xffff  }
0x17c: {  	v33 =	vld.idx.msk [tilespmem:v15+s5+$0x0], $0xffff  }
0x17d: {  	vm0 =	vle.f32 v25, v39;
	v32 =	vld.idx.msk [tilespmem:v18+s5+$0x0], $0xffff  }
0x17e: {  	vm1 =	vle.f32 v31, v25;
	v20 =	vsel vm0, $0x1, v9  }
0x17f: {  	v22 =	vsel vm1, $0x1, v9;
	vm1 =	vle.f32 v31, v39;
	vm0 =	vle.f32 v39, v30  }
0x180: {  	vm3 =	vle.f32 v31, v30;
	vm2 =	vle.f32 v31, v27;
	v21 =	vsel vm0, $0x1, v9  }
0x181: {  	vm4 =	vle.f32 v41, v27;
	v42 =	vsel vm2, $0x1, v9;
	vm2 =	vle.f32 v25, v30  }
0x182: {  	v23 =	vsel vm3, $0x1, v9;
	vm6 =	vle.f32 v41, v30;
	vm0 =	vle.f32 v31, v33  }
0x183: {  	v34 =	vsel vm2, $0x1, v9;
	v24 =	vsel vm0, $0x1, v9;
	vm0 =	vle.f32 v32, v25  }
0x184: {  	v29 =	vsel vm1, $0x1, v9;
	vm2 =	vle.f32 v41, v25;
	vm1 =	vle.f32 v32, v30  }
0x185: {  	vm7 =	vle.f32 v39, v33;
	v38 =	vsel vm2, $0x1, v9;
	v26 =	vsel vm1, $0x1, v9  }
0x186: {  	vm5 =	vle.f32 v27, v30;
	vm3 =	vle.f32 v25, v33;
	vm1 =	vle.f32 v41, v33  }
0x187: {  	vm8 =	vle.f32 v27, v33;
	vm2 =	vle.f32 v32, v33;
	v40 =	vsel vm1, $0x1, v9  }
0x188: {  	vm9 =	vle.f32 v41, v39;
	v28 =	vsel vm3, $0x1, v9;
	vm1 =	vle.f32 v32, v39  }
0x189: {  	v37 =	vsel vm6, $0x1, v9;
	vm6 =	vle.f32 v31, v32;
	v43 =	vadd.s32 v24, v40  }
.Ltmp6:
0x18a: {  	vm3 =	vle.f32 v41, v31;
	v35 =	vsel vm8, $0x1, v9;
	v31 =	vsel vm7, $0x1, v9;
	(pc) =	sbr.rel @p0 .LBB2_12-.Ltmp6, $4  }
0x18b: {  	v44 =	vsel vm9, $0x1, v9;
	v46 =	vsel vm6, $0x1, v9;
	v45 =	vadd.s32 v20, v28  }
0x18c: {  	vm7 =	vle.f32 v27, v39;
	v36 =	vsel vm3, $0x1, v9;
	vm6 =	vle.f32 v41, v32  }
0x18d: {  	v47 =	vsel vm4, $0x1, v9;
	v41 =	vadd.s32 v35, v43;
	v43 =	vadd.s32 v34, v45  }
0x18e: {  	v39 =	vadd.s32 v42, v47;
	v45 =	vadd.s32 v42, v46;
	v42 =	vsel vm5, $0x1, v9  }
0x18f: {  	v19 =	vsel vm6, $0x1, v9  }
0x190: {  	v48 =	vsel vm7, $0x1, v9;
	v49 =	vsel vm2, $0x1, v9;
	v50 =	vadd.s32 v22, v38  }
0x191: {  	vm15 =	vle.f32 v27, v25;
	vm4 =	vle.f32 v33, v30;
	v56 =	vsel vm3, $0xFFFFFFFF, v8  }
0x192: {  	vm8 =	vle.f32 v27, v32;
	v58 =	vsel vm0, $0x1, v9;
	v59 =	vsel vm1, $0x1, v9  }
0x193: {  	v60 =	vadd.s32 v23, v37;
	v62 =	vadd.s32 v29, v44;
	v57 =	vsel vm15, $0x1, v9  }
0x194: {  	v33 =	vsel vm4, $0x1, v9;
	v46 =	vadd.s32 v46, v19;
	v51 =	vadd.s32 v58, v59  }
0x195: {  	v19 =	vadd.s32 v47, v19;
	v47 =	vadd.s32 v42, v60;
	v63 =	vsel vm8, $0x1, v9  }
0x196: {  	v60 =	vadd.s32 v31, v21;
	v50 =	vadd.s32 v57, v50;
	v51 =	vadd.s32 v49, v51  }
0x197: {  	v19 =	vadd.s32 v38, v19;
	v61 =	vadd.s32 v26, v47;
	v47 =	vadd.s32 v22, v45  }
0x198: {  	v52 =	vadd.s32 v63, v57;
	v57 =	vadd.s32 v63, v46;
	v19 =	vadd.s32 v44, v19  }
0x199: {  	v27 =	vadd.s32 v58, v50;
	v22 =	vadd.s32 v29, v47;
	v19 =	vadd.s32 v40, v19  }
0x19a: {  	v53 =	vadd.s32 v48, v52;
	v22 =	vadd.s32 v24, v22;
	v19 =	vadd.s32 v37, v19  }
0x19b: {  	v54 =	vadd.s32 v35, v53;
	v22 =	vadd.s32 v23, v22;
	vm9 =	vlt.s32 v56, v19  }
0x19c: {  	v34 =	vadd.s32 v34, v61;
	v55 =	vadd.s32 v42, v54;
	vm11 =	vlt.s32 v36, v22  }
0x19d: {  	v50 =	vadd.s32 v48, v62;
	v56 =	vadd.s32 v26, v51;
	vm12 =	vlt.s32 v39, v55  }
0x19e: {  	v58 =	vadd.s32 v59, v50;
	v59 =	vadd.s32 v49, v41;
	vm13 =	vlt.s32 v57, v56  }
0x19f: {  	vm10 =	vlt.s32 v27, v43;
	v61 =	vadd.s32 v28, v59;
	v19 =	vadd.s32 v20, v58  }
0x1a0: {  	v62 =	vadd.s32 v21, v34;
	v22 =	vadd.s32 v31, v61;
	vm5 =	vlt.s32 v19, v60  }
0x1a1: {  	v63 =	vadd.s32 v33, v62;
	vm14 =	vlt.s32 v22, v33;
	[tilespmem:v17+s20+$0x0] =	vst.idx.msk vm9, v10  }
0x1a2: {  	s10 =	sadd.s32 $0x1, s10;
	vm15 =	vlt.s32 v63, $0x0;
	[tilespmem:v16+s20+$0x0] =	vst.idx.msk vm11, v10  }
0x1a3: {  	p0 =	sne.s32 s10, $0x8;
	[tilespmem:v14+s20+$0x0] =	vst.idx.msk vm12, v10  }
.Ltmp7:
0x1a4: {  	[tilespmem:v18+s20+$0x0] =	vst.idx.msk vm13, v10;
	(pc) =	sbr.rel @p0 .LBB2_11-.Ltmp7, $4  }
0x1a5: {  	[tilespmem:v12+s20+$0x0] =	vst.idx.msk vm10, v10  }
0x1a6: {  	[tilespmem:v13+s20+$0x0] =	vst.idx.msk vm5, v10  }
0x1a7: {  	[tilespmem:v15+s20+$0x0] =	vst.idx.msk vm14, v10  }
0x1a8: {  	[tilespmem:v11+s20+$0x0] =	vst.idx.msk vm15, v10  }
0x1a9: {  	s8 =	sadd.s32 s4, s8;
	p0 =	seq.s32 s0, $0xF  }
0x1aa: {  	[hbm4b:s8+s5] =	stream.linear.scatter [tilespmem:s20], [sflag:$0x9], $0x4000, $0x38;
	[tilespmem:$0x18000] =	vst v63  }
0x1ab: {  	s8 =	sadd.s32 @!p0 s3, s13  }
0x1ac: {  	s10 =	simm.s32 @!p0 $0x0;
	s9 =	sadd.s32 @!p0 s2, s8  }
0x1ad: {  	[tilespmem:s10], [sflag:$0x1] =	stream.linear.gather @!p0 [hbm4b:s9+s10], $0x4000, $0x38;
	[tilespmem:$0x18000] =	vst v63  }
0x1ae: {  	s9 =	simm.s32 @!p0 $0x7  }
0x1af: {  	_ =	swait.ge @!p0 [sflag:s9], $0x4000  }
0x1b0: {  	[sflag:s9] =	ssyncset.done @!p0 $0x0  }
0x1b1: {  	s8 =	sadd.s32 @!p0 s1, s8;
	[sflag:s9] =	ssyncadd.s32 @!p0 $0xFFFFC000;
	s9 =	simm.s32 @!p0 $0x8000  }
0x1b2: {  	[tilespmem:s9], [sflag:$0x3] =	stream.linear.gather @!p0 [hbm4b:s8+s10], $0x4000, $0x38;
	[tilespmem:$0x18000] =	vst v63  }
0x1b3: {  	_ =	swait.ge [sflag:s21], $0x4000  }
0x1b4: {  	[sflag:s21] =	ssyncset.done $0x0  }
0x1b5: {  	[sflag:s21] =	ssyncadd.s32 $0xFFFFC000  }
0x1b6: {  	_ =	swait.ge [sflag:s25], $0x4000  }
0x1b7: {  	[sflag:s25] =	ssyncset.done $0x0  }
0x1b8: {  	s8 =	simm.s32 $0x0;
	s9 =	simm.s32 $0x0;
	[sflag:s25] =	ssyncadd.s32 $0xFFFFC000  }
.LBB2_15:
0x1b9: {  	v11 =	vmov s9;
	v12 =	vmov s8  }
0x1ba: {  	v11 =	vshll.u32 v11, $0x7;
	v12 =	vshrl.u32 v12, $0x7  }
0x1bb: {  	v19 =	vand.u32 $0x380, v11;
	v11 =	vshll.u32 v12, $0xA  }
0x1bc: {  	v11 =	vor.u32 v19, v11  }
0x1bd: {  	v18 =	vbroadcast v11, $0x0;
	_ =	sdelay $0x1  }
0x1be: {  	v12 =	vor.u32 v4, v18  }
0x1bf: {  	v13 =	vor.u32 v5, v18  }
0x1c0: {  	v16 =	vor.u32 v1, v18  }
0x1c1: {  	v11 =	vor.u32 v7, v18  }
0x1c2: {  	v14 =	vor.u32 v2, v18  }
0x1c3: {  	v17 =	vor.u32 v0, v18;
	v25 =	vld.idx.msk [tilespmem:v12+s15+$0x0], $0xffff  }
0x1c4: {  	v15 =	vor.u32 v6, v18;
	v39 =	vld.idx.msk [tilespmem:v13+s15+$0x0], $0xffff  }
0x1c5: {  	v31 =	vld.idx.msk [tilespmem:v16+s15+$0x0], $0xffff  }
0x1c6: {  	v30 =	vld.idx.msk [tilespmem:v11+s15+$0x0], $0xffff  }
0x1c7: {  	v27 =	vld.idx.msk [tilespmem:v14+s15+$0x0], $0xffff  }
0x1c8: {  	v18 =	vor.u32 v3, v18;
	v41 =	vld.idx.msk [tilespmem:v17+s15+$0x0], $0xffff  }
0x1c9: {  	v33 =	vld.idx.msk [tilespmem:v15+s15+$0x0], $0xffff;
	_ =	sdelay $0x2  }
0x1ca: {  	vm0 =	vle.f32 v25, v39;
	vm1 =	vle.f32 v31, v25;
	vm2 =	vle.f32 v31, v27  }
0x1cb: {  	v32 =	vld.idx.msk [tilespmem:v18+s15+$0x0], $0xffff;
	vm3 =	vle.f32 v31, v30;
	vm4 =	vle.f32 v41, v27;
	vm5 =	vle.f32 v41, v30  }
0x1cc: {  	vm6 =	vle.f32 v39, v33;
	vm8 =	vle.f32 v27, v30;
	vm7 =	vle.f32 v27, v33  }
0x1cd: {  	vm9 =	vle.f32 v41, v39;
	v20 =	vsel vm0, $0x1, v9;
	v22 =	vsel vm1, $0x1, v9  }
0x1ce: {  	vm1 =	vle.f32 v31, v39;
	vm0 =	vle.f32 v39, v30;
	v42 =	vsel vm2, $0x1, v9  }
0x1cf: {  	vm2 =	vle.f32 v25, v30;
	v23 =	vsel vm3, $0x1, v9;
	vm3 =	vle.f32 v25, v33  }
0x1d0: {  	v37 =	vsel vm5, $0x1, v9;
	vm5 =	vle.f32 v31, v32;
	v35 =	vsel vm7, $0x1, v9  }
0x1d1: {  	v44 =	vsel vm9, $0x1, v9;
	vm7 =	vle.f32 v27, v39;
	v47 =	vsel vm4, $0x1, v9  }
0x1d2: {  	v21 =	vsel vm0, $0x1, v9;
	vm0 =	vle.f32 v31, v33;
	v34 =	vsel vm2, $0x1, v9  }
0x1d3: {  	vm2 =	vle.f32 v41, v25;
	v29 =	vsel vm1, $0x1, v9;
	vm1 =	vle.f32 v32, v30  }
0x1d4: {  	v28 =	vsel vm3, $0x1, v9;
	vm3 =	vle.f32 v41, v31;
	v31 =	vsel vm6, $0x1, v9  }
0x1d5: {  	v46 =	vsel vm5, $0x1, v9;
	vm6 =	vle.f32 v41, v32;
	v24 =	vsel vm0, $0x1, v9  }
0x1d6: {  	vm0 =	vle.f32 v32, v25;
	v26 =	vsel vm1, $0x1, v9;
	vm1 =	vle.f32 v41, v33  }
0x1d7: {  	v38 =	vsel vm2, $0x1, v9;
	vm2 =	vle.f32 v32, v33;
	v40 =	vsel vm1, $0x1, v9  }
0x1d8: {  	v45 =	vadd.s32 v20, v28;
	v36 =	vsel vm3, $0x1, v9;
	v43 =	vadd.s32 v24, v40  }
0x1d9: {  	vm1 =	vle.f32 v32, v39;
	v39 =	vadd.s32 v42, v47;
	v41 =	vadd.s32 v35, v43  }
0x1da: {  	s10 =	simm.s32 $0x80;
	v43 =	vadd.s32 v34, v45;
	v45 =	vadd.s32 v42, v46;
	v42 =	vsel vm8, $0x1, v9  }
.LBB2_16:
0x1db: {  	p1 =	sne.s32 s10, $0x780;
	v48 =	vsel vm6, $0x1, v9;
	v49 =	vsel vm7, $0x1, v9;
	v50 =	vsel vm2, $0x1, v9;
	s14 =	smov.u32 s10;
	s10 =	sadd.s32 $0x80, s10  }
0x1dc: {  	v51 =	vadd.s32 v22, v38;
	vm2 =	vle.f32 v27, v25;
	vm4 =	vle.f32 v33, v30  }
0x1dd: {  	v25 =	vsel vm3, $0xFFFFFFFF, v8;
	v30 =	vsel vm2, $0x1, v9;
	v33 =	vsel vm4, $0x1, v9  }
0x1de: {  	vm2 =	vle.f32 v27, v32;
	v27 =	vsel vm0, $0x1, v9;
	v32 =	vsel vm1, $0x1, v9  }
0x1df: {  	v46 =	vadd.s32 v46, v48;
	v51 =	vadd.s32 v30, v51;
	v52 =	vadd.s32 v27, v32  }
0x1e0: {  	v47 =	vadd.s32 v47, v48;
	v48 =	vadd.s32 v23, v37;
	v52 =	vadd.s32 v50, v52  }
0x1e1: {  	v48 =	vadd.s32 v42, v48;
	v27 =	vadd.s32 v27, v51  }
0x1e2: {  	v38 =	vadd.s32 v38, v47;
	v47 =	vadd.s32 v26, v48  }
0x1e3: {  	v38 =	vadd.s32 v44, v38;
	v44 =	vadd.s32 v29, v44;
	v34 =	vadd.s32 v34, v47  }
0x1e4: {  	v38 =	vadd.s32 v40, v38;
	v40 =	vadd.s32 v49, v44;
	vm0 =	vlt.s32 v27, v43  }
0x1e5: {  	v27 =	vsel vm2, $0x1, v9;
	v32 =	vadd.s32 v32, v40;
	v34 =	vadd.s32 v21, v34  }
0x1e6: {  	v22 =	vadd.s32 v22, v45;
	v20 =	vadd.s32 v20, v32;
	v32 =	vadd.s32 v33, v34  }
0x1e7: {  	v22 =	vadd.s32 v29, v22;
	v26 =	vadd.s32 v26, v52;
	v34 =	vadd.s32 v37, v38  }
0x1e8: {  	v22 =	vadd.s32 v24, v22;
	v24 =	vadd.s32 v27, v30;
	v21 =	vadd.s32 v31, v21  }
0x1e9: {  	v22 =	vadd.s32 v23, v22;
	v23 =	vadd.s32 v49, v24;
	v24 =	vadd.s32 v50, v41  }
0x1ea: {  	v23 =	vadd.s32 v35, v23;
	v24 =	vadd.s32 v28, v24;
	vm1 =	vlt.s32 v25, v34  }
0x1eb: {  	vm2 =	vlt.s32 v36, v22;
	v23 =	vadd.s32 v42, v23;
	v24 =	vadd.s32 v31, v24  }
0x1ec: {  	v22 =	vmov s14;
	v25 =	vadd.s32 v27, v46;
	vm3 =	vlt.s32 v39, v23  }
0x1ed: {  	v22 =	vshrl.u32 v22, $0x7;
	vm5 =	vlt.s32 v20, v21;
	vm4 =	vlt.s32 v25, v26  }
0x1ee: {  	v20 =	vshll.u32 v22, $0xA;
	vm7 =	vlt.s32 v32, $0x0;
	vm6 =	vlt.s32 v24, v33  }
0x1ef: {  	v20 =	vor.u32 v19, v20  }
0x1f0: {  	v20 =	vbroadcast v20, $0x0;
	[tilespmem:v17+s23+$0x0] =	vst.idx.msk vm1, v10  }
0x1f1: {  	[tilespmem:v16+s23+$0x0] =	vst.idx.msk vm2, v10  }
0x1f2: {  	v17 =	vor.u32 v0, v20;
	[tilespmem:v14+s23+$0x0] =	vst.idx.msk vm3, v10;
	v14 =	vor.u32 v2, v20  }
0x1f3: {  	v21 =	vor.u32 v4, v20;
	v16 =	vor.u32 v1, v20;
	[tilespmem:v18+s23+$0x0] =	vst.idx.msk vm4, v10  }
0x1f4: {  	v18 =	vor.u32 v5, v20;
	[tilespmem:v12+s23+$0x0] =	vst.idx.msk vm0, v10;
	v12 =	vmov v21  }
0x1f5: {  	[tilespmem:v13+s23+$0x0] =	vst.idx.msk vm5, v10;
	v13 =	vmov v18  }
0x1f6: {  	v22 =	vor.u32 v7, v20;
	[tilespmem:v15+s23+$0x0] =	vst.idx.msk vm6, v10  }
0x1f7: {  	[tilespmem:v11+s23+$0x0] =	vst.idx.msk vm7, v10;
	v11 =	vmov v22  }
0x1f8: {  	v15 =	vor.u32 v6, v20;
	v25 =	vld.idx.msk [tilespmem:v21+s15+$0x0], $0xffff  }
0x1f9: {  	v39 =	vld.idx.msk [tilespmem:v18+s15+$0x0], $0xffff  }
0x1fa: {  	v18 =	vor.u32 v3, v20;
	v31 =	vld.idx.msk [tilespmem:v16+s15+$0x0], $0xffff  }
0x1fb: {  	v30 =	vld.idx.msk [tilespmem:v22+s15+$0x0], $0xffff  }
0x1fc: {  	v27 =	vld.idx.msk [tilespmem:v14+s15+$0x0], $0xffff  }
0x1fd: {  	v41 =	vld.idx.msk [tilespmem:v17+s15+$0x0], $0xffff  }
0x1fe: {  	v33 =	vld.idx.msk [tilespmem:v15+s15+$0x0], $0xffff  }
0x1ff: {  	vm0 =	vle.f32 v25, v39;
	v32 =	vld.idx.msk [tilespmem:v18+s15+$0x0], $0xffff  }
0x200: {  	vm1 =	vle.f32 v31, v25;
	v20 =	vsel vm0, $0x1, v9  }
0x201: {  	v22 =	vsel vm1, $0x1, v9;
	vm1 =	vle.f32 v31, v39;
	vm0 =	vle.f32 v39, v30  }
0x202: {  	vm3 =	vle.f32 v31, v30;
	vm2 =	vle.f32 v31, v27;
	v21 =	vsel vm0, $0x1, v9  }
0x203: {  	vm4 =	vle.f32 v41, v27;
	v42 =	vsel vm2, $0x1, v9;
	vm2 =	vle.f32 v25, v30  }
0x204: {  	v23 =	vsel vm3, $0x1, v9;
	vm6 =	vle.f32 v41, v30;
	vm0 =	vle.f32 v31, v33  }
0x205: {  	v34 =	vsel vm2, $0x1, v9;
	v24 =	vsel vm0, $0x1, v9;
	vm0 =	vle.f32 v32, v25  }
0x206: {  	v29 =	vsel vm1, $0x1, v9;
	vm2 =	vle.f32 v41, v25;
	vm1 =	vle.f32 v32, v30  }
0x207: {  	vm7 =	vle.f32 v39, v33;
	v38 =	vsel vm2, $0x1, v9;
	v26 =	vsel vm1, $0x1, v9  }
0x208: {  	vm5 =	vle.f32 v27, v30;
	vm3 =	vle.f32 v25, v33;
	vm1 =	vle.f32 v41, v33  }
0x209: {  	vm8 =	vle.f32 v27, v33;
	vm2 =	vle.f32 v32, v33;
	v40 =	vsel vm1, $0x1, v9  }
0x20a: {  	vm9 =	vle.f32 v41, v39;
	v28 =	vsel vm3, $0x1, v9;
	vm1 =	vle.f32 v32, v39  }
0x20b: {  	v37 =	vsel vm6, $0x1, v9;
	vm6 =	vle.f32 v31, v32;
	v43 =	vadd.s32 v24, v40  }
.Ltmp8:
0x20c: {  	vm3 =	vle.f32 v41, v31;
	v35 =	vsel vm8, $0x1, v9;
	v31 =	vsel vm7, $0x1, v9;
	(pc) =	sbr.rel @p1 .LBB2_16-.Ltmp8, $4  }
0x20d: {  	v44 =	vsel vm9, $0x1, v9;
	v46 =	vsel vm6, $0x1, v9;
	v45 =	vadd.s32 v20, v28  }
0x20e: {  	vm7 =	vle.f32 v27, v39;
	v36 =	vsel vm3, $0x1, v9;
	vm6 =	vle.f32 v41, v32  }
0x20f: {  	v47 =	vsel vm4, $0x1, v9;
	v41 =	vadd.s32 v35, v43;
	v43 =	vadd.s32 v34, v45  }
0x210: {  	v39 =	vadd.s32 v42, v47;
	v45 =	vadd.s32 v42, v46;
	v42 =	vsel vm5, $0x1, v9  }
0x211: {  	v19 =	vsel vm6, $0x1, v9  }
0x212: {  	v48 =	vsel vm7, $0x1, v9;
	v49 =	vsel vm2, $0x1, v9;
	v50 =	vadd.s32 v22, v38  }
0x213: {  	vm15 =	vle.f32 v27, v25;
	vm4 =	vle.f32 v33, v30;
	v56 =	vsel vm3, $0xFFFFFFFF, v8  }
0x214: {  	vm8 =	vle.f32 v27, v32;
	v58 =	vsel vm0, $0x1, v9;
	v59 =	vsel vm1, $0x1, v9  }
0x215: {  	v60 =	vadd.s32 v23, v37;
	v62 =	vadd.s32 v29, v44;
	v57 =	vsel vm15, $0x1, v9  }
0x216: {  	v33 =	vsel vm4, $0x1, v9;
	v46 =	vadd.s32 v46, v19;
	v51 =	vadd.s32 v58, v59  }
0x217: {  	v19 =	vadd.s32 v47, v19;
	v47 =	vadd.s32 v42, v60;
	v63 =	vsel vm8, $0x1, v9  }
0x218: {  	v60 =	vadd.s32 v31, v21;
	v50 =	vadd.s32 v57, v50;
	v51 =	vadd.s32 v49, v51  }
0x219: {  	v19 =	vadd.s32 v38, v19;
	v61 =	vadd.s32 v26, v47;
	v47 =	vadd.s32 v22, v45  }
0x21a: {  	v52 =	vadd.s32 v63, v57;
	v57 =	vadd.s32 v63, v46;
	v19 =	vadd.s32 v44, v19  }
0x21b: {  	v27 =	vadd.s32 v58, v50;
	v22 =	vadd.s32 v29, v47;
	v19 =	vadd.s32 v40, v19  }
0x21c: {  	v53 =	vadd.s32 v48, v52;
	v22 =	vadd.s32 v24, v22;
	v19 =	vadd.s32 v37, v19  }
0x21d: {  	v54 =	vadd.s32 v35, v53;
	v22 =	vadd.s32 v23, v22;
	vm9 =	vlt.s32 v56, v19  }
0x21e: {  	v34 =	vadd.s32 v34, v61;
	v55 =	vadd.s32 v42, v54;
	vm11 =	vlt.s32 v36, v22  }
0x21f: {  	v50 =	vadd.s32 v48, v62;
	v56 =	vadd.s32 v26, v51;
	vm12 =	vlt.s32 v39, v55  }
0x220: {  	v58 =	vadd.s32 v59, v50;
	v59 =	vadd.s32 v49, v41;
	vm13 =	vlt.s32 v57, v56  }
0x221: {  	vm10 =	vlt.s32 v27, v43;
	v61 =	vadd.s32 v28, v59;
	v19 =	vadd.s32 v20, v58  }
0x222: {  	v62 =	vadd.s32 v21, v34;
	v22 =	vadd.s32 v31, v61;
	vm5 =	vlt.s32 v19, v60  }
0x223: {  	v63 =	vadd.s32 v33, v62;
	vm14 =	vlt.s32 v22, v33;
	[tilespmem:v17+s23+$0x0] =	vst.idx.msk vm9, v10  }
0x224: {  	s9 =	sadd.s32 $0x1, s9;
	vm15 =	vlt.s32 v63, $0x0;
	[tilespmem:v16+s23+$0x0] =	vst.idx.msk vm11, v10  }
0x225: {  	p1 =	sne.s32 s9, $0x8;
	[tilespmem:v14+s23+$0x0] =	vst.idx.msk vm12, v10  }
.Ltmp9:
0x226: {  	[tilespmem:v18+s23+$0x0] =	vst.idx.msk vm13, v10;
	(pc) =	sbr.rel @p1 .LBB2_15-.Ltmp9, $4  }
0x227: {  	[tilespmem:v12+s23+$0x0] =	vst.idx.msk vm10, v10  }
0x228: {  	[tilespmem:v13+s23+$0x0] =	vst.idx.msk vm5, v10  }
0x229: {  	[tilespmem:v15+s23+$0x0] =	vst.idx.msk vm14, v10  }
0x22a: {  	[tilespmem:v11+s23+$0x0] =	vst.idx.msk vm15, v10  }
.Ltmp10:
0x22b: {  	(pc) =	sbr.rel @p0 .LBB2_20-.Ltmp10, $3  }
0x22c: {  	_ =	sdelay $0x1  }
0x22d: {  	s7 =	sadd.s32 s4, s7  }
0x22e: {  	[hbm4b:s7+s5] =	stream.linear.scatter [tilespmem:s23], [sflag:$0xA], $0x4000, $0x38;
	[tilespmem:$0x18000] =	vst v63  }
0x22f: {  	s3 =	sadd.s32 s13, s3  }
0x230: {  	s3 =	sor.u32 $0x800, s3  }
0x231: {  	s7 =	sadd.s32 s2, s3  }
0x232: {  	[tilespmem:s15], [sflag:$0x2] =	stream.linear.gather [hbm4b:s7+s5], $0x4000, $0x38;
	[tilespmem:$0x18000] =	vst v63  }
.Ltmp11:
0x233: {  	_ = 	snop;
	(pc) =	sbr.rel .LBB2_2-.Ltmp11, $4  }
0x234: {  	_ =	swait.ge [sflag:s28], $0x4000  }
0x235: {  	[sflag:s28] =	ssyncset.done $0x0  }
0x236: {  	s0 =	sadd.s32 $0x1, s0;
	s3 =	sadd.s32 s1, s3;
	[sflag:s28] =	ssyncadd.s32 $0xFFFFC000  }
0x237: {  	[tilespmem:s17], [sflag:$0x4] =	stream.linear.gather [hbm4b:s3+s5], $0x4000, $0x38;
	[tilespmem:$0x18000] =	vst v63  }
.LBB2_21:
0x238: {  	_ =	sfence.sel $0x180000  }
0x239: {  	[bflag:$0x0] =	sbarrier.arrive $0xFFFF  }
0x23a: {  	_ =	strace $0x90000047  }
0x23b: {  	s0 =	stileid.u32;
	[bflag:$0x2] =	sbarrier.arrive $0xFFFF  }
0x23c: {  	p0 =	sne.s32 s0, $0x0;
	s0 =	rddreg [dreg:$0x3]  }
0x23d: {  	s0 =	sadd.s32 @!p0 $0x100000, s0  }
0x23e: {  	[sflag:s0] =	ssyncadd.tile.s32 @!p0 $0x1;
	_ =	shalt  }
.Lfunc_end2:
_tile_overlayer_lowered:
.L_overlay_start_2:
0x23f: {  	(tag) =	ssettag $0x2  }
0x240: {  	s0 =	rddreg [dreg:$0x0];
	s2 =	stileid.u32  }
0x241: {  	s1 =	rddreg [dreg:$0x1];
	p0 =	sne.s32 s2, $0x0  }
0x242: {  	s3 =	rddreg [dreg:$0x2];
	[bflag:$0x3] =	sbarrier.arrive $0xFFFF;
	s2 =	simm.s32 @!p0 $0x1C0B  }
0x243: {  	[timem:s3], [sflag:s2] =	dma.local @!p0 [hbm:s0], s1  }
0x244: {  	s0 =	simm.s32 @!p0 $0xB  }
0x245: {  	_ =	swait.ge @!p0 [sflag:s0], s1  }
0x246: {  	s1 =	ssub.s32 @!p0 $0x0, s1;
	[sflag:s0] =	ssyncset.done @!p0 $0x0  }
0x247: {  	[sflag:s0] =	ssyncadd.s32 @!p0 s1  }
0x248: {  	[bflag:$0x3] =	sbarrier.arrive $0xFFFF  }
0x249: {  	_ =	shalt  }

</sc_bundles>
